<compile_context>
chip_gen: v7x
topology: tpu7x:2x2x1
jax: 0.10.2.dev20260603
libtpu: 0.0.44.dev20260713+nightly
codegen_flags: <defaults>
</compile_context>

<pallas_src>
import functools

import jax
import jax.numpy as jnp
from jax import lax
from jax.experimental import pallas as pl
from jax.experimental.pallas import tpu as pltpu
from jax.experimental.pallas import tpu_sc as plsc

N_VOCAB = 1_000_000
N_EMBED = 64
BATCH = 16384
N_SAMPLES = 3
N_ROWS = BATCH * N_SAMPLES

J_SC = 229_376
J_TC = N_VOCAB - J_SC
I_BLK = 8
J_BLK = 1024

SC_CHUNK = 8192
SC_UNROLL = 2

def _rotl(x, d):
    return lax.shift_left(x, jnp.int32(d)) | lax.shift_right_logical(
        x, jnp.int32(32 - d))


def _threefry_rounds(x0, x1, rots):
    for r in rots:
        x0 = x0 + x1
        x1 = _rotl(x1, r)
        x1 = x0 ^ x1
    return x0, x1


def _hash_bits(x0, x1):
    ks2 = jnp.int32(0x1BD11BDA ^ 42)
    r0 = (13, 15, 26, 6)
    r1 = (17, 29, 16, 24)
    x0, x1 = _threefry_rounds(x0, x1, r0)
    x0, x1 = x0 + jnp.int32(42), x1 + (ks2 + jnp.int32(1))
    x0, x1 = _threefry_rounds(x0, x1, r1)
    x0, x1 = x0 + ks2, x1 + jnp.int32(2)
    x0, x1 = _threefry_rounds(x0, x1, r0)
    x0, x1 = x0, x1 + jnp.int32(42 + 3)
    x0, x1 = _threefry_rounds(x0, x1, r1)
    x0, x1 = x0 + jnp.int32(42), x1 + (ks2 + jnp.int32(4))
    x0, x1 = _threefry_rounds(x0, x1, r0)
    x0, x1 = x0 + ks2, x1 + jnp.int32(5)
    return x0 ^ x1


def _u32(x):
    return lax.bitcast_convert_type(x, jnp.uint32)


def _sample_body(ip_ref, idx_ref, val_ref, *, n_vocab,
                 j_blk, j_trip, i_blk):
    pid = pl.program_id(0)
    row = lax.broadcasted_iota(jnp.int32, (i_blk, 1), 0)
    iglob = pid * i_blk + row
    base_lo = iglob * jnp.int32(n_vocab)
    base_hi = lax.shift_right_logical(iglob * jnp.int32(n_vocab // 64),
                                      jnp.int32(26))
    thresh = _u32(~base_lo)
    base_hi1 = base_hi + jnp.int32(1)

    lane = lax.broadcasted_iota(jnp.int32, (i_blk, j_blk), 1)
    e_base = (base_lo + jnp.int32(42)) + lane

    def body(jc, carry):
        run_val, run_idx = carry
        jb = jc * jnp.int32(j_blk)
        j = lane + jb
        x1 = e_base + jb
        carry_m = _u32(j) > thresh
        x0 = jnp.where(carry_m, base_hi1, base_hi)
        bits = _hash_bits(x0, x1)
        fm = lax.shift_right_logical(bits, jnp.int32(9)) | jnp.int32(
            0x3F800000)
        f = lax.bitcast_convert_type(fm, jnp.float32) - jnp.float32(1.0)
        val = jnp.log(f) * ip_ref[0, pl.ds(jc * j_blk, j_blk)][None, :]
        upd = val > run_val
        run_val = jnp.where(upd, val, run_val)
        run_idx = jnp.where(upd, j, run_idx)
        return run_val, run_idx

    init = (jnp.full((i_blk, j_blk), -jnp.inf, jnp.float32),
            jnp.zeros((i_blk, j_blk), jnp.int32))
    run_val, run_idx = lax.fori_loop(0, j_trip, body, init, unroll=2)
    m = jnp.max(run_val, axis=1, keepdims=True)
    cand = jnp.where(run_val == m, run_idx, jnp.int32(2147483647))
    idx_ref[0, :, :] = jnp.min(cand, axis=1, keepdims=True)
    val_ref[0, :, :] = m


def _make_tc_sampler(n_rows, n_classes, i_blk, j_blk):
    j_trip = -(-n_classes // j_blk)
    j_pad = j_trip * j_blk
    grid = n_rows // i_blk
    body = functools.partial(_sample_body, n_vocab=N_VOCAB, j_blk=j_blk,
                             j_trip=j_trip, i_blk=i_blk)
    return pl.pallas_call(
        body,
        grid=(grid,),
        in_specs=[pl.BlockSpec((1, j_pad), lambda i: (0, 0))],
        out_specs=[pl.BlockSpec((1, i_blk, 1), lambda i: (i, 0, 0)),
                   pl.BlockSpec((1, i_blk, 1), lambda i: (i, 0, 0))],
        out_shape=[jax.ShapeDtypeStruct((grid, i_blk, 1), jnp.int32),
                   jax.ShapeDtypeStruct((grid, i_blk, 1), jnp.float32)],
        compiler_params=pltpu.CompilerParams(
            dimension_semantics=("arbitrary",)),
    ), j_pad


def _ln_poly(f):
    z = lax.bitcast_convert_type(f, jnp.int32)
    e2 = lax.shift_right_logical(z, jnp.int32(23)) - jnp.int32(127)
    man = z & jnp.int32(0x7FFFFF)
    adj = man >= jnp.int32(0x3504F3)
    e2 = jnp.where(adj, e2 + jnp.int32(1), e2)
    g = lax.bitcast_convert_type(man | jnp.int32(0x3F800000), jnp.float32)
    g = jnp.where(adj, g * jnp.float32(0.5), g)
    r = g - jnp.float32(1.0)
    s = r / (g + jnp.float32(1.0))
    s2 = s * s
    p = jnp.float32(2.0 / 9.0)
    p = p * s2 + jnp.float32(2.0 / 7.0)
    p = p * s2 + jnp.float32(2.0 / 5.0)
    p = p * s2 + jnp.float32(2.0 / 3.0)
    p = p * s2 + jnp.float32(2.0)
    return e2.astype(jnp.float32) * jnp.float32(0.6931471805599453) + s * p


def _make_sc_sampler():
    info = plsc.get_sparse_core_info()
    nw = info.num_cores * info.num_subcores
    rows_w = N_ROWS // nw
    n_super = J_SC // SC_CHUNK
    j_inner = SC_CHUNK // (16 * SC_UNROLL)

    mesh = plsc.VectorSubcoreMesh(core_axis_name="c", subcore_axis_name="s")

    @functools.partial(
        pl.kernel,
        mesh=mesh,
        compiler_params=pltpu.CompilerParams(use_tc_tiling_on_sc=False,
                                             needs_layout_passes=False),
        out_type=[
            jax.ShapeDtypeStruct((N_ROWS,), jnp.float32),
            jax.ShapeDtypeStruct((N_ROWS,), jnp.int32),
        ],
        scratch_types=[
            pltpu.VMEM((SC_CHUNK,), jnp.float32),
            pltpu.VMEM((rows_w,), jnp.float32),
            pltpu.VMEM((rows_w,), jnp.int32),
            pltpu.VMEM((rows_w,), jnp.int32),
            pltpu.VMEM((rows_w,), jnp.int32),
            pltpu.VMEM((rows_w,), jnp.int32),
            pltpu.SemaphoreType.DMA,
        ],
    )
    def sampler(ip_hbm, blo_hbm, th_hbm, hi_hbm, val_out, idx_out,
                ipbuf, runv, runi, blov, thv, hiv, sem):
        wid = lax.axis_index("s") * info.num_cores + lax.axis_index("c")
        rowbase = wid * rows_w
        lane = lax.iota(jnp.int32, 16)
        lane0 = lane == jnp.int32(0)

        pltpu.sync_copy(blo_hbm.at[pl.ds(rowbase, rows_w)], blov)
        pltpu.sync_copy(th_hbm.at[pl.ds(rowbase, rows_w)], thv)
        pltpu.sync_copy(hi_hbm.at[pl.ds(rowbase, rows_w)], hiv)

        def init_g(g, _):
            runv[pl.ds(g * 16, 16)] = jnp.full((16,), -jnp.inf, jnp.float32)
            runi[pl.ds(g * 16, 16)] = jnp.zeros((16,), jnp.int32)
            return 0

        lax.fori_loop(0, rows_w // 16, init_g, 0)

        def super_body(sc, _):
            pltpu.sync_copy(ip_hbm.at[pl.ds(sc * SC_CHUNK, SC_CHUNK)], ipbuf)
            jsc0 = jnp.int32(J_TC) + sc * jnp.int32(SC_CHUNK)

            def row_body(r, _):
                rsp = jnp.full((16,), r, jnp.int32)
                blo42 = plsc.load_gather(blov, [rsp])
                thresh = _u32(plsc.load_gather(thv, [rsp]))
                base_hi = plsc.load_gather(hiv, [rsp])
                base_hi1 = base_hi + jnp.int32(1)
                rv = plsc.load_gather(runv, [rsp])
                ri = plsc.load_gather(runi, [rsp])

                def j_body(t, carry):
                    rv, ri = carry
                    for u in range(SC_UNROLL):
                        jloc = t * jnp.int32(16 * SC_UNROLL) + jnp.int32(
                            u * 16)
                        jv = (jsc0 + jloc) + lane
                        x1 = blo42 + jv
                        carry_m = _u32(jv) > thresh
                        x0 = jnp.where(carry_m, base_hi1, base_hi)
                        bits = _hash_bits(x0, x1)
                        fm = lax.shift_right_logical(
                            bits, jnp.int32(9)) | jnp.int32(0x3F800000)
                        f = lax.bitcast_convert_type(
                            fm, jnp.float32) - jnp.float32(1.0)
                        ip = ipbuf[pl.ds(jloc, 16)]
                        val = _ln_poly(f) * ip
                        upd = val > rv
                        rv = jnp.where(upd, val, rv)
                        ri = jnp.where(upd, jv, ri)
                    return rv, ri

                rv, ri = lax.fori_loop(0, j_inner, j_body, (rv, ri))
                m = jnp.max(rv)
                msp = jnp.full((16,), m, jnp.float32)
                cand = jnp.where(rv == msp, ri, jnp.int32(2147483647))
                mi = jnp.min(cand)
                plsc.store_scatter(runv, [rsp], msp, mask=lane0)
                plsc.store_scatter(runi, [rsp],
                                   jnp.full((16,), mi, jnp.int32),
                                   mask=lane0)
                return 0

            lax.fori_loop(0, rows_w, row_body, 0)
            return 0

        lax.fori_loop(0, n_super, super_body, 0)
        pltpu.sync_copy(runv, val_out.at[pl.ds(rowbase, rows_w)])
        pltpu.sync_copy(runi, idx_out.at[pl.ds(rowbase, rows_w)])

    return sampler


def _sc_gather_io(in_embed, out_embed, input_words, output_words):
    info = plsc.get_sparse_core_info()
    nw = info.num_cores * info.num_subcores
    b_io = BATCH // nw

    mesh = plsc.VectorSubcoreMesh(core_axis_name="c", subcore_axis_name="s")

    @functools.partial(
        pl.kernel,
        mesh=mesh,
        compiler_params=pltpu.CompilerParams(use_tc_tiling_on_sc=False),
        out_type=[
            jax.ShapeDtypeStruct((BATCH, N_EMBED), jnp.float32),
            jax.ShapeDtypeStruct((BATCH, N_EMBED), jnp.float32),
        ],
        scratch_types=[
            pltpu.VMEM((b_io,), jnp.int32),
            pltpu.VMEM((b_io, N_EMBED), jnp.float32),
            pltpu.SemaphoreType.DMA,
        ],
    )
    def gather(in_hbm, out_hbm, iw_hbm, ow_hbm, iv_out, ov_out, idx_v,
               rows_v, sem):
        wid = lax.axis_index("s") * info.num_cores + lax.axis_index("c")
        base = wid * b_io
        pltpu.sync_copy(iw_hbm.at[pl.ds(base, b_io)], idx_v)
        pltpu.async_copy(in_hbm.at[idx_v], rows_v, sem).wait()
        pltpu.sync_copy(rows_v, iv_out.at[pl.ds(base, b_io)])
        pltpu.sync_copy(ow_hbm.at[pl.ds(base, b_io)], idx_v)
        pltpu.async_copy(out_hbm.at[idx_v], rows_v, sem).wait()
        pltpu.sync_copy(rows_v, ov_out.at[pl.ds(base, b_io)])

    return gather(in_embed, out_embed, input_words, output_words)


def _sc_merge_gather_noise(out_embed, tc_val, tc_idx, sc_val, sc_idx):
    info = plsc.get_sparse_core_info()
    nw = info.num_cores * info.num_subcores
    b_nz = N_ROWS // nw
    n_chunk = b_nz // 512

    mesh = plsc.VectorSubcoreMesh(core_axis_name="c", subcore_axis_name="s")

    @functools.partial(
        pl.kernel,
        mesh=mesh,
        compiler_params=pltpu.CompilerParams(use_tc_tiling_on_sc=False),
        out_type=jax.ShapeDtypeStruct((N_ROWS, N_EMBED), jnp.float32),
        scratch_types=[
            pltpu.VMEM((b_nz,), jnp.float32),
            pltpu.VMEM((b_nz,), jnp.int32),
            pltpu.VMEM((b_nz,), jnp.float32),
            pltpu.VMEM((b_nz,), jnp.int32),
            pltpu.VMEM((512, N_EMBED), jnp.float32),
            pltpu.SemaphoreType.DMA,
        ],
    )
    def gather(out_hbm, tcv_hbm, tci_hbm, scv_hbm, sci_hbm, nv_out,
               tcv, tci, scv, sci, rows_v, sem):
        wid = lax.axis_index("s") * info.num_cores + lax.axis_index("c")
        base = wid * b_nz
        pltpu.sync_copy(tcv_hbm.at[pl.ds(base, b_nz)], tcv)
        pltpu.sync_copy(tci_hbm.at[pl.ds(base, b_nz)], tci)
        pltpu.sync_copy(scv_hbm.at[pl.ds(base, b_nz)], scv)
        pltpu.sync_copy(sci_hbm.at[pl.ds(base, b_nz)], sci)

        def merge_g(g, _):
            sl = pl.ds(g * 16, 16)
            pick_tc = tcv[sl] >= scv[sl]
            tci[sl] = jnp.where(pick_tc, tci[sl], sci[sl])
            return 0

        lax.fori_loop(0, b_nz // 16, merge_g, 0)
        for k in range(n_chunk):
            pltpu.async_copy(
                out_hbm.at[tci.at[pl.ds(k * 512, 512)]], rows_v, sem).wait()
            pltpu.sync_copy(rows_v,
                            nv_out.at[pl.ds(base + k * 512, 512)])

    return gather(out_embed, tc_val, tc_idx, sc_val, sc_idx)


def kernel(input_words, output_words, in_embed, out_embed, noise_dist):
    tc_sampler, j_pad = _make_tc_sampler(N_ROWS, J_TC, I_BLK, J_BLK)
    sc_sampler = _make_sc_sampler()
    ip = 1.0 / noise_dist
    ip_tc = jnp.concatenate(
        [ip[:J_TC], jnp.full((j_pad - J_TC,), 1e30, jnp.float32)])[None, :]
    ip_sc = ip[J_TC:]
    rows = jnp.arange(N_ROWS, dtype=jnp.int32)
    base_lo = rows * jnp.int32(N_VOCAB)
    blo42 = base_lo + jnp.int32(42)
    thresh = ~base_lo
    base_hi = jnp.right_shift(rows * jnp.int32(N_VOCAB // 64), 26)
    tc_idx, tc_val = tc_sampler(ip_tc)
    sc_val, sc_idx = sc_sampler(ip_sc, blo42, thresh, base_hi)
    iv, ov = _sc_gather_io(in_embed, out_embed,
                           input_words.astype(jnp.int32),
                           output_words.astype(jnp.int32))
    nv = _sc_merge_gather_noise(out_embed, tc_val.reshape(N_ROWS),
                                tc_idx.reshape(N_ROWS), sc_val, sc_idx)
    return iv, ov, nv.reshape(BATCH, N_SAMPLES, N_EMBED)

# --- scband reference (transcript-rebuilt; emitter-appended) ---
"""Pipeline reference for scband-skip-gram-neg-7000796693157 (READ-ONLY COPY).

The authoritative reference and input builder live on the scoring server;
editing this copy changes nothing except your own understanding.
"""

import jax, jax.numpy as jnp
import numpy as np

N_VOCAB = 1000000
N_EMBED = 64
BATCH = 16384
N_SAMPLES = 3


def setup_inputs(seed: int = 0) -> dict:
    key = jax.random.key(seed)
    k1, k2, k3, k4, k5 = jax.random.split(key, 5)
    input_words = jax.random.randint(k1, (BATCH,), 0, N_VOCAB, dtype=jnp.int64 if jax.config.jax_enable_x64 else jnp.int32)
    output_words = jax.random.randint(k2, (BATCH,), 0, N_VOCAB, dtype=jnp.int64 if jax.config.jax_enable_x64 else jnp.int32)
    # Embedding tables initialized uniform(-1, 1) as in the torch module
    in_embed = jax.random.uniform(k3, (N_VOCAB, N_EMBED), minval=-1.0, maxval=1.0, dtype=jnp.float32)
    out_embed = jax.random.uniform(k4, (N_VOCAB, N_EMBED), minval=-1.0, maxval=1.0, dtype=jnp.float32)
    # noise_dist = unigram**0.75 normalized (constructor arg of the module)
    freqs = jax.random.uniform(k5, (N_VOCAB,), minval=0.0, maxval=1.0, dtype=jnp.float32) + 1e-6
    unigram = freqs / freqs.sum()
    p = unigram ** 0.75
    noise_dist = p / p.sum()
    return {
        "input_words": input_words,
        "output_words": output_words,
        "in_embed": in_embed,
        "out_embed": out_embed,
        "noise_dist": noise_dist,
    }


def reference(input_words, output_words, in_embed, out_embed, noise_dist):
    # forward_input: in_embed lookup
    input_vectors = jnp.take(in_embed, input_words, axis=0)
    # forward_output: out_embed lookup
    output_vectors = jnp.take(out_embed, output_words, axis=0)
    # forward_noise: multinomial(noise_dist, size*N_SAMPLES, replacement=True)
    size = input_words.shape[0]
    logits = jnp.log(noise_dist)
    noise_words = jax.random.categorical(jax.random.key(42), logits, shape=(size * N_SAMPLES,))
    noise_vectors = jnp.take(out_embed, noise_words, axis=0).reshape(size, N_SAMPLES, N_EMBED)
    return (input_vectors, output_vectors, noise_vectors)

if __name__ == "__main__":
    import jax
    _d = setup_inputs()
    print(jax.jit(kernel)(*tuple(_d.values())))

</pallas_src>

<mosaic_0001>
#map = affine_map<(d0, d1) -> (0)>
module attributes {stable_mosaic.version = 14 : i64} {
  func.func @sampler(%arg0: i32, %arg1: i32, %arg2: memref<229376xf32, #tpu.memory_space<hbm>>, %arg3: memref<49152xi32, #tpu.memory_space<hbm>>, %arg4: memref<49152xi32, #tpu.memory_space<hbm>>, %arg5: memref<49152xi32, #tpu.memory_space<hbm>>, %arg6: memref<49152xf32, #tpu.memory_space<hbm>>, %arg7: memref<49152xi32, #tpu.memory_space<hbm>>, %arg8: memref<8192xf32, #tpu.memory_space<vmem>>, %arg9: memref<1536xf32, #tpu.memory_space<vmem>>, %arg10: memref<1536xi32, #tpu.memory_space<vmem>>, %arg11: memref<1536xi32, #tpu.memory_space<vmem>>, %arg12: memref<1536xi32, #tpu.memory_space<vmem>>, %arg13: memref<1536xi32, #tpu.memory_space<vmem>>, %arg14: memref<!tpu.dma_semaphore, #tpu.memory_space<semaphore_mem>>) attributes {dimension_semantics = [#tpu.dimension_semantics<core_parallel>, #tpu.dimension_semantics<subcore_parallel>], iteration_bounds = array<i64: 2, 16>, scalar_prefetch = 0 : i64, scratch_operands = 7 : i64, tpu.core_type = #tpu.core_type<sc_vector_subcore>, window_params = [{transform_indices = #map}, {transform_indices = #map}, {transform_indices = #map}, {transform_indices = #map}, {transform_indices = #map}, {transform_indices = #map}]} {
    %mul3A = arith.constant 2 : i32
    %mul3A_0 = arith.muli %arg1, %mul3A : i32
    %add3A = arith.addi %mul3A_0, %arg0 : i32
    %mul3A_1 = arith.constant 1536 : i32
    %mul3A_2 = arith.muli %add3A, %mul3A_1 : i32
    %iota3A = tpu.iota {dimensions = array<i32: 0>} : vector<16xi32>
    %eq3A = arith.constant 0 : i32
    %eq3A_3 = vector.broadcast %eq3A : i32 to vector<16xi32>
    %eq3A_4 = arith.cmpi eq, %iota3A, %eq3A_3 : vector<16xi32>
    "tpu.region"() ({
      %run_scoped3A = tpu.sem_alloc : memref<!tpu.dma_semaphore, #tpu.memory_space<semaphore_mem>>
      %dma_start3A = tpu.memref_slice %arg3[%mul3A_2] : memref<49152xi32, #tpu.memory_space<hbm>> -> memref<1536xi32, #tpu.memory_space<hbm>>
      %dma_start3A_18 = tpu.memref_slice %arg3[%mul3A_2] : memref<49152xi32, #tpu.memory_space<hbm>> -> memref<1536xi32, #tpu.memory_space<hbm>>
      tpu.enqueue_dma source(%dma_start3A_18 : memref<1536xi32, #tpu.memory_space<hbm>>) target(%arg11 : memref<1536xi32, #tpu.memory_space<vmem>>) target_semaphore(%run_scoped3A : memref<!tpu.dma_semaphore, #tpu.memory_space<semaphore_mem>>)
      %dma_wait3A = tpu.memref_slice %arg3[%mul3A_2] : memref<49152xi32, #tpu.memory_space<hbm>> -> memref<1536xi32, #tpu.memory_space<hbm>>
      %dma_wait3A_19 = tpu.memref_slice %arg3[%mul3A_2] : memref<49152xi32, #tpu.memory_space<hbm>> -> memref<1536xi32, #tpu.memory_space<hbm>>
      tpu.wait_dma2 semaphore(%run_scoped3A : memref<!tpu.dma_semaphore, #tpu.memory_space<semaphore_mem>>) src(%dma_wait3A_19 : memref<1536xi32, #tpu.memory_space<hbm>>) dst(%arg11 : memref<1536xi32, #tpu.memory_space<vmem>>)
      tpu.yield
    }) : () -> ()
    "tpu.region"() ({
      %run_scoped3A = tpu.sem_alloc : memref<!tpu.dma_semaphore, #tpu.memory_space<semaphore_mem>>
      %dma_start3A = tpu.memref_slice %arg4[%mul3A_2] : memref<49152xi32, #tpu.memory_space<hbm>> -> memref<1536xi32, #tpu.memory_space<hbm>>
      %dma_start3A_18 = tpu.memref_slice %arg4[%mul3A_2] : memref<49152xi32, #tpu.memory_space<hbm>> -> memref<1536xi32, #tpu.memory_space<hbm>>
      tpu.enqueue_dma source(%dma_start3A_18 : memref<1536xi32, #tpu.memory_space<hbm>>) target(%arg12 : memref<1536xi32, #tpu.memory_space<vmem>>) target_semaphore(%run_scoped3A : memref<!tpu.dma_semaphore, #tpu.memory_space<semaphore_mem>>)
      %dma_wait3A = tpu.memref_slice %arg4[%mul3A_2] : memref<49152xi32, #tpu.memory_space<hbm>> -> memref<1536xi32, #tpu.memory_space<hbm>>
      %dma_wait3A_19 = tpu.memref_slice %arg4[%mul3A_2] : memref<49152xi32, #tpu.memory_space<hbm>> -> memref<1536xi32, #tpu.memory_space<hbm>>
      tpu.wait_dma2 semaphore(%run_scoped3A : memref<!tpu.dma_semaphore, #tpu.memory_space<semaphore_mem>>) src(%dma_wait3A_19 : memref<1536xi32, #tpu.memory_space<hbm>>) dst(%arg12 : memref<1536xi32, #tpu.memory_space<vmem>>)
      tpu.yield
    }) : () -> ()
    "tpu.region"() ({
      %run_scoped3A = tpu.sem_alloc : memref<!tpu.dma_semaphore, #tpu.memory_space<semaphore_mem>>
      %dma_start3A = tpu.memref_slice %arg5[%mul3A_2] : memref<49152xi32, #tpu.memory_space<hbm>> -> memref<1536xi32, #tpu.memory_space<hbm>>
      %dma_start3A_18 = tpu.memref_slice %arg5[%mul3A_2] : memref<49152xi32, #tpu.memory_space<hbm>> -> memref<1536xi32, #tpu.memory_space<hbm>>
      tpu.enqueue_dma source(%dma_start3A_18 : memref<1536xi32, #tpu.memory_space<hbm>>) target(%arg13 : memref<1536xi32, #tpu.memory_space<vmem>>) target_semaphore(%run_scoped3A : memref<!tpu.dma_semaphore, #tpu.memory_space<semaphore_mem>>)
      %dma_wait3A = tpu.memref_slice %arg5[%mul3A_2] : memref<49152xi32, #tpu.memory_space<hbm>> -> memref<1536xi32, #tpu.memory_space<hbm>>
      %dma_wait3A_19 = tpu.memref_slice %arg5[%mul3A_2] : memref<49152xi32, #tpu.memory_space<hbm>> -> memref<1536xi32, #tpu.memory_space<hbm>>
      tpu.wait_dma2 semaphore(%run_scoped3A : memref<!tpu.dma_semaphore, #tpu.memory_space<semaphore_mem>>) src(%dma_wait3A_19 : memref<1536xi32, #tpu.memory_space<hbm>>) dst(%arg13 : memref<1536xi32, #tpu.memory_space<vmem>>)
      tpu.yield
    }) : () -> ()
    %scan3A = arith.constant 0 : i32
    %scan3A_5 = arith.constant 0 : i32
    %scan3A_6 = arith.constant 96 : i32
    %scan3A_7 = arith.addi %scan3A_5, %scan3A_6 : i32
    %scan3A_8 = arith.constant 1 : i32
    %scan3A_9 = scf.for %scan3A_18 = %scan3A_5 to %scan3A_7 step %scan3A_8 iter_args(%scan3A_19 = %scan3A) -> (i32)  : i32 {
      %broadcast_in_dim3A = arith.constant 0xFF800000 : f32
      %broadcast_in_dim3A_20 = vector.broadcast %broadcast_in_dim3A : f32 to vector<16xf32>
      %mul3A_21 = arith.constant 16 : i32
      %mul3A_22 = arith.muli %scan3A_18, %mul3A_21 : i32
      %swap3A = arith.index_cast %mul3A_22 : i32 to index
      %swap3A_23 = tpu.vector_load %arg9[%swap3A] {strides = array<i32>} : memref<1536xf32, #tpu.memory_space<vmem>>, vector<16xf32>,
      tpu.vector_store %arg9[%swap3A], %broadcast_in_dim3A_20 {strides = array<i32>} : memref<1536xf32, #tpu.memory_space<vmem>>, vector<16xf32>,
      %broadcast_in_dim3A_24 = arith.constant 0 : i32
      %broadcast_in_dim3A_25 = vector.broadcast %broadcast_in_dim3A_24 : i32 to vector<16xi32>
      %mul3A_26 = arith.constant 16 : i32
      %mul3A_27 = arith.muli %scan3A_18, %mul3A_26 : i32
      %swap3A_28 = arith.index_cast %mul3A_27 : i32 to index
      %swap3A_29 = tpu.vector_load %arg10[%swap3A_28] {strides = array<i32>} : memref<1536xi32, #tpu.memory_space<vmem>>, vector<16xi32>,
      tpu.vector_store %arg10[%swap3A_28], %broadcast_in_dim3A_25 {strides = array<i32>} : memref<1536xi32, #tpu.memory_space<vmem>>, vector<16xi32>,
      %scan3A_30 = arith.constant 0 : i32
      scf.yield %scan3A_30 : i32
    }
    %scan3A_10 = arith.constant 96 : i32
    %scan3A_11 = arith.constant 0 : i32
    %scan3A_12 = arith.constant 0 : i32
    %scan3A_13 = arith.constant 28 : i32
    %scan3A_14 = arith.addi %scan3A_12, %scan3A_13 : i32
    %scan3A_15 = arith.constant 1 : i32
    %scan3A_16 = scf.for %scan3A_18 = %scan3A_12 to %scan3A_14 step %scan3A_15 iter_args(%scan3A_19 = %scan3A_11) -> (i32)  : i32 {
      %mul3A_20 = arith.constant 8192 : i32
      %mul3A_21 = arith.muli %scan3A_18, %mul3A_20 : i32
      "tpu.region"() ({
        %run_scoped3A = tpu.sem_alloc : memref<!tpu.dma_semaphore, #tpu.memory_space<semaphore_mem>>
        %dma_start3A = tpu.memref_slice %arg2[%mul3A_21] : memref<229376xf32, #tpu.memory_space<hbm>> -> memref<8192xf32, #tpu.memory_space<hbm>>
        %dma_start3A_34 = tpu.memref_slice %arg2[%mul3A_21] : memref<229376xf32, #tpu.memory_space<hbm>> -> memref<8192xf32, #tpu.memory_space<hbm>>
        tpu.enqueue_dma source(%dma_start3A_34 : memref<8192xf32, #tpu.memory_space<hbm>>) target(%arg8 : memref<8192xf32, #tpu.memory_space<vmem>>) target_semaphore(%run_scoped3A : memref<!tpu.dma_semaphore, #tpu.memory_space<semaphore_mem>>)
        %dma_wait3A = tpu.memref_slice %arg2[%mul3A_21] : memref<229376xf32, #tpu.memory_space<hbm>> -> memref<8192xf32, #tpu.memory_space<hbm>>
        %dma_wait3A_35 = tpu.memref_slice %arg2[%mul3A_21] : memref<229376xf32, #tpu.memory_space<hbm>> -> memref<8192xf32, #tpu.memory_space<hbm>>
        tpu.wait_dma2 semaphore(%run_scoped3A : memref<!tpu.dma_semaphore, #tpu.memory_space<semaphore_mem>>) src(%dma_wait3A_35 : memref<8192xf32, #tpu.memory_space<hbm>>) dst(%arg8 : memref<8192xf32, #tpu.memory_space<vmem>>)
        tpu.yield
      }) : () -> ()
      %mul3A_22 = arith.constant 8192 : i32
      %mul3A_23 = arith.muli %scan3A_18, %mul3A_22 : i32
      %add3A_24 = arith.constant 770624 : i32
      %add3A_25 = arith.addi %add3A_24, %mul3A_23 : i32
      %scan3A_26 = arith.constant 0 : i32
      %scan3A_27 = arith.constant 0 : i32
      %scan3A_28 = arith.constant 1536 : i32
      %scan3A_29 = arith.addi %scan3A_27, %scan3A_28 : i32
      %scan3A_30 = arith.constant 1 : i32
      %scan3A_31 = scf.for %scan3A_34 = %scan3A_27 to %scan3A_29 step %scan3A_30 iter_args(%scan3A_35 = %scan3A_26) -> (i32)  : i32 {
        %broadcast_in_dim3A = vector.broadcast %scan3A_34 : i32 to vector<16xi32>
        %gather3A = tpu.vector_load_idx %arg11[%broadcast_in_dim3A] : memref<1536xi32, #tpu.memory_space<vmem>>[vector<16xi32>], vector<16xi32>,
        %gather3A_36 = tpu.vector_load_idx %arg12[%broadcast_in_dim3A] : memref<1536xi32, #tpu.memory_space<vmem>>[vector<16xi32>], vector<16xi32>,
        %bitcast_convert_type3A = tpu.bitcast %gather3A_36 : vector<16xi32> -> vector<16xi32>
        %gather3A_37 = tpu.vector_load_idx %arg13[%broadcast_in_dim3A] : memref<1536xi32, #tpu.memory_space<vmem>>[vector<16xi32>], vector<16xi32>,
        %add3A_38 = arith.constant 1 : i32
        %add3A_39 = vector.broadcast %add3A_38 : i32 to vector<16xi32>
        %add3A_40 = arith.addi %gather3A_37, %add3A_39 : vector<16xi32>
        %gather3A_41 = tpu.vector_load_idx %arg9[%broadcast_in_dim3A] : memref<1536xf32, #tpu.memory_space<vmem>>[vector<16xi32>], vector<16xf32>,
        %gather3A_42 = tpu.vector_load_idx %arg10[%broadcast_in_dim3A] : memref<1536xi32, #tpu.memory_space<vmem>>[vector<16xi32>], vector<16xi32>,
        %scan3A_43 = arith.constant 0 : i32
        %scan3A_44 = arith.constant 256 : i32
        %scan3A_45 = arith.addi %scan3A_43, %scan3A_44 : i32
        %scan3A_46 = arith.constant 1 : i32
        %scan3A_47:2 = scf.for %scan3A_64 = %scan3A_43 to %scan3A_45 step %scan3A_46 iter_args(%scan3A_65 = %gather3A_41, %scan3A_66 = %gather3A_42) -> (vector<16xf32>, vector<16xi32>)  : i32 {
          %mul3A_67 = arith.constant 32 : i32
          %mul3A_68 = arith.muli %scan3A_64, %mul3A_67 : i32
          %add3A_69 = arith.constant 0 : i32
          %add3A_70 = arith.addi %mul3A_68, %add3A_69 : i32
          %add3A_71 = arith.addi %add3A_25, %add3A_70 : i32
          %add3A_72 = vector.broadcast %add3A_71 : i32 to vector<16xi32>
          %add3A_73 = arith.addi %add3A_72, %iota3A : vector<16xi32>
          %add3A_74 = arith.addi %gather3A, %add3A_73 : vector<16xi32>
          %bitcast_convert_type3A_75 = tpu.bitcast %add3A_73 : vector<16xi32> -> vector<16xi32>
          %gt3A = arith.cmpi ugt, %bitcast_convert_type3A_75, %bitcast_convert_type3A : vector<16xi32>
          %select_n3A_76 = arith.select %gt3A, %add3A_40, %gather3A_37 : vector<16xi1>, vector<16xi32>
          %add3A_77 = arith.addi %select_n3A_76, %add3A_74 : vector<16xi32>
          %shift_left3A = arith.constant 13 : i32
          %shift_left3A_78 = vector.broadcast %shift_left3A : i32 to vector<16xi32>
          %shift_left3A_79 = arith.shli %add3A_74, %shift_left3A_78 : vector<16xi32>
          %shift_right_logical3A = arith.constant 19 : i32
          %shift_right_logical3A_80 = vector.broadcast %shift_right_logical3A : i32 to vector<16xi32>
          %shift_right_logical3A_81 = arith.shrui %add3A_74, %shift_right_logical3A_80 : vector<16xi32>
          %or3A = arith.ori %shift_left3A_79, %shift_right_logical3A_81 : vector<16xi32>
          %xor3A = arith.xori %add3A_77, %or3A : vector<16xi32>
          %add3A_82 = arith.addi %add3A_77, %xor3A : vector<16xi32>
          %shift_left3A_83 = arith.constant 15 : i32
          %shift_left3A_84 = vector.broadcast %shift_left3A_83 : i32 to vector<16xi32>
          %shift_left3A_85 = arith.shli %xor3A, %shift_left3A_84 : vector<16xi32>
          %shift_right_logical3A_86 = arith.constant 17 : i32
          %shift_right_logical3A_87 = vector.broadcast %shift_right_logical3A_86 : i32 to vector<16xi32>
          %shift_right_logical3A_88 = arith.shrui %xor3A, %shift_right_logical3A_87 : vector<16xi32>
          %or3A_89 = arith.ori %shift_left3A_85, %shift_right_logical3A_88 : vector<16xi32>
          %xor3A_90 = arith.xori %add3A_82, %or3A_89 : vector<16xi32>
          %add3A_91 = arith.addi %add3A_82, %xor3A_90 : vector<16xi32>
          %shift_left3A_92 = arith.constant 26 : i32
          %shift_left3A_93 = vector.broadcast %shift_left3A_92 : i32 to vector<16xi32>
          %shift_left3A_94 = arith.shli %xor3A_90, %shift_left3A_93 : vector<16xi32>
          %shift_right_logical3A_95 = arith.constant 6 : i32
          %shift_right_logical3A_96 = vector.broadcast %shift_right_logical3A_95 : i32 to vector<16xi32>
          %shift_right_logical3A_97 = arith.shrui %xor3A_90, %shift_right_logical3A_96 : vector<16xi32>
          %or3A_98 = arith.ori %shift_left3A_94, %shift_right_logical3A_97 : vector<16xi32>
          %xor3A_99 = arith.xori %add3A_91, %or3A_98 : vector<16xi32>
          %add3A_100 = arith.addi %add3A_91, %xor3A_99 : vector<16xi32>
          %shift_left3A_101 = arith.constant 6 : i32
          %shift_left3A_102 = vector.broadcast %shift_left3A_101 : i32 to vector<16xi32>
          %shift_left3A_103 = arith.shli %xor3A_99, %shift_left3A_102 : vector<16xi32>
          %shift_right_logical3A_104 = arith.constant 26 : i32
          %shift_right_logical3A_105 = vector.broadcast %shift_right_logical3A_104 : i32 to vector<16xi32>
          %shift_right_logical3A_106 = arith.shrui %xor3A_99, %shift_right_logical3A_105 : vector<16xi32>
          %or3A_107 = arith.ori %shift_left3A_103, %shift_right_logical3A_106 : vector<16xi32>
          %xor3A_108 = arith.xori %add3A_100, %or3A_107 : vector<16xi32>
          %add3A_109 = arith.constant 42 : i32
          %add3A_110 = vector.broadcast %add3A_109 : i32 to vector<16xi32>
          %add3A_111 = arith.addi %add3A_100, %add3A_110 : vector<16xi32>
          %add3A_112 = arith.constant 466689008 : i32
          %add3A_113 = arith.constant 1 : i32
          %add3A_114 = arith.addi %add3A_112, %add3A_113 : i32
          %add3A_115 = vector.broadcast %add3A_114 : i32 to vector<16xi32>
          %add3A_116 = arith.addi %xor3A_108, %add3A_115 : vector<16xi32>
          %add3A_117 = arith.addi %add3A_111, %add3A_116 : vector<16xi32>
          %shift_left3A_118 = arith.constant 17 : i32
          %shift_left3A_119 = vector.broadcast %shift_left3A_118 : i32 to vector<16xi32>
          %shift_left3A_120 = arith.shli %add3A_116, %shift_left3A_119 : vector<16xi32>
          %shift_right_logical3A_121 = arith.constant 15 : i32
          %shift_right_logical3A_122 = vector.broadcast %shift_right_logical3A_121 : i32 to vector<16xi32>
          %shift_right_logical3A_123 = arith.shrui %add3A_116, %shift_right_logical3A_122 : vector<16xi32>
          %or3A_124 = arith.ori %shift_left3A_120, %shift_right_logical3A_123 : vector<16xi32>
          %xor3A_125 = arith.xori %add3A_117, %or3A_124 : vector<16xi32>
          %add3A_126 = arith.addi %add3A_117, %xor3A_125 : vector<16xi32>
          %shift_left3A_127 = arith.constant 29 : i32
          %shift_left3A_128 = vector.broadcast %shift_left3A_127 : i32 to vector<16xi32>
          %shift_left3A_129 = arith.shli %xor3A_125, %shift_left3A_128 : vector<16xi32>
          %shift_right_logical3A_130 = arith.constant 3 : i32
          %shift_right_logical3A_131 = vector.broadcast %shift_right_logical3A_130 : i32 to vector<16xi32>
          %shift_right_logical3A_132 = arith.shrui %xor3A_125, %shift_right_logical3A_131 : vector<16xi32>
          %or3A_133 = arith.ori %shift_left3A_129, %shift_right_logical3A_132 : vector<16xi32>
          %xor3A_134 = arith.xori %add3A_126, %or3A_133 : vector<16xi32>
          %add3A_135 = arith.addi %add3A_126, %xor3A_134 : vector<16xi32>
          %shift_left3A_136 = arith.constant 16 : i32
          %shift_left3A_137 = vector.broadcast %shift_left3A_136 : i32 to vector<16xi32>
          %shift_left3A_138 = arith.shli %xor3A_134, %shift_left3A_137 : vector<16xi32>
          %shift_right_logical3A_139 = arith.constant 16 : i32
          %shift_right_logical3A_140 = vector.broadcast %shift_right_logical3A_139 : i32 to vector<16xi32>
          %shift_right_logical3A_141 = arith.shrui %xor3A_134, %shift_right_logical3A_140 : vector<16xi32>
          %or3A_142 = arith.ori %shift_left3A_138, %shift_right_logical3A_141 : vector<16xi32>
          %xor3A_143 = arith.xori %add3A_135, %or3A_142 : vector<16xi32>
          %add3A_144 = arith.addi %add3A_135, %xor3A_143 : vector<16xi32>
          %shift_left3A_145 = arith.constant 24 : i32
          %shift_left3A_146 = vector.broadcast %shift_left3A_145 : i32 to vector<16xi32>
          %shift_left3A_147 = arith.shli %xor3A_143, %shift_left3A_146 : vector<16xi32>
          %shift_right_logical3A_148 = arith.constant 8 : i32
          %shift_right_logical3A_149 = vector.broadcast %shift_right_logical3A_148 : i32 to vector<16xi32>
          %shift_right_logical3A_150 = arith.shrui %xor3A_143, %shift_right_logical3A_149 : vector<16xi32>
          %or3A_151 = arith.ori %shift_left3A_147, %shift_right_logical3A_150 : vector<16xi32>
          %xor3A_152 = arith.xori %add3A_144, %or3A_151 : vector<16xi32>
          %add3A_153 = arith.constant 466689008 : i32
          %add3A_154 = vector.broadcast %add3A_153 : i32 to vector<16xi32>
          %add3A_155 = arith.addi %add3A_144, %add3A_154 : vector<16xi32>
          %add3A_156 = arith.constant 2 : i32
          %add3A_157 = vector.broadcast %add3A_156 : i32 to vector<16xi32>
          %add3A_158 = arith.addi %xor3A_152, %add3A_157 : vector<16xi32>
          %add3A_159 = arith.addi %add3A_155, %add3A_158 : vector<16xi32>
          %shift_left3A_160 = arith.constant 13 : i32
          %shift_left3A_161 = vector.broadcast %shift_left3A_160 : i32 to vector<16xi32>
          %shift_left3A_162 = arith.shli %add3A_158, %shift_left3A_161 : vector<16xi32>
          %shift_right_logical3A_163 = arith.constant 19 : i32
          %shift_right_logical3A_164 = vector.broadcast %shift_right_logical3A_163 : i32 to vector<16xi32>
          %shift_right_logical3A_165 = arith.shrui %add3A_158, %shift_right_logical3A_164 : vector<16xi32>
          %or3A_166 = arith.ori %shift_left3A_162, %shift_right_logical3A_165 : vector<16xi32>
          %xor3A_167 = arith.xori %add3A_159, %or3A_166 : vector<16xi32>
          %add3A_168 = arith.addi %add3A_159, %xor3A_167 : vector<16xi32>
          %shift_left3A_169 = arith.constant 15 : i32
          %shift_left3A_170 = vector.broadcast %shift_left3A_169 : i32 to vector<16xi32>
          %shift_left3A_171 = arith.shli %xor3A_167, %shift_left3A_170 : vector<16xi32>
          %shift_right_logical3A_172 = arith.constant 17 : i32
          %shift_right_logical3A_173 = vector.broadcast %shift_right_logical3A_172 : i32 to vector<16xi32>
          %shift_right_logical3A_174 = arith.shrui %xor3A_167, %shift_right_logical3A_173 : vector<16xi32>
          %or3A_175 = arith.ori %shift_left3A_171, %shift_right_logical3A_174 : vector<16xi32>
          %xor3A_176 = arith.xori %add3A_168, %or3A_175 : vector<16xi32>
          %add3A_177 = arith.addi %add3A_168, %xor3A_176 : vector<16xi32>
          %shift_left3A_178 = arith.constant 26 : i32
          %shift_left3A_179 = vector.broadcast %shift_left3A_178 : i32 to vector<16xi32>
          %shift_left3A_180 = arith.shli %xor3A_176, %shift_left3A_179 : vector<16xi32>
          %shift_right_logical3A_181 = arith.constant 6 : i32
          %shift_right_logical3A_182 = vector.broadcast %shift_right_logical3A_181 : i32 to vector<16xi32>
          %shift_right_logical3A_183 = arith.shrui %xor3A_176, %shift_right_logical3A_182 : vector<16xi32>
          %or3A_184 = arith.ori %shift_left3A_180, %shift_right_logical3A_183 : vector<16xi32>
          %xor3A_185 = arith.xori %add3A_177, %or3A_184 : vector<16xi32>
          %add3A_186 = arith.addi %add3A_177, %xor3A_185 : vector<16xi32>
          %shift_left3A_187 = arith.constant 6 : i32
          %shift_left3A_188 = vector.broadcast %shift_left3A_187 : i32 to vector<16xi32>
          %shift_left3A_189 = arith.shli %xor3A_185, %shift_left3A_188 : vector<16xi32>
          %shift_right_logical3A_190 = arith.constant 26 : i32
          %shift_right_logical3A_191 = vector.broadcast %shift_right_logical3A_190 : i32 to vector<16xi32>
          %shift_right_logical3A_192 = arith.shrui %xor3A_185, %shift_right_logical3A_191 : vector<16xi32>
          %or3A_193 = arith.ori %shift_left3A_189, %shift_right_logical3A_192 : vector<16xi32>
          %xor3A_194 = arith.xori %add3A_186, %or3A_193 : vector<16xi32>
          %add3A_195 = arith.constant 45 : i32
          %add3A_196 = vector.broadcast %add3A_195 : i32 to vector<16xi32>
          %add3A_197 = arith.addi %xor3A_194, %add3A_196 : vector<16xi32>
          %add3A_198 = arith.addi %add3A_186, %add3A_197 : vector<16xi32>
          %shift_left3A_199 = arith.constant 17 : i32
          %shift_left3A_200 = vector.broadcast %shift_left3A_199 : i32 to vector<16xi32>
          %shift_left3A_201 = arith.shli %add3A_197, %shift_left3A_200 : vector<16xi32>
          %shift_right_logical3A_202 = arith.constant 15 : i32
          %shift_right_logical3A_203 = vector.broadcast %shift_right_logical3A_202 : i32 to vector<16xi32>
          %shift_right_logical3A_204 = arith.shrui %add3A_197, %shift_right_logical3A_203 : vector<16xi32>
          %or3A_205 = arith.ori %shift_left3A_201, %shift_right_logical3A_204 : vector<16xi32>
          %xor3A_206 = arith.xori %add3A_198, %or3A_205 : vector<16xi32>
          %add3A_207 = arith.addi %add3A_198, %xor3A_206 : vector<16xi32>
          %shift_left3A_208 = arith.constant 29 : i32
          %shift_left3A_209 = vector.broadcast %shift_left3A_208 : i32 to vector<16xi32>
          %shift_left3A_210 = arith.shli %xor3A_206, %shift_left3A_209 : vector<16xi32>
          %shift_right_logical3A_211 = arith.constant 3 : i32
          %shift_right_logical3A_212 = vector.broadcast %shift_right_logical3A_211 : i32 to vector<16xi32>
          %shift_right_logical3A_213 = arith.shrui %xor3A_206, %shift_right_logical3A_212 : vector<16xi32>
          %or3A_214 = arith.ori %shift_left3A_210, %shift_right_logical3A_213 : vector<16xi32>
          %xor3A_215 = arith.xori %add3A_207, %or3A_214 : vector<16xi32>
          %add3A_216 = arith.addi %add3A_207, %xor3A_215 : vector<16xi32>
          %shift_left3A_217 = arith.constant 16 : i32
          %shift_left3A_218 = vector.broadcast %shift_left3A_217 : i32 to vector<16xi32>
          %shift_left3A_219 = arith.shli %xor3A_215, %shift_left3A_218 : vector<16xi32>
          %shift_right_logical3A_220 = arith.constant 16 : i32
          %shift_right_logical3A_221 = vector.broadcast %shift_right_logical3A_220 : i32 to vector<16xi32>
          %shift_right_logical3A_222 = arith.shrui %xor3A_215, %shift_right_logical3A_221 : vector<16xi32>
          %or3A_223 = arith.ori %shift_left3A_219, %shift_right_logical3A_222 : vector<16xi32>
          %xor3A_224 = arith.xori %add3A_216, %or3A_223 : vector<16xi32>
          %add3A_225 = arith.addi %add3A_216, %xor3A_224 : vector<16xi32>
          %shift_left3A_226 = arith.constant 24 : i32
          %shift_left3A_227 = vector.broadcast %shift_left3A_226 : i32 to vector<16xi32>
          %shift_left3A_228 = arith.shli %xor3A_224, %shift_left3A_227 : vector<16xi32>
          %shift_right_logical3A_229 = arith.constant 8 : i32
          %shift_right_logical3A_230 = vector.broadcast %shift_right_logical3A_229 : i32 to vector<16xi32>
          %shift_right_logical3A_231 = arith.shrui %xor3A_224, %shift_right_logical3A_230 : vector<16xi32>
          %or3A_232 = arith.ori %shift_left3A_228, %shift_right_logical3A_231 : vector<16xi32>
          %xor3A_233 = arith.xori %add3A_225, %or3A_232 : vector<16xi32>
          %add3A_234 = arith.constant 42 : i32
          %add3A_235 = vector.broadcast %add3A_234 : i32 to vector<16xi32>
          %add3A_236 = arith.addi %add3A_225, %add3A_235 : vector<16xi32>
          %add3A_237 = arith.constant 466689008 : i32
          %add3A_238 = arith.constant 4 : i32
          %add3A_239 = arith.addi %add3A_237, %add3A_238 : i32
          %add3A_240 = vector.broadcast %add3A_239 : i32 to vector<16xi32>
          %add3A_241 = arith.addi %xor3A_233, %add3A_240 : vector<16xi32>
          %add3A_242 = arith.addi %add3A_236, %add3A_241 : vector<16xi32>
          %shift_left3A_243 = arith.constant 13 : i32
          %shift_left3A_244 = vector.broadcast %shift_left3A_243 : i32 to vector<16xi32>
          %shift_left3A_245 = arith.shli %add3A_241, %shift_left3A_244 : vector<16xi32>
          %shift_right_logical3A_246 = arith.constant 19 : i32
          %shift_right_logical3A_247 = vector.broadcast %shift_right_logical3A_246 : i32 to vector<16xi32>
          %shift_right_logical3A_248 = arith.shrui %add3A_241, %shift_right_logical3A_247 : vector<16xi32>
          %or3A_249 = arith.ori %shift_left3A_245, %shift_right_logical3A_248 : vector<16xi32>
          %xor3A_250 = arith.xori %add3A_242, %or3A_249 : vector<16xi32>
          %add3A_251 = arith.addi %add3A_242, %xor3A_250 : vector<16xi32>
          %shift_left3A_252 = arith.constant 15 : i32
          %shift_left3A_253 = vector.broadcast %shift_left3A_252 : i32 to vector<16xi32>
          %shift_left3A_254 = arith.shli %xor3A_250, %shift_left3A_253 : vector<16xi32>
          %shift_right_logical3A_255 = arith.constant 17 : i32
          %shift_right_logical3A_256 = vector.broadcast %shift_right_logical3A_255 : i32 to vector<16xi32>
          %shift_right_logical3A_257 = arith.shrui %xor3A_250, %shift_right_logical3A_256 : vector<16xi32>
          %or3A_258 = arith.ori %shift_left3A_254, %shift_right_logical3A_257 : vector<16xi32>
          %xor3A_259 = arith.xori %add3A_251, %or3A_258 : vector<16xi32>
          %add3A_260 = arith.addi %add3A_251, %xor3A_259 : vector<16xi32>
          %shift_left3A_261 = arith.constant 26 : i32
          %shift_left3A_262 = vector.broadcast %shift_left3A_261 : i32 to vector<16xi32>
          %shift_left3A_263 = arith.shli %xor3A_259, %shift_left3A_262 : vector<16xi32>
          %shift_right_logical3A_264 = arith.constant 6 : i32
          %shift_right_logical3A_265 = vector.broadcast %shift_right_logical3A_264 : i32 to vector<16xi32>
          %shift_right_logical3A_266 = arith.shrui %xor3A_259, %shift_right_logical3A_265 : vector<16xi32>
          %or3A_267 = arith.ori %shift_left3A_263, %shift_right_logical3A_266 : vector<16xi32>
          %xor3A_268 = arith.xori %add3A_260, %or3A_267 : vector<16xi32>
          %add3A_269 = arith.addi %add3A_260, %xor3A_268 : vector<16xi32>
          %shift_left3A_270 = arith.constant 6 : i32
          %shift_left3A_271 = vector.broadcast %shift_left3A_270 : i32 to vector<16xi32>
          %shift_left3A_272 = arith.shli %xor3A_268, %shift_left3A_271 : vector<16xi32>
          %shift_right_logical3A_273 = arith.constant 26 : i32
          %shift_right_logical3A_274 = vector.broadcast %shift_right_logical3A_273 : i32 to vector<16xi32>
          %shift_right_logical3A_275 = arith.shrui %xor3A_268, %shift_right_logical3A_274 : vector<16xi32>
          %or3A_276 = arith.ori %shift_left3A_272, %shift_right_logical3A_275 : vector<16xi32>
          %xor3A_277 = arith.xori %add3A_269, %or3A_276 : vector<16xi32>
          %add3A_278 = arith.constant 466689008 : i32
          %add3A_279 = vector.broadcast %add3A_278 : i32 to vector<16xi32>
          %add3A_280 = arith.addi %add3A_269, %add3A_279 : vector<16xi32>
          %add3A_281 = arith.constant 5 : i32
          %add3A_282 = vector.broadcast %add3A_281 : i32 to vector<16xi32>
          %add3A_283 = arith.addi %xor3A_277, %add3A_282 : vector<16xi32>
          %xor3A_284 = arith.xori %add3A_280, %add3A_283 : vector<16xi32>
          %shift_right_logical3A_285 = arith.constant 9 : i32
          %shift_right_logical3A_286 = vector.broadcast %shift_right_logical3A_285 : i32 to vector<16xi32>
          %shift_right_logical3A_287 = arith.shrui %xor3A_284, %shift_right_logical3A_286 : vector<16xi32>
          %or3A_288 = arith.constant 1065353216 : i32
          %or3A_289 = vector.broadcast %or3A_288 : i32 to vector<16xi32>
          %or3A_290 = arith.ori %shift_right_logical3A_287, %or3A_289 : vector<16xi32>
          %bitcast_convert_type3A_291 = tpu.bitcast %or3A_290 : vector<16xi32> -> vector<16xf32>
          %sub3A = arith.constant 1.000000e+00 : f32
          %sub3A_292 = vector.broadcast %sub3A : f32 to vector<16xf32>
          %sub3A_293 = arith.subf %bitcast_convert_type3A_291, %sub3A_292 : vector<16xf32>
          %get3A = arith.index_cast %add3A_70 : i32 to index
          %get3A_294 = tpu.vector_load %arg8[%get3A] {strides = array<i32>} : memref<8192xf32, #tpu.memory_space<vmem>>, vector<16xf32>,
          %bitcast_convert_type3A_295 = tpu.bitcast %sub3A_293 : vector<16xf32> -> vector<16xi32>
          %shift_right_logical3A_296 = arith.constant 23 : i32
          %shift_right_logical3A_297 = vector.broadcast %shift_right_logical3A_296 : i32 to vector<16xi32>
          %shift_right_logical3A_298 = arith.shrui %bitcast_convert_type3A_295, %shift_right_logical3A_297 : vector<16xi32>
          %sub3A_299 = arith.constant 127 : i32
          %sub3A_300 = vector.broadcast %sub3A_299 : i32 to vector<16xi32>
          %sub3A_301 = arith.subi %shift_right_logical3A_298, %sub3A_300 : vector<16xi32>
          %and3A = arith.constant 8388607 : i32
          %and3A_302 = vector.broadcast %and3A : i32 to vector<16xi32>
          %and3A_303 = arith.andi %bitcast_convert_type3A_295, %and3A_302 : vector<16xi32>
          %ge3A = arith.constant 3474675 : i32
          %ge3A_304 = vector.broadcast %ge3A : i32 to vector<16xi32>
          %ge3A_305 = arith.cmpi sge, %and3A_303, %ge3A_304 : vector<16xi32>
          %add3A_306 = arith.constant 1 : i32
          %add3A_307 = vector.broadcast %add3A_306 : i32 to vector<16xi32>
          %add3A_308 = arith.addi %sub3A_301, %add3A_307 : vector<16xi32>
          %select_n3A_309 = arith.select %ge3A_305, %add3A_308, %sub3A_301 : vector<16xi1>, vector<16xi32>
          %or3A_310 = arith.constant 1065353216 : i32
          %or3A_311 = vector.broadcast %or3A_310 : i32 to vector<16xi32>
          %or3A_312 = arith.ori %and3A_303, %or3A_311 : vector<16xi32>
          %bitcast_convert_type3A_313 = tpu.bitcast %or3A_312 : vector<16xi32> -> vector<16xf32>
          %mul3A_314 = arith.constant 5.000000e-01 : f32
          %mul3A_315 = vector.broadcast %mul3A_314 : f32 to vector<16xf32>
          %mul3A_316 = arith.mulf %bitcast_convert_type3A_313, %mul3A_315 : vector<16xf32>
          %select_n3A_317 = arith.select %ge3A_305, %mul3A_316, %bitcast_convert_type3A_313 : vector<16xi1>, vector<16xf32>
          %sub3A_318 = arith.constant 1.000000e+00 : f32
          %sub3A_319 = vector.broadcast %sub3A_318 : f32 to vector<16xf32>
          %sub3A_320 = arith.subf %select_n3A_317, %sub3A_319 : vector<16xf32>
          %add3A_321 = arith.constant 1.000000e+00 : f32
          %add3A_322 = vector.broadcast %add3A_321 : f32 to vector<16xf32>
          %add3A_323 = arith.addf %select_n3A_317, %add3A_322 : vector<16xf32>
          %div3A = arith.divf %sub3A_320, %add3A_323 : vector<16xf32>
          %mul3A_324 = arith.mulf %div3A, %div3A : vector<16xf32>
          %mul3A_325 = arith.constant 0.222222224 : f32
          %mul3A_326 = vector.broadcast %mul3A_325 : f32 to vector<16xf32>
          %mul3A_327 = arith.mulf %mul3A_326, %mul3A_324 : vector<16xf32>
          %add3A_328 = arith.constant 0.285714298 : f32
          %add3A_329 = vector.broadcast %add3A_328 : f32 to vector<16xf32>
          %add3A_330 = arith.addf %mul3A_327, %add3A_329 : vector<16xf32>
          %mul3A_331 = arith.mulf %add3A_330, %mul3A_324 : vector<16xf32>
          %add3A_332 = arith.constant 4.000000e-01 : f32
          %add3A_333 = vector.broadcast %add3A_332 : f32 to vector<16xf32>
          %add3A_334 = arith.addf %mul3A_331, %add3A_333 : vector<16xf32>
          %mul3A_335 = arith.mulf %add3A_334, %mul3A_324 : vector<16xf32>
          %add3A_336 = arith.constant 0.666666686 : f32
          %add3A_337 = vector.broadcast %add3A_336 : f32 to vector<16xf32>
          %add3A_338 = arith.addf %mul3A_335, %add3A_337 : vector<16xf32>
          %mul3A_339 = arith.mulf %add3A_338, %mul3A_324 : vector<16xf32>
          %add3A_340 = arith.constant 2.000000e+00 : f32
          %add3A_341 = vector.broadcast %add3A_340 : f32 to vector<16xf32>
          %add3A_342 = arith.addf %mul3A_339, %add3A_341 : vector<16xf32>
          %convert_element_type3A = arith.sitofp %select_n3A_309 : vector<16xi32> to vector<16xf32>
          %mul3A_343 = arith.constant 0.693147182 : f32
          %mul3A_344 = vector.broadcast %mul3A_343 : f32 to vector<16xf32>
          %mul3A_345 = arith.mulf %convert_element_type3A, %mul3A_344 : vector<16xf32>
          %mul3A_346 = arith.mulf %div3A, %add3A_342 : vector<16xf32>
          %add3A_347 = arith.addf %mul3A_345, %mul3A_346 : vector<16xf32>
          %mul3A_348 = arith.mulf %add3A_347, %get3A_294 : vector<16xf32>
          %gt3A_349 = arith.cmpf ogt, %mul3A_348, %scan3A_65 : vector<16xf32>
          %select_n3A_350 = arith.select %gt3A_349, %mul3A_348, %scan3A_65 : vector<16xi1>, vector<16xf32>
          %select_n3A_351 = arith.select %gt3A_349, %add3A_73, %scan3A_66 : vector<16xi1>, vector<16xi32>
          %mul3A_352 = arith.constant 32 : i32
          %mul3A_353 = arith.muli %scan3A_64, %mul3A_352 : i32
          %add3A_354 = arith.constant 16 : i32
          %add3A_355 = arith.addi %mul3A_353, %add3A_354 : i32
          %add3A_356 = arith.addi %add3A_25, %add3A_355 : i32
          %add3A_357 = vector.broadcast %add3A_356 : i32 to vector<16xi32>
          %add3A_358 = arith.addi %add3A_357, %iota3A : vector<16xi32>
          %add3A_359 = arith.addi %gather3A, %add3A_358 : vector<16xi32>
          %bitcast_convert_type3A_360 = tpu.bitcast %add3A_358 : vector<16xi32> -> vector<16xi32>
          %gt3A_361 = arith.cmpi ugt, %bitcast_convert_type3A_360, %bitcast_convert_type3A : vector<16xi32>
          %select_n3A_362 = arith.select %gt3A_361, %add3A_40, %gather3A_37 : vector<16xi1>, vector<16xi32>
          %add3A_363 = arith.addi %select_n3A_362, %add3A_359 : vector<16xi32>
          %shift_left3A_364 = arith.constant 13 : i32
          %shift_left3A_365 = vector.broadcast %shift_left3A_364 : i32 to vector<16xi32>
          %shift_left3A_366 = arith.shli %add3A_359, %shift_left3A_365 : vector<16xi32>
          %shift_right_logical3A_367 = arith.constant 19 : i32
          %shift_right_logical3A_368 = vector.broadcast %shift_right_logical3A_367 : i32 to vector<16xi32>
          %shift_right_logical3A_369 = arith.shrui %add3A_359, %shift_right_logical3A_368 : vector<16xi32>
          %or3A_370 = arith.ori %shift_left3A_366, %shift_right_logical3A_369 : vector<16xi32>
          %xor3A_371 = arith.xori %add3A_363, %or3A_370 : vector<16xi32>
          %add3A_372 = arith.addi %add3A_363, %xor3A_371 : vector<16xi32>
          %shift_left3A_373 = arith.constant 15 : i32
          %shift_left3A_374 = vector.broadcast %shift_left3A_373 : i32 to vector<16xi32>
          %shift_left3A_375 = arith.shli %xor3A_371, %shift_left3A_374 : vector<16xi32>
          %shift_right_logical3A_376 = arith.constant 17 : i32
          %shift_right_logical3A_377 = vector.broadcast %shift_right_logical3A_376 : i32 to vector<16xi32>
          %shift_right_logical3A_378 = arith.shrui %xor3A_371, %shift_right_logical3A_377 : vector<16xi32>
          %or3A_379 = arith.ori %shift_left3A_375, %shift_right_logical3A_378 : vector<16xi32>
          %xor3A_380 = arith.xori %add3A_372, %or3A_379 : vector<16xi32>
          %add3A_381 = arith.addi %add3A_372, %xor3A_380 : vector<16xi32>
          %shift_left3A_382 = arith.constant 26 : i32
          %shift_left3A_383 = vector.broadcast %shift_left3A_382 : i32 to vector<16xi32>
          %shift_left3A_384 = arith.shli %xor3A_380, %shift_left3A_383 : vector<16xi32>
          %shift_right_logical3A_385 = arith.constant 6 : i32
          %shift_right_logical3A_386 = vector.broadcast %shift_right_logical3A_385 : i32 to vector<16xi32>
          %shift_right_logical3A_387 = arith.shrui %xor3A_380, %shift_right_logical3A_386 : vector<16xi32>
          %or3A_388 = arith.ori %shift_left3A_384, %shift_right_logical3A_387 : vector<16xi32>
          %xor3A_389 = arith.xori %add3A_381, %or3A_388 : vector<16xi32>
          %add3A_390 = arith.addi %add3A_381, %xor3A_389 : vector<16xi32>
          %shift_left3A_391 = arith.constant 6 : i32
          %shift_left3A_392 = vector.broadcast %shift_left3A_391 : i32 to vector<16xi32>
          %shift_left3A_393 = arith.shli %xor3A_389, %shift_left3A_392 : vector<16xi32>
          %shift_right_logical3A_394 = arith.constant 26 : i32
          %shift_right_logical3A_395 = vector.broadcast %shift_right_logical3A_394 : i32 to vector<16xi32>
          %shift_right_logical3A_396 = arith.shrui %xor3A_389, %shift_right_logical3A_395 : vector<16xi32>
          %or3A_397 = arith.ori %shift_left3A_393, %shift_right_logical3A_396 : vector<16xi32>
          %xor3A_398 = arith.xori %add3A_390, %or3A_397 : vector<16xi32>
          %add3A_399 = arith.constant 42 : i32
          %add3A_400 = vector.broadcast %add3A_399 : i32 to vector<16xi32>
          %add3A_401 = arith.addi %add3A_390, %add3A_400 : vector<16xi32>
          %add3A_402 = arith.constant 466689008 : i32
          %add3A_403 = arith.constant 1 : i32
          %add3A_404 = arith.addi %add3A_402, %add3A_403 : i32
          %add3A_405 = vector.broadcast %add3A_404 : i32 to vector<16xi32>
          %add3A_406 = arith.addi %xor3A_398, %add3A_405 : vector<16xi32>
          %add3A_407 = arith.addi %add3A_401, %add3A_406 : vector<16xi32>
          %shift_left3A_408 = arith.constant 17 : i32
          %shift_left3A_409 = vector.broadcast %shift_left3A_408 : i32 to vector<16xi32>
          %shift_left3A_410 = arith.shli %add3A_406, %shift_left3A_409 : vector<16xi32>
          %shift_right_logical3A_411 = arith.constant 15 : i32
          %shift_right_logical3A_412 = vector.broadcast %shift_right_logical3A_411 : i32 to vector<16xi32>
          %shift_right_logical3A_413 = arith.shrui %add3A_406, %shift_right_logical3A_412 : vector<16xi32>
          %or3A_414 = arith.ori %shift_left3A_410, %shift_right_logical3A_413 : vector<16xi32>
          %xor3A_415 = arith.xori %add3A_407, %or3A_414 : vector<16xi32>
          %add3A_416 = arith.addi %add3A_407, %xor3A_415 : vector<16xi32>
          %shift_left3A_417 = arith.constant 29 : i32
          %shift_left3A_418 = vector.broadcast %shift_left3A_417 : i32 to vector<16xi32>
          %shift_left3A_419 = arith.shli %xor3A_415, %shift_left3A_418 : vector<16xi32>
          %shift_right_logical3A_420 = arith.constant 3 : i32
          %shift_right_logical3A_421 = vector.broadcast %shift_right_logical3A_420 : i32 to vector<16xi32>
          %shift_right_logical3A_422 = arith.shrui %xor3A_415, %shift_right_logical3A_421 : vector<16xi32>
          %or3A_423 = arith.ori %shift_left3A_419, %shift_right_logical3A_422 : vector<16xi32>
          %xor3A_424 = arith.xori %add3A_416, %or3A_423 : vector<16xi32>
          %add3A_425 = arith.addi %add3A_416, %xor3A_424 : vector<16xi32>
          %shift_left3A_426 = arith.constant 16 : i32
          %shift_left3A_427 = vector.broadcast %shift_left3A_426 : i32 to vector<16xi32>
          %shift_left3A_428 = arith.shli %xor3A_424, %shift_left3A_427 : vector<16xi32>
          %shift_right_logical3A_429 = arith.constant 16 : i32
          %shift_right_logical3A_430 = vector.broadcast %shift_right_logical3A_429 : i32 to vector<16xi32>
          %shift_right_logical3A_431 = arith.shrui %xor3A_424, %shift_right_logical3A_430 : vector<16xi32>
          %or3A_432 = arith.ori %shift_left3A_428, %shift_right_logical3A_431 : vector<16xi32>
          %xor3A_433 = arith.xori %add3A_425, %or3A_432 : vector<16xi32>
          %add3A_434 = arith.addi %add3A_425, %xor3A_433 : vector<16xi32>
          %shift_left3A_435 = arith.constant 24 : i32
          %shift_left3A_436 = vector.broadcast %shift_left3A_435 : i32 to vector<16xi32>
          %shift_left3A_437 = arith.shli %xor3A_433, %shift_left3A_436 : vector<16xi32>
          %shift_right_logical3A_438 = arith.constant 8 : i32
          %shift_right_logical3A_439 = vector.broadcast %shift_right_logical3A_438 : i32 to vector<16xi32>
          %shift_right_logical3A_440 = arith.shrui %xor3A_433, %shift_right_logical3A_439 : vector<16xi32>
          %or3A_441 = arith.ori %shift_left3A_437, %shift_right_logical3A_440 : vector<16xi32>
          %xor3A_442 = arith.xori %add3A_434, %or3A_441 : vector<16xi32>
          %add3A_443 = arith.constant 466689008 : i32
          %add3A_444 = vector.broadcast %add3A_443 : i32 to vector<16xi32>
          %add3A_445 = arith.addi %add3A_434, %add3A_444 : vector<16xi32>
          %add3A_446 = arith.constant 2 : i32
          %add3A_447 = vector.broadcast %add3A_446 : i32 to vector<16xi32>
          %add3A_448 = arith.addi %xor3A_442, %add3A_447 : vector<16xi32>
          %add3A_449 = arith.addi %add3A_445, %add3A_448 : vector<16xi32>
          %shift_left3A_450 = arith.constant 13 : i32
          %shift_left3A_451 = vector.broadcast %shift_left3A_450 : i32 to vector<16xi32>
          %shift_left3A_452 = arith.shli %add3A_448, %shift_left3A_451 : vector<16xi32>
          %shift_right_logical3A_453 = arith.constant 19 : i32
          %shift_right_logical3A_454 = vector.broadcast %shift_right_logical3A_453 : i32 to vector<16xi32>
          %shift_right_logical3A_455 = arith.shrui %add3A_448, %shift_right_logical3A_454 : vector<16xi32>
          %or3A_456 = arith.ori %shift_left3A_452, %shift_right_logical3A_455 : vector<16xi32>
          %xor3A_457 = arith.xori %add3A_449, %or3A_456 : vector<16xi32>
          %add3A_458 = arith.addi %add3A_449, %xor3A_457 : vector<16xi32>
          %shift_left3A_459 = arith.constant 15 : i32
          %shift_left3A_460 = vector.broadcast %shift_left3A_459 : i32 to vector<16xi32>
          %shift_left3A_461 = arith.shli %xor3A_457, %shift_left3A_460 : vector<16xi32>
          %shift_right_logical3A_462 = arith.constant 17 : i32
          %shift_right_logical3A_463 = vector.broadcast %shift_right_logical3A_462 : i32 to vector<16xi32>
          %shift_right_logical3A_464 = arith.shrui %xor3A_457, %shift_right_logical3A_463 : vector<16xi32>
          %or3A_465 = arith.ori %shift_left3A_461, %shift_right_logical3A_464 : vector<16xi32>
          %xor3A_466 = arith.xori %add3A_458, %or3A_465 : vector<16xi32>
          %add3A_467 = arith.addi %add3A_458, %xor3A_466 : vector<16xi32>
          %shift_left3A_468 = arith.constant 26 : i32
          %shift_left3A_469 = vector.broadcast %shift_left3A_468 : i32 to vector<16xi32>
          %shift_left3A_470 = arith.shli %xor3A_466, %shift_left3A_469 : vector<16xi32>
          %shift_right_logical3A_471 = arith.constant 6 : i32
          %shift_right_logical3A_472 = vector.broadcast %shift_right_logical3A_471 : i32 to vector<16xi32>
          %shift_right_logical3A_473 = arith.shrui %xor3A_466, %shift_right_logical3A_472 : vector<16xi32>
          %or3A_474 = arith.ori %shift_left3A_470, %shift_right_logical3A_473 : vector<16xi32>
          %xor3A_475 = arith.xori %add3A_467, %or3A_474 : vector<16xi32>
          %add3A_476 = arith.addi %add3A_467, %xor3A_475 : vector<16xi32>
          %shift_left3A_477 = arith.constant 6 : i32
          %shift_left3A_478 = vector.broadcast %shift_left3A_477 : i32 to vector<16xi32>
          %shift_left3A_479 = arith.shli %xor3A_475, %shift_left3A_478 : vector<16xi32>
          %shift_right_logical3A_480 = arith.constant 26 : i32
          %shift_right_logical3A_481 = vector.broadcast %shift_right_logical3A_480 : i32 to vector<16xi32>
          %shift_right_logical3A_482 = arith.shrui %xor3A_475, %shift_right_logical3A_481 : vector<16xi32>
          %or3A_483 = arith.ori %shift_left3A_479, %shift_right_logical3A_482 : vector<16xi32>
          %xor3A_484 = arith.xori %add3A_476, %or3A_483 : vector<16xi32>
          %add3A_485 = arith.constant 45 : i32
          %add3A_486 = vector.broadcast %add3A_485 : i32 to vector<16xi32>
          %add3A_487 = arith.addi %xor3A_484, %add3A_486 : vector<16xi32>
          %add3A_488 = arith.addi %add3A_476, %add3A_487 : vector<16xi32>
          %shift_left3A_489 = arith.constant 17 : i32
          %shift_left3A_490 = vector.broadcast %shift_left3A_489 : i32 to vector<16xi32>
          %shift_left3A_491 = arith.shli %add3A_487, %shift_left3A_490 : vector<16xi32>
          %shift_right_logical3A_492 = arith.constant 15 : i32
          %shift_right_logical3A_493 = vector.broadcast %shift_right_logical3A_492 : i32 to vector<16xi32>
          %shift_right_logical3A_494 = arith.shrui %add3A_487, %shift_right_logical3A_493 : vector<16xi32>
          %or3A_495 = arith.ori %shift_left3A_491, %shift_right_logical3A_494 : vector<16xi32>
          %xor3A_496 = arith.xori %add3A_488, %or3A_495 : vector<16xi32>
          %add3A_497 = arith.addi %add3A_488, %xor3A_496 : vector<16xi32>
          %shift_left3A_498 = arith.constant 29 : i32
          %shift_left3A_499 = vector.broadcast %shift_left3A_498 : i32 to vector<16xi32>
          %shift_left3A_500 = arith.shli %xor3A_496, %shift_left3A_499 : vector<16xi32>
          %shift_right_logical3A_501 = arith.constant 3 : i32
          %shift_right_logical3A_502 = vector.broadcast %shift_right_logical3A_501 : i32 to vector<16xi32>
          %shift_right_logical3A_503 = arith.shrui %xor3A_496, %shift_right_logical3A_502 : vector<16xi32>
          %or3A_504 = arith.ori %shift_left3A_500, %shift_right_logical3A_503 : vector<16xi32>
          %xor3A_505 = arith.xori %add3A_497, %or3A_504 : vector<16xi32>
          %add3A_506 = arith.addi %add3A_497, %xor3A_505 : vector<16xi32>
          %shift_left3A_507 = arith.constant 16 : i32
          %shift_left3A_508 = vector.broadcast %shift_left3A_507 : i32 to vector<16xi32>
          %shift_left3A_509 = arith.shli %xor3A_505, %shift_left3A_508 : vector<16xi32>
          %shift_right_logical3A_510 = arith.constant 16 : i32
          %shift_right_logical3A_511 = vector.broadcast %shift_right_logical3A_510 : i32 to vector<16xi32>
          %shift_right_logical3A_512 = arith.shrui %xor3A_505, %shift_right_logical3A_511 : vector<16xi32>
          %or3A_513 = arith.ori %shift_left3A_509, %shift_right_logical3A_512 : vector<16xi32>
          %xor3A_514 = arith.xori %add3A_506, %or3A_513 : vector<16xi32>
          %add3A_515 = arith.addi %add3A_506, %xor3A_514 : vector<16xi32>
          %shift_left3A_516 = arith.constant 24 : i32
          %shift_left3A_517 = vector.broadcast %shift_left3A_516 : i32 to vector<16xi32>
          %shift_left3A_518 = arith.shli %xor3A_514, %shift_left3A_517 : vector<16xi32>
          %shift_right_logical3A_519 = arith.constant 8 : i32
          %shift_right_logical3A_520 = vector.broadcast %shift_right_logical3A_519 : i32 to vector<16xi32>
          %shift_right_logical3A_521 = arith.shrui %xor3A_514, %shift_right_logical3A_520 : vector<16xi32>
          %or3A_522 = arith.ori %shift_left3A_518, %shift_right_logical3A_521 : vector<16xi32>
          %xor3A_523 = arith.xori %add3A_515, %or3A_522 : vector<16xi32>
          %add3A_524 = arith.constant 42 : i32
          %add3A_525 = vector.broadcast %add3A_524 : i32 to vector<16xi32>
          %add3A_526 = arith.addi %add3A_515, %add3A_525 : vector<16xi32>
          %add3A_527 = arith.constant 466689008 : i32
          %add3A_528 = arith.constant 4 : i32
          %add3A_529 = arith.addi %add3A_527, %add3A_528 : i32
          %add3A_530 = vector.broadcast %add3A_529 : i32 to vector<16xi32>
          %add3A_531 = arith.addi %xor3A_523, %add3A_530 : vector<16xi32>
          %add3A_532 = arith.addi %add3A_526, %add3A_531 : vector<16xi32>
          %shift_left3A_533 = arith.constant 13 : i32
          %shift_left3A_534 = vector.broadcast %shift_left3A_533 : i32 to vector<16xi32>
          %shift_left3A_535 = arith.shli %add3A_531, %shift_left3A_534 : vector<16xi32>
          %shift_right_logical3A_536 = arith.constant 19 : i32
          %shift_right_logical3A_537 = vector.broadcast %shift_right_logical3A_536 : i32 to vector<16xi32>
          %shift_right_logical3A_538 = arith.shrui %add3A_531, %shift_right_logical3A_537 : vector<16xi32>
          %or3A_539 = arith.ori %shift_left3A_535, %shift_right_logical3A_538 : vector<16xi32>
          %xor3A_540 = arith.xori %add3A_532, %or3A_539 : vector<16xi32>
          %add3A_541 = arith.addi %add3A_532, %xor3A_540 : vector<16xi32>
          %shift_left3A_542 = arith.constant 15 : i32
          %shift_left3A_543 = vector.broadcast %shift_left3A_542 : i32 to vector<16xi32>
          %shift_left3A_544 = arith.shli %xor3A_540, %shift_left3A_543 : vector<16xi32>
          %shift_right_logical3A_545 = arith.constant 17 : i32
          %shift_right_logical3A_546 = vector.broadcast %shift_right_logical3A_545 : i32 to vector<16xi32>
          %shift_right_logical3A_547 = arith.shrui %xor3A_540, %shift_right_logical3A_546 : vector<16xi32>
          %or3A_548 = arith.ori %shift_left3A_544, %shift_right_logical3A_547 : vector<16xi32>
          %xor3A_549 = arith.xori %add3A_541, %or3A_548 : vector<16xi32>
          %add3A_550 = arith.addi %add3A_541, %xor3A_549 : vector<16xi32>
          %shift_left3A_551 = arith.constant 26 : i32
          %shift_left3A_552 = vector.broadcast %shift_left3A_551 : i32 to vector<16xi32>
          %shift_left3A_553 = arith.shli %xor3A_549, %shift_left3A_552 : vector<16xi32>
          %shift_right_logical3A_554 = arith.constant 6 : i32
          %shift_right_logical3A_555 = vector.broadcast %shift_right_logical3A_554 : i32 to vector<16xi32>
          %shift_right_logical3A_556 = arith.shrui %xor3A_549, %shift_right_logical3A_555 : vector<16xi32>
          %or3A_557 = arith.ori %shift_left3A_553, %shift_right_logical3A_556 : vector<16xi32>
          %xor3A_558 = arith.xori %add3A_550, %or3A_557 : vector<16xi32>
          %add3A_559 = arith.addi %add3A_550, %xor3A_558 : vector<16xi32>
          %shift_left3A_560 = arith.constant 6 : i32
          %shift_left3A_561 = vector.broadcast %shift_left3A_560 : i32 to vector<16xi32>
          %shift_left3A_562 = arith.shli %xor3A_558, %shift_left3A_561 : vector<16xi32>
          %shift_right_logical3A_563 = arith.constant 26 : i32
          %shift_right_logical3A_564 = vector.broadcast %shift_right_logical3A_563 : i32 to vector<16xi32>
          %shift_right_logical3A_565 = arith.shrui %xor3A_558, %shift_right_logical3A_564 : vector<16xi32>
          %or3A_566 = arith.ori %shift_left3A_562, %shift_right_logical3A_565 : vector<16xi32>
          %xor3A_567 = arith.xori %add3A_559, %or3A_566 : vector<16xi32>
          %add3A_568 = arith.constant 466689008 : i32
          %add3A_569 = vector.broadcast %add3A_568 : i32 to vector<16xi32>
          %add3A_570 = arith.addi %add3A_559, %add3A_569 : vector<16xi32>
          %add3A_571 = arith.constant 5 : i32
          %add3A_572 = vector.broadcast %add3A_571 : i32 to vector<16xi32>
          %add3A_573 = arith.addi %xor3A_567, %add3A_572 : vector<16xi32>
          %xor3A_574 = arith.xori %add3A_570, %add3A_573 : vector<16xi32>
          %shift_right_logical3A_575 = arith.constant 9 : i32
          %shift_right_logical3A_576 = vector.broadcast %shift_right_logical3A_575 : i32 to vector<16xi32>
          %shift_right_logical3A_577 = arith.shrui %xor3A_574, %shift_right_logical3A_576 : vector<16xi32>
          %or3A_578 = arith.constant 1065353216 : i32
          %or3A_579 = vector.broadcast %or3A_578 : i32 to vector<16xi32>
          %or3A_580 = arith.ori %shift_right_logical3A_577, %or3A_579 : vector<16xi32>
          %bitcast_convert_type3A_581 = tpu.bitcast %or3A_580 : vector<16xi32> -> vector<16xf32>
          %sub3A_582 = arith.constant 1.000000e+00 : f32
          %sub3A_583 = vector.broadcast %sub3A_582 : f32 to vector<16xf32>
          %sub3A_584 = arith.subf %bitcast_convert_type3A_581, %sub3A_583 : vector<16xf32>
          %get3A_585 = arith.index_cast %add3A_355 : i32 to index
          %get3A_586 = tpu.vector_load %arg8[%get3A_585] {strides = array<i32>} : memref<8192xf32, #tpu.memory_space<vmem>>, vector<16xf32>,
          %bitcast_convert_type3A_587 = tpu.bitcast %sub3A_584 : vector<16xf32> -> vector<16xi32>
          %shift_right_logical3A_588 = arith.constant 23 : i32
          %shift_right_logical3A_589 = vector.broadcast %shift_right_logical3A_588 : i32 to vector<16xi32>
          %shift_right_logical3A_590 = arith.shrui %bitcast_convert_type3A_587, %shift_right_logical3A_589 : vector<16xi32>
          %sub3A_591 = arith.constant 127 : i32
          %sub3A_592 = vector.broadcast %sub3A_591 : i32 to vector<16xi32>
          %sub3A_593 = arith.subi %shift_right_logical3A_590, %sub3A_592 : vector<16xi32>
          %and3A_594 = arith.constant 8388607 : i32
          %and3A_595 = vector.broadcast %and3A_594 : i32 to vector<16xi32>
          %and3A_596 = arith.andi %bitcast_convert_type3A_587, %and3A_595 : vector<16xi32>
          %ge3A_597 = arith.constant 3474675 : i32
          %ge3A_598 = vector.broadcast %ge3A_597 : i32 to vector<16xi32>
          %ge3A_599 = arith.cmpi sge, %and3A_596, %ge3A_598 : vector<16xi32>
          %add3A_600 = arith.constant 1 : i32
          %add3A_601 = vector.broadcast %add3A_600 : i32 to vector<16xi32>
          %add3A_602 = arith.addi %sub3A_593, %add3A_601 : vector<16xi32>
          %select_n3A_603 = arith.select %ge3A_599, %add3A_602, %sub3A_593 : vector<16xi1>, vector<16xi32>
          %or3A_604 = arith.constant 1065353216 : i32
          %or3A_605 = vector.broadcast %or3A_604 : i32 to vector<16xi32>
          %or3A_606 = arith.ori %and3A_596, %or3A_605 : vector<16xi32>
          %bitcast_convert_type3A_607 = tpu.bitcast %or3A_606 : vector<16xi32> -> vector<16xf32>
          %mul3A_608 = arith.constant 5.000000e-01 : f32
          %mul3A_609 = vector.broadcast %mul3A_608 : f32 to vector<16xf32>
          %mul3A_610 = arith.mulf %bitcast_convert_type3A_607, %mul3A_609 : vector<16xf32>
          %select_n3A_611 = arith.select %ge3A_599, %mul3A_610, %bitcast_convert_type3A_607 : vector<16xi1>, vector<16xf32>
          %sub3A_612 = arith.constant 1.000000e+00 : f32
          %sub3A_613 = vector.broadcast %sub3A_612 : f32 to vector<16xf32>
          %sub3A_614 = arith.subf %select_n3A_611, %sub3A_613 : vector<16xf32>
          %add3A_615 = arith.constant 1.000000e+00 : f32
          %add3A_616 = vector.broadcast %add3A_615 : f32 to vector<16xf32>
          %add3A_617 = arith.addf %select_n3A_611, %add3A_616 : vector<16xf32>
          %div3A_618 = arith.divf %sub3A_614, %add3A_617 : vector<16xf32>
          %mul3A_619 = arith.mulf %div3A_618, %div3A_618 : vector<16xf32>
          %mul3A_620 = arith.constant 0.222222224 : f32
          %mul3A_621 = vector.broadcast %mul3A_620 : f32 to vector<16xf32>
          %mul3A_622 = arith.mulf %mul3A_621, %mul3A_619 : vector<16xf32>
          %add3A_623 = arith.constant 0.285714298 : f32
          %add3A_624 = vector.broadcast %add3A_623 : f32 to vector<16xf32>
          %add3A_625 = arith.addf %mul3A_622, %add3A_624 : vector<16xf32>
          %mul3A_626 = arith.mulf %add3A_625, %mul3A_619 : vector<16xf32>
          %add3A_627 = arith.constant 4.000000e-01 : f32
          %add3A_628 = vector.broadcast %add3A_627 : f32 to vector<16xf32>
          %add3A_629 = arith.addf %mul3A_626, %add3A_628 : vector<16xf32>
          %mul3A_630 = arith.mulf %add3A_629, %mul3A_619 : vector<16xf32>
          %add3A_631 = arith.constant 0.666666686 : f32
          %add3A_632 = vector.broadcast %add3A_631 : f32 to vector<16xf32>
          %add3A_633 = arith.addf %mul3A_630, %add3A_632 : vector<16xf32>
          %mul3A_634 = arith.mulf %add3A_633, %mul3A_619 : vector<16xf32>
          %add3A_635 = arith.constant 2.000000e+00 : f32
          %add3A_636 = vector.broadcast %add3A_635 : f32 to vector<16xf32>
          %add3A_637 = arith.addf %mul3A_634, %add3A_636 : vector<16xf32>
          %convert_element_type3A_638 = arith.sitofp %select_n3A_603 : vector<16xi32> to vector<16xf32>
          %mul3A_639 = arith.constant 0.693147182 : f32
          %mul3A_640 = vector.broadcast %mul3A_639 : f32 to vector<16xf32>
          %mul3A_641 = arith.mulf %convert_element_type3A_638, %mul3A_640 : vector<16xf32>
          %mul3A_642 = arith.mulf %div3A_618, %add3A_637 : vector<16xf32>
          %add3A_643 = arith.addf %mul3A_641, %mul3A_642 : vector<16xf32>
          %mul3A_644 = arith.mulf %add3A_643, %get3A_586 : vector<16xf32>
          %gt3A_645 = arith.cmpf ogt, %mul3A_644, %select_n3A_350 : vector<16xf32>
          %select_n3A_646 = arith.select %gt3A_645, %mul3A_644, %select_n3A_350 : vector<16xi1>, vector<16xf32>
          %select_n3A_647 = arith.select %gt3A_645, %add3A_358, %select_n3A_351 : vector<16xi1>, vector<16xi32>
          scf.yield %select_n3A_646, %select_n3A_647 : vector<16xf32>, vector<16xi32>
        }
        %scan3A_48 = arith.constant 256 : i32
        %reduce_max3A = arith.constant true
        %reduce_max3A_49 = vector.broadcast %reduce_max3A : i1 to vector<16xi1>
        %reduce_max3A_50 = tpu.scan <max>, %scan3A_47#0 masked %reduce_max3A_49 : vector<16xf32>, vector<16xi1> -> vector<16xf32>
        %reduce_max3A_51 = vector.extract %reduce_max3A_50[15] : f32 from vector<16xf32>
        %broadcast_in_dim3A_52 = vector.broadcast %reduce_max3A_51 : f32 to vector<16xf32>
        %eq3A_53 = arith.cmpf oeq, %scan3A_47#0, %broadcast_in_dim3A_52 : vector<16xf32>
        %jit3A = arith.constant 2147483647 : i32
        %broadcast_in_dim3A_54 = vector.broadcast %jit3A : i32 to vector<16xi32>
        %select_n3A = arith.select %eq3A_53, %scan3A_47#1, %broadcast_in_dim3A_54 : vector<16xi1>, vector<16xi32>
        %reduce_min3A = arith.constant true
        %reduce_min3A_55 = vector.broadcast %reduce_min3A : i1 to vector<16xi1>
        %reduce_min3A_56 = arith.constant -2147483648 : i32
        %reduce_min3A_57 = vector.broadcast %reduce_min3A_56 : i32 to vector<16xi32>
        %reduce_min3A_58 = arith.xori %select_n3A, %reduce_min3A_57 : vector<16xi32>
        %reduce_min3A_59 = tpu.scan <min>, %reduce_min3A_58 masked %reduce_min3A_55 : vector<16xi32>, vector<16xi1> -> vector<16xi32>
        %reduce_min3A_60 = arith.xori %reduce_min3A_59, %reduce_min3A_57 : vector<16xi32>
        %reduce_min3A_61 = vector.extract %reduce_min3A_60[15] : i32 from vector<16xi32>
        tpu.vector_store_idx %arg9[%broadcast_in_dim3A], %broadcast_in_dim3A_52 masked %eq3A_4 : memref<1536xf32, #tpu.memory_space<vmem>>[vector<16xi32>], vector<16xf32>, vector<16xi1>
        %broadcast_in_dim3A_62 = vector.broadcast %reduce_min3A_61 : i32 to vector<16xi32>
        tpu.vector_store_idx %arg10[%broadcast_in_dim3A], %broadcast_in_dim3A_62 masked %eq3A_4 : memref<1536xi32, #tpu.memory_space<vmem>>[vector<16xi32>], vector<16xi32>, vector<16xi1>
        %scan3A_63 = arith.constant 0 : i32
        scf.yield %scan3A_63 : i32
      }
      %scan3A_32 = arith.constant 1536 : i32
      %scan3A_33 = arith.constant 0 : i32
      scf.yield %scan3A_33 : i32
    }
    %scan3A_17 = arith.constant 28 : i32
    "tpu.region"() ({
      %run_scoped3A = tpu.sem_alloc : memref<!tpu.dma_semaphore, #tpu.memory_space<semaphore_mem>>
      %dma_start3A = tpu.memref_slice %arg6[%mul3A_2] : memref<49152xf32, #tpu.memory_space<hbm>> -> memref<1536xf32, #tpu.memory_space<hbm>>
      %dma_start3A_18 = tpu.memref_slice %arg6[%mul3A_2] : memref<49152xf32, #tpu.memory_space<hbm>> -> memref<1536xf32, #tpu.memory_space<hbm>>
      tpu.enqueue_dma source(%arg9 : memref<1536xf32, #tpu.memory_space<vmem>>) target(%dma_start3A_18 : memref<1536xf32, #tpu.memory_space<hbm>>) target_semaphore(%run_scoped3A : memref<!tpu.dma_semaphore, #tpu.memory_space<semaphore_mem>>)
      %dma_wait3A = tpu.memref_slice %arg6[%mul3A_2] : memref<49152xf32, #tpu.memory_space<hbm>> -> memref<1536xf32, #tpu.memory_space<hbm>>
      %dma_wait3A_19 = tpu.memref_slice %arg6[%mul3A_2] : memref<49152xf32, #tpu.memory_space<hbm>> -> memref<1536xf32, #tpu.memory_space<hbm>>
      tpu.wait_dma2 semaphore(%run_scoped3A : memref<!tpu.dma_semaphore, #tpu.memory_space<semaphore_mem>>) src(%arg9 : memref<1536xf32, #tpu.memory_space<vmem>>) dst(%dma_wait3A_19 : memref<1536xf32, #tpu.memory_space<hbm>>)
      tpu.yield
    }) : () -> ()
    "tpu.region"() ({
      %run_scoped3A = tpu.sem_alloc : memref<!tpu.dma_semaphore, #tpu.memory_space<semaphore_mem>>
      %dma_start3A = tpu.memref_slice %arg7[%mul3A_2] : memref<49152xi32, #tpu.memory_space<hbm>> -> memref<1536xi32, #tpu.memory_space<hbm>>
      %dma_start3A_18 = tpu.memref_slice %arg7[%mul3A_2] : memref<49152xi32, #tpu.memory_space<hbm>> -> memref<1536xi32, #tpu.memory_space<hbm>>
      tpu.enqueue_dma source(%arg10 : memref<1536xi32, #tpu.memory_space<vmem>>) target(%dma_start3A_18 : memref<1536xi32, #tpu.memory_space<hbm>>) target_semaphore(%run_scoped3A : memref<!tpu.dma_semaphore, #tpu.memory_space<semaphore_mem>>)
      %dma_wait3A = tpu.memref_slice %arg7[%mul3A_2] : memref<49152xi32, #tpu.memory_space<hbm>> -> memref<1536xi32, #tpu.memory_space<hbm>>
      %dma_wait3A_19 = tpu.memref_slice %arg7[%mul3A_2] : memref<49152xi32, #tpu.memory_space<hbm>> -> memref<1536xi32, #tpu.memory_space<hbm>>
      tpu.wait_dma2 semaphore(%run_scoped3A : memref<!tpu.dma_semaphore, #tpu.memory_space<semaphore_mem>>) src(%arg10 : memref<1536xi32, #tpu.memory_space<vmem>>) dst(%dma_wait3A_19 : memref<1536xi32, #tpu.memory_space<hbm>>)
      tpu.yield
    }) : () -> ()
    return
  }
}

#map = affine_map<(d0, d1) -> (0, 0)>
#map1 = affine_map<(d0, d1) -> (0)>
module attributes {stable_mosaic.version = 14 : i64} {
  func.func @gather(%arg0: i32, %arg1: i32, %arg2: memref<1000000x64xf32, #tpu.memory_space<hbm>>, %arg3: memref<1000000x64xf32, #tpu.memory_space<hbm>>, %arg4: memref<16384xi32, #tpu.memory_space<hbm>>, %arg5: memref<16384xi32, #tpu.memory_space<hbm>>, %arg6: memref<16384x64xf32, #tpu.memory_space<hbm>>, %arg7: memref<16384x64xf32, #tpu.memory_space<hbm>>, %arg8: memref<512xi32, #tpu.memory_space<vmem>>, %arg9: memref<512x64xf32, #tpu.memory_space<vmem>>, %arg10: memref<!tpu.dma_semaphore, #tpu.memory_space<semaphore_mem>>) attributes {dimension_semantics = [#tpu.dimension_semantics<core_parallel>, #tpu.dimension_semantics<subcore_parallel>], iteration_bounds = array<i64: 2, 16>, scalar_prefetch = 0 : i64, scratch_operands = 3 : i64, tpu.core_type = #tpu.core_type<sc_vector_subcore>, window_params = [{transform_indices = #map}, {transform_indices = #map}, {transform_indices = #map1}, {transform_indices = #map1}, {transform_indices = #map}, {transform_indices = #map}]} {
    %mul3A = arith.constant 2 : i32
    %mul3A_0 = arith.muli %arg1, %mul3A : i32
    %add3A = arith.addi %mul3A_0, %arg0 : i32
    %mul3A_1 = arith.constant 512 : i32
    %mul3A_2 = arith.muli %add3A, %mul3A_1 : i32
    "tpu.region"() ({
      %run_scoped3A = tpu.sem_alloc : memref<!tpu.dma_semaphore, #tpu.memory_space<semaphore_mem>>
      %dma_start3A_13 = tpu.memref_slice %arg4[%mul3A_2] : memref<16384xi32, #tpu.memory_space<hbm>> -> memref<512xi32, #tpu.memory_space<hbm>>
      %dma_start3A_14 = tpu.memref_slice %arg4[%mul3A_2] : memref<16384xi32, #tpu.memory_space<hbm>> -> memref<512xi32, #tpu.memory_space<hbm>>
      tpu.enqueue_dma source(%dma_start3A_14 : memref<512xi32, #tpu.memory_space<hbm>>) target(%arg8 : memref<512xi32, #tpu.memory_space<vmem>>) target_semaphore(%run_scoped3A : memref<!tpu.dma_semaphore, #tpu.memory_space<semaphore_mem>>)
      %dma_wait3A_15 = tpu.memref_slice %arg4[%mul3A_2] : memref<16384xi32, #tpu.memory_space<hbm>> -> memref<512xi32, #tpu.memory_space<hbm>>
      %dma_wait3A_16 = tpu.memref_slice %arg4[%mul3A_2] : memref<16384xi32, #tpu.memory_space<hbm>> -> memref<512xi32, #tpu.memory_space<hbm>>
      tpu.wait_dma2 semaphore(%run_scoped3A : memref<!tpu.dma_semaphore, #tpu.memory_space<semaphore_mem>>) src(%dma_wait3A_16 : memref<512xi32, #tpu.memory_space<hbm>>) dst(%arg8 : memref<512xi32, #tpu.memory_space<vmem>>)
      tpu.yield
    }) : () -> ()
    %dma_start3A = arith.constant 0 : i32
    %dma_start3A_3 = arith.constant 0 : i32
    %dma_start3A_4 = tpu.memref_slice %arg2[%dma_start3A, %dma_start3A_3] : memref<1000000x64xf32, #tpu.memory_space<hbm>> -> memref<1000000x64xf32, #tpu.memory_space<hbm>>
    tpu.enqueue_indirect_dma source(%dma_start3A_4 : memref<1000000x64xf32, #tpu.memory_space<hbm>>) target(%arg9 : memref<512x64xf32, #tpu.memory_space<vmem>>) offsets(%arg8 : memref<512xi32, #tpu.memory_space<vmem>>) semaphore(%arg10 : memref<!tpu.dma_semaphore, #tpu.memory_space<semaphore_mem>>)
    %dma_wait3A = arith.constant 0 : i32
    %dma_wait3A_5 = arith.constant 0 : i32
    %dma_wait3A_6 = tpu.memref_slice %arg2[%dma_wait3A, %dma_wait3A_5] : memref<1000000x64xf32, #tpu.memory_space<hbm>> -> memref<1000000x64xf32, #tpu.memory_space<hbm>>
    tpu.wait_indirect_dma semaphore(%arg10 : memref<!tpu.dma_semaphore, #tpu.memory_space<semaphore_mem>>) src(%dma_wait3A_6 : memref<1000000x64xf32, #tpu.memory_space<hbm>>) dst(%arg9 : memref<512x64xf32, #tpu.memory_space<vmem>>)
    "tpu.region"() ({
      %run_scoped3A = tpu.sem_alloc : memref<!tpu.dma_semaphore, #tpu.memory_space<semaphore_mem>>
      %dma_start3A_13 = arith.constant 0 : i32
      %dma_start3A_14 = tpu.memref_slice %arg6[%mul3A_2, %dma_start3A_13] : memref<16384x64xf32, #tpu.memory_space<hbm>> -> memref<512x64xf32, #tpu.memory_space<hbm>>
      %dma_start3A_15 = arith.constant 0 : i32
      %dma_start3A_16 = tpu.memref_slice %arg6[%mul3A_2, %dma_start3A_15] : memref<16384x64xf32, #tpu.memory_space<hbm>> -> memref<512x64xf32, #tpu.memory_space<hbm>>
      tpu.enqueue_dma source(%arg9 : memref<512x64xf32, #tpu.memory_space<vmem>>) target(%dma_start3A_16 : memref<512x64xf32, #tpu.memory_space<hbm>>) target_semaphore(%run_scoped3A : memref<!tpu.dma_semaphore, #tpu.memory_space<semaphore_mem>>)
      %dma_wait3A_17 = arith.constant 0 : i32
      %dma_wait3A_18 = tpu.memref_slice %arg6[%mul3A_2, %dma_wait3A_17] : memref<16384x64xf32, #tpu.memory_space<hbm>> -> memref<512x64xf32, #tpu.memory_space<hbm>>
      %dma_wait3A_19 = arith.constant 0 : i32
      %dma_wait3A_20 = tpu.memref_slice %arg6[%mul3A_2, %dma_wait3A_19] : memref<16384x64xf32, #tpu.memory_space<hbm>> -> memref<512x64xf32, #tpu.memory_space<hbm>>
      tpu.wait_dma2 semaphore(%run_scoped3A : memref<!tpu.dma_semaphore, #tpu.memory_space<semaphore_mem>>) src(%arg9 : memref<512x64xf32, #tpu.memory_space<vmem>>) dst(%dma_wait3A_20 : memref<512x64xf32, #tpu.memory_space<hbm>>)
      tpu.yield
    }) : () -> ()
    "tpu.region"() ({
      %run_scoped3A = tpu.sem_alloc : memref<!tpu.dma_semaphore, #tpu.memory_space<semaphore_mem>>
      %dma_start3A_13 = tpu.memref_slice %arg5[%mul3A_2] : memref<16384xi32, #tpu.memory_space<hbm>> -> memref<512xi32, #tpu.memory_space<hbm>>
      %dma_start3A_14 = tpu.memref_slice %arg5[%mul3A_2] : memref<16384xi32, #tpu.memory_space<hbm>> -> memref<512xi32, #tpu.memory_space<hbm>>
      tpu.enqueue_dma source(%dma_start3A_14 : memref<512xi32, #tpu.memory_space<hbm>>) target(%arg8 : memref<512xi32, #tpu.memory_space<vmem>>) target_semaphore(%run_scoped3A : memref<!tpu.dma_semaphore, #tpu.memory_space<semaphore_mem>>)
      %dma_wait3A_15 = tpu.memref_slice %arg5[%mul3A_2] : memref<16384xi32, #tpu.memory_space<hbm>> -> memref<512xi32, #tpu.memory_space<hbm>>
      %dma_wait3A_16 = tpu.memref_slice %arg5[%mul3A_2] : memref<16384xi32, #tpu.memory_space<hbm>> -> memref<512xi32, #tpu.memory_space<hbm>>
      tpu.wait_dma2 semaphore(%run_scoped3A : memref<!tpu.dma_semaphore, #tpu.memory_space<semaphore_mem>>) src(%dma_wait3A_16 : memref<512xi32, #tpu.memory_space<hbm>>) dst(%arg8 : memref<512xi32, #tpu.memory_space<vmem>>)
      tpu.yield
    }) : () -> ()
    %dma_start3A_7 = arith.constant 0 : i32
    %dma_start3A_8 = arith.constant 0 : i32
    %dma_start3A_9 = tpu.memref_slice %arg3[%dma_start3A_7, %dma_start3A_8] : memref<1000000x64xf32, #tpu.memory_space<hbm>> -> memref<1000000x64xf32, #tpu.memory_space<hbm>>
    tpu.enqueue_indirect_dma source(%dma_start3A_9 : memref<1000000x64xf32, #tpu.memory_space<hbm>>) target(%arg9 : memref<512x64xf32, #tpu.memory_space<vmem>>) offsets(%arg8 : memref<512xi32, #tpu.memory_space<vmem>>) semaphore(%arg10 : memref<!tpu.dma_semaphore, #tpu.memory_space<semaphore_mem>>)
    %dma_wait3A_10 = arith.constant 0 : i32
    %dma_wait3A_11 = arith.constant 0 : i32
    %dma_wait3A_12 = tpu.memref_slice %arg3[%dma_wait3A_10, %dma_wait3A_11] : memref<1000000x64xf32, #tpu.memory_space<hbm>> -> memref<1000000x64xf32, #tpu.memory_space<hbm>>
    tpu.wait_indirect_dma semaphore(%arg10 : memref<!tpu.dma_semaphore, #tpu.memory_space<semaphore_mem>>) src(%dma_wait3A_12 : memref<1000000x64xf32, #tpu.memory_space<hbm>>) dst(%arg9 : memref<512x64xf32, #tpu.memory_space<vmem>>)
    "tpu.region"() ({
      %run_scoped3A = tpu.sem_alloc : memref<!tpu.dma_semaphore, #tpu.memory_space<semaphore_mem>>
      %dma_start3A_13 = arith.constant 0 : i32
      %dma_start3A_14 = tpu.memref_slice %arg7[%mul3A_2, %dma_start3A_13] : memref<16384x64xf32, #tpu.memory_space<hbm>> -> memref<512x64xf32, #tpu.memory_space<hbm>>
      %dma_start3A_15 = arith.constant 0 : i32
      %dma_start3A_16 = tpu.memref_slice %arg7[%mul3A_2, %dma_start3A_15] : memref<16384x64xf32, #tpu.memory_space<hbm>> -> memref<512x64xf32, #tpu.memory_space<hbm>>
      tpu.enqueue_dma source(%arg9 : memref<512x64xf32, #tpu.memory_space<vmem>>) target(%dma_start3A_16 : memref<512x64xf32, #tpu.memory_space<hbm>>) target_semaphore(%run_scoped3A : memref<!tpu.dma_semaphore, #tpu.memory_space<semaphore_mem>>)
      %dma_wait3A_17 = arith.constant 0 : i32
      %dma_wait3A_18 = tpu.memref_slice %arg7[%mul3A_2, %dma_wait3A_17] : memref<16384x64xf32, #tpu.memory_space<hbm>> -> memref<512x64xf32, #tpu.memory_space<hbm>>
      %dma_wait3A_19 = arith.constant 0 : i32
      %dma_wait3A_20 = tpu.memref_slice %arg7[%mul3A_2, %dma_wait3A_19] : memref<16384x64xf32, #tpu.memory_space<hbm>> -> memref<512x64xf32, #tpu.memory_space<hbm>>
      tpu.wait_dma2 semaphore(%run_scoped3A : memref<!tpu.dma_semaphore, #tpu.memory_space<semaphore_mem>>) src(%arg9 : memref<512x64xf32, #tpu.memory_space<vmem>>) dst(%dma_wait3A_20 : memref<512x64xf32, #tpu.memory_space<hbm>>)
      tpu.yield
    }) : () -> ()
    return
  }
}

#map = affine_map<(d0, d1) -> (0, 0)>
#map1 = affine_map<(d0, d1) -> (0)>
module attributes {stable_mosaic.version = 14 : i64} {
  func.func @gather(%arg0: i32, %arg1: i32, %arg2: memref<1000000x64xf32, #tpu.memory_space<hbm>>, %arg3: memref<49152xf32, #tpu.memory_space<hbm>>, %arg4: memref<49152xi32, #tpu.memory_space<hbm>>, %arg5: memref<49152xf32, #tpu.memory_space<hbm>>, %arg6: memref<49152xi32, #tpu.memory_space<hbm>>, %arg7: memref<49152x64xf32, #tpu.memory_space<hbm>>, %arg8: memref<1536xf32, #tpu.memory_space<vmem>>, %arg9: memref<1536xi32, #tpu.memory_space<vmem>>, %arg10: memref<1536xf32, #tpu.memory_space<vmem>>, %arg11: memref<1536xi32, #tpu.memory_space<vmem>>, %arg12: memref<512x64xf32, #tpu.memory_space<vmem>>, %arg13: memref<!tpu.dma_semaphore, #tpu.memory_space<semaphore_mem>>) attributes {dimension_semantics = [#tpu.dimension_semantics<core_parallel>, #tpu.dimension_semantics<subcore_parallel>], iteration_bounds = array<i64: 2, 16>, scalar_prefetch = 0 : i64, scratch_operands = 6 : i64, tpu.core_type = #tpu.core_type<sc_vector_subcore>, window_params = [{transform_indices = #map}, {transform_indices = #map1}, {transform_indices = #map1}, {transform_indices = #map1}, {transform_indices = #map1}, {transform_indices = #map}]} {
    %mul3A = arith.constant 2 : i32
    %mul3A_0 = arith.muli %arg1, %mul3A : i32
    %add3A = arith.addi %mul3A_0, %arg0 : i32
    %mul3A_1 = arith.constant 1536 : i32
    %mul3A_2 = arith.muli %add3A, %mul3A_1 : i32
    "tpu.region"() ({
      %run_scoped3A = tpu.sem_alloc : memref<!tpu.dma_semaphore, #tpu.memory_space<semaphore_mem>>
      %dma_start3A_43 = tpu.memref_slice %arg3[%mul3A_2] : memref<49152xf32, #tpu.memory_space<hbm>> -> memref<1536xf32, #tpu.memory_space<hbm>>
      %dma_start3A_44 = tpu.memref_slice %arg3[%mul3A_2] : memref<49152xf32, #tpu.memory_space<hbm>> -> memref<1536xf32, #tpu.memory_space<hbm>>
      tpu.enqueue_dma source(%dma_start3A_44 : memref<1536xf32, #tpu.memory_space<hbm>>) target(%arg8 : memref<1536xf32, #tpu.memory_space<vmem>>) target_semaphore(%run_scoped3A : memref<!tpu.dma_semaphore, #tpu.memory_space<semaphore_mem>>)
      %dma_wait3A_45 = tpu.memref_slice %arg3[%mul3A_2] : memref<49152xf32, #tpu.memory_space<hbm>> -> memref<1536xf32, #tpu.memory_space<hbm>>
      %dma_wait3A_46 = tpu.memref_slice %arg3[%mul3A_2] : memref<49152xf32, #tpu.memory_space<hbm>> -> memref<1536xf32, #tpu.memory_space<hbm>>
      tpu.wait_dma2 semaphore(%run_scoped3A : memref<!tpu.dma_semaphore, #tpu.memory_space<semaphore_mem>>) src(%dma_wait3A_46 : memref<1536xf32, #tpu.memory_space<hbm>>) dst(%arg8 : memref<1536xf32, #tpu.memory_space<vmem>>)
      tpu.yield
    }) : () -> ()
    "tpu.region"() ({
      %run_scoped3A = tpu.sem_alloc : memref<!tpu.dma_semaphore, #tpu.memory_space<semaphore_mem>>
      %dma_start3A_43 = tpu.memref_slice %arg4[%mul3A_2] : memref<49152xi32, #tpu.memory_space<hbm>> -> memref<1536xi32, #tpu.memory_space<hbm>>
      %dma_start3A_44 = tpu.memref_slice %arg4[%mul3A_2] : memref<49152xi32, #tpu.memory_space<hbm>> -> memref<1536xi32, #tpu.memory_space<hbm>>
      tpu.enqueue_dma source(%dma_start3A_44 : memref<1536xi32, #tpu.memory_space<hbm>>) target(%arg9 : memref<1536xi32, #tpu.memory_space<vmem>>) target_semaphore(%run_scoped3A : memref<!tpu.dma_semaphore, #tpu.memory_space<semaphore_mem>>)
      %dma_wait3A_45 = tpu.memref_slice %arg4[%mul3A_2] : memref<49152xi32, #tpu.memory_space<hbm>> -> memref<1536xi32, #tpu.memory_space<hbm>>
      %dma_wait3A_46 = tpu.memref_slice %arg4[%mul3A_2] : memref<49152xi32, #tpu.memory_space<hbm>> -> memref<1536xi32, #tpu.memory_space<hbm>>
      tpu.wait_dma2 semaphore(%run_scoped3A : memref<!tpu.dma_semaphore, #tpu.memory_space<semaphore_mem>>) src(%dma_wait3A_46 : memref<1536xi32, #tpu.memory_space<hbm>>) dst(%arg9 : memref<1536xi32, #tpu.memory_space<vmem>>)
      tpu.yield
    }) : () -> ()
    "tpu.region"() ({
      %run_scoped3A = tpu.sem_alloc : memref<!tpu.dma_semaphore, #tpu.memory_space<semaphore_mem>>
      %dma_start3A_43 = tpu.memref_slice %arg5[%mul3A_2] : memref<49152xf32, #tpu.memory_space<hbm>> -> memref<1536xf32, #tpu.memory_space<hbm>>
      %dma_start3A_44 = tpu.memref_slice %arg5[%mul3A_2] : memref<49152xf32, #tpu.memory_space<hbm>> -> memref<1536xf32, #tpu.memory_space<hbm>>
      tpu.enqueue_dma source(%dma_start3A_44 : memref<1536xf32, #tpu.memory_space<hbm>>) target(%arg10 : memref<1536xf32, #tpu.memory_space<vmem>>) target_semaphore(%run_scoped3A : memref<!tpu.dma_semaphore, #tpu.memory_space<semaphore_mem>>)
      %dma_wait3A_45 = tpu.memref_slice %arg5[%mul3A_2] : memref<49152xf32, #tpu.memory_space<hbm>> -> memref<1536xf32, #tpu.memory_space<hbm>>
      %dma_wait3A_46 = tpu.memref_slice %arg5[%mul3A_2] : memref<49152xf32, #tpu.memory_space<hbm>> -> memref<1536xf32, #tpu.memory_space<hbm>>
      tpu.wait_dma2 semaphore(%run_scoped3A : memref<!tpu.dma_semaphore, #tpu.memory_space<semaphore_mem>>) src(%dma_wait3A_46 : memref<1536xf32, #tpu.memory_space<hbm>>) dst(%arg10 : memref<1536xf32, #tpu.memory_space<vmem>>)
      tpu.yield
    }) : () -> ()
    "tpu.region"() ({
      %run_scoped3A = tpu.sem_alloc : memref<!tpu.dma_semaphore, #tpu.memory_space<semaphore_mem>>
      %dma_start3A_43 = tpu.memref_slice %arg6[%mul3A_2] : memref<49152xi32, #tpu.memory_space<hbm>> -> memref<1536xi32, #tpu.memory_space<hbm>>
      %dma_start3A_44 = tpu.memref_slice %arg6[%mul3A_2] : memref<49152xi32, #tpu.memory_space<hbm>> -> memref<1536xi32, #tpu.memory_space<hbm>>
      tpu.enqueue_dma source(%dma_start3A_44 : memref<1536xi32, #tpu.memory_space<hbm>>) target(%arg11 : memref<1536xi32, #tpu.memory_space<vmem>>) target_semaphore(%run_scoped3A : memref<!tpu.dma_semaphore, #tpu.memory_space<semaphore_mem>>)
      %dma_wait3A_45 = tpu.memref_slice %arg6[%mul3A_2] : memref<49152xi32, #tpu.memory_space<hbm>> -> memref<1536xi32, #tpu.memory_space<hbm>>
      %dma_wait3A_46 = tpu.memref_slice %arg6[%mul3A_2] : memref<49152xi32, #tpu.memory_space<hbm>> -> memref<1536xi32, #tpu.memory_space<hbm>>
      tpu.wait_dma2 semaphore(%run_scoped3A : memref<!tpu.dma_semaphore, #tpu.memory_space<semaphore_mem>>) src(%dma_wait3A_46 : memref<1536xi32, #tpu.memory_space<hbm>>) dst(%arg11 : memref<1536xi32, #tpu.memory_space<vmem>>)
      tpu.yield
    }) : () -> ()
    %scan3A = arith.constant 0 : i32
    %scan3A_3 = arith.constant 0 : i32
    %scan3A_4 = arith.constant 96 : i32
    %scan3A_5 = arith.addi %scan3A_3, %scan3A_4 : i32
    %scan3A_6 = arith.constant 1 : i32
    %scan3A_7 = scf.for %scan3A_43 = %scan3A_3 to %scan3A_5 step %scan3A_6 iter_args(%scan3A_44 = %scan3A) -> (i32)  : i32 {
      %mul3A_45 = arith.constant 16 : i32
      %mul3A_46 = arith.muli %scan3A_43, %mul3A_45 : i32
      %get3A = arith.index_cast %mul3A_46 : i32 to index
      %get3A_47 = tpu.vector_load %arg8[%get3A] {strides = array<i32>} : memref<1536xf32, #tpu.memory_space<vmem>>, vector<16xf32>,
      %get3A_48 = vector.shape_cast %get3A_47 : vector<16xf32> to vector<16xf32>
      %get3A_49 = arith.index_cast %mul3A_46 : i32 to index
      %get3A_50 = tpu.vector_load %arg10[%get3A_49] {strides = array<i32>} : memref<1536xf32, #tpu.memory_space<vmem>>, vector<16xf32>,
      %get3A_51 = vector.shape_cast %get3A_50 : vector<16xf32> to vector<16xf32>
      %ge3A = arith.cmpf oge, %get3A_48, %get3A_51 : vector<16xf32>
      %get3A_52 = arith.index_cast %mul3A_46 : i32 to index
      %get3A_53 = tpu.vector_load %arg9[%get3A_52] {strides = array<i32>} : memref<1536xi32, #tpu.memory_space<vmem>>, vector<16xi32>,
      %get3A_54 = vector.shape_cast %get3A_53 : vector<16xi32> to vector<16xi32>
      %get3A_55 = arith.index_cast %mul3A_46 : i32 to index
      %get3A_56 = tpu.vector_load %arg11[%get3A_55] {strides = array<i32>} : memref<1536xi32, #tpu.memory_space<vmem>>, vector<16xi32>,
      %get3A_57 = vector.shape_cast %get3A_56 : vector<16xi32> to vector<16xi32>
      %select_n3A = arith.select %ge3A, %get3A_54, %get3A_57 : vector<16xi1>, vector<16xi32>
      %swap3A = arith.index_cast %mul3A_46 : i32 to index
      %swap3A_58 = tpu.vector_load %arg9[%swap3A] {strides = array<i32>} : memref<1536xi32, #tpu.memory_space<vmem>>, vector<16xi32>,
      tpu.vector_store %arg9[%swap3A], %select_n3A {strides = array<i32>} : memref<1536xi32, #tpu.memory_space<vmem>>, vector<16xi32>,
      %scan3A_59 = arith.constant 0 : i32
      scf.yield %scan3A_59 : i32
    }
    %scan3A_8 = arith.constant 96 : i32
    %dma_start3A = arith.constant 0 : i32
    %dma_start3A_9 = tpu.memref_slice %arg9[%dma_start3A] : memref<1536xi32, #tpu.memory_space<vmem>> -> memref<512xi32, #tpu.memory_space<vmem>>
    %dma_start3A_10 = arith.constant 0 : i32
    %dma_start3A_11 = arith.constant 0 : i32
    %dma_start3A_12 = tpu.memref_slice %arg2[%dma_start3A_10, %dma_start3A_11] : memref<1000000x64xf32, #tpu.memory_space<hbm>> -> memref<1000000x64xf32, #tpu.memory_space<hbm>>
    tpu.enqueue_indirect_dma source(%dma_start3A_12 : memref<1000000x64xf32, #tpu.memory_space<hbm>>) target(%arg12 : memref<512x64xf32, #tpu.memory_space<vmem>>) offsets(%dma_start3A_9 : memref<512xi32, #tpu.memory_space<vmem>>) semaphore(%arg13 : memref<!tpu.dma_semaphore, #tpu.memory_space<semaphore_mem>>)
    %dma_wait3A = arith.constant 0 : i32
    %dma_wait3A_13 = tpu.memref_slice %arg9[%dma_wait3A] : memref<1536xi32, #tpu.memory_space<vmem>> -> memref<512xi32, #tpu.memory_space<vmem>>
    %dma_wait3A_14 = arith.constant 0 : i32
    %dma_wait3A_15 = arith.constant 0 : i32
    %dma_wait3A_16 = tpu.memref_slice %arg2[%dma_wait3A_14, %dma_wait3A_15] : memref<1000000x64xf32, #tpu.memory_space<hbm>> -> memref<1000000x64xf32, #tpu.memory_space<hbm>>
    tpu.wait_indirect_dma semaphore(%arg13 : memref<!tpu.dma_semaphore, #tpu.memory_space<semaphore_mem>>) src(%dma_wait3A_16 : memref<1000000x64xf32, #tpu.memory_space<hbm>>) dst(%arg12 : memref<512x64xf32, #tpu.memory_space<vmem>>)
    %add3A_17 = arith.constant 0 : i32
    %add3A_18 = arith.addi %mul3A_2, %add3A_17 : i32
    "tpu.region"() ({
      %run_scoped3A = tpu.sem_alloc : memref<!tpu.dma_semaphore, #tpu.memory_space<semaphore_mem>>
      %dma_start3A_43 = arith.constant 0 : i32
      %dma_start3A_44 = tpu.memref_slice %arg7[%add3A_18, %dma_start3A_43] : memref<49152x64xf32, #tpu.memory_space<hbm>> -> memref<512x64xf32, #tpu.memory_space<hbm>>
      %dma_start3A_45 = arith.constant 0 : i32
      %dma_start3A_46 = tpu.memref_slice %arg7[%add3A_18, %dma_start3A_45] : memref<49152x64xf32, #tpu.memory_space<hbm>> -> memref<512x64xf32, #tpu.memory_space<hbm>>
      tpu.enqueue_dma source(%arg12 : memref<512x64xf32, #tpu.memory_space<vmem>>) target(%dma_start3A_46 : memref<512x64xf32, #tpu.memory_space<hbm>>) target_semaphore(%run_scoped3A : memref<!tpu.dma_semaphore, #tpu.memory_space<semaphore_mem>>)
      %dma_wait3A_47 = arith.constant 0 : i32
      %dma_wait3A_48 = tpu.memref_slice %arg7[%add3A_18, %dma_wait3A_47] : memref<49152x64xf32, #tpu.memory_space<hbm>> -> memref<512x64xf32, #tpu.memory_space<hbm>>
      %dma_wait3A_49 = arith.constant 0 : i32
      %dma_wait3A_50 = tpu.memref_slice %arg7[%add3A_18, %dma_wait3A_49] : memref<49152x64xf32, #tpu.memory_space<hbm>> -> memref<512x64xf32, #tpu.memory_space<hbm>>
      tpu.wait_dma2 semaphore(%run_scoped3A : memref<!tpu.dma_semaphore, #tpu.memory_space<semaphore_mem>>) src(%arg12 : memref<512x64xf32, #tpu.memory_space<vmem>>) dst(%dma_wait3A_50 : memref<512x64xf32, #tpu.memory_space<hbm>>)
      tpu.yield
    }) : () -> ()
    %dma_start3A_19 = arith.constant 512 : i32
    %dma_start3A_20 = tpu.memref_slice %arg9[%dma_start3A_19] : memref<1536xi32, #tpu.memory_space<vmem>> -> memref<512xi32, #tpu.memory_space<vmem>>
    %dma_start3A_21 = arith.constant 0 : i32
    %dma_start3A_22 = arith.constant 0 : i32
    %dma_start3A_23 = tpu.memref_slice %arg2[%dma_start3A_21, %dma_start3A_22] : memref<1000000x64xf32, #tpu.memory_space<hbm>> -> memref<1000000x64xf32, #tpu.memory_space<hbm>>
    tpu.enqueue_indirect_dma source(%dma_start3A_23 : memref<1000000x64xf32, #tpu.memory_space<hbm>>) target(%arg12 : memref<512x64xf32, #tpu.memory_space<vmem>>) offsets(%dma_start3A_20 : memref<512xi32, #tpu.memory_space<vmem>>) semaphore(%arg13 : memref<!tpu.dma_semaphore, #tpu.memory_space<semaphore_mem>>)
    %dma_wait3A_24 = arith.constant 512 : i32
    %dma_wait3A_25 = tpu.memref_slice %arg9[%dma_wait3A_24] : memref<1536xi32, #tpu.memory_space<vmem>> -> memref<512xi32, #tpu.memory_space<vmem>>
    %dma_wait3A_26 = arith.constant 0 : i32
    %dma_wait3A_27 = arith.constant 0 : i32
    %dma_wait3A_28 = tpu.memref_slice %arg2[%dma_wait3A_26, %dma_wait3A_27] : memref<1000000x64xf32, #tpu.memory_space<hbm>> -> memref<1000000x64xf32, #tpu.memory_space<hbm>>
    tpu.wait_indirect_dma semaphore(%arg13 : memref<!tpu.dma_semaphore, #tpu.memory_space<semaphore_mem>>) src(%dma_wait3A_28 : memref<1000000x64xf32, #tpu.memory_space<hbm>>) dst(%arg12 : memref<512x64xf32, #tpu.memory_space<vmem>>)
    %add3A_29 = arith.constant 512 : i32
    %add3A_30 = arith.addi %mul3A_2, %add3A_29 : i32
    "tpu.region"() ({
      %run_scoped3A = tpu.sem_alloc : memref<!tpu.dma_semaphore, #tpu.memory_space<semaphore_mem>>
      %dma_start3A_43 = arith.constant 0 : i32
      %dma_start3A_44 = tpu.memref_slice %arg7[%add3A_30, %dma_start3A_43] : memref<49152x64xf32, #tpu.memory_space<hbm>> -> memref<512x64xf32, #tpu.memory_space<hbm>>
      %dma_start3A_45 = arith.constant 0 : i32
      %dma_start3A_46 = tpu.memref_slice %arg7[%add3A_30, %dma_start3A_45] : memref<49152x64xf32, #tpu.memory_space<hbm>> -> memref<512x64xf32, #tpu.memory_space<hbm>>
      tpu.enqueue_dma source(%arg12 : memref<512x64xf32, #tpu.memory_space<vmem>>) target(%dma_start3A_46 : memref<512x64xf32, #tpu.memory_space<hbm>>) target_semaphore(%run_scoped3A : memref<!tpu.dma_semaphore, #tpu.memory_space<semaphore_mem>>)
      %dma_wait3A_47 = arith.constant 0 : i32
      %dma_wait3A_48 = tpu.memref_slice %arg7[%add3A_30, %dma_wait3A_47] : memref<49152x64xf32, #tpu.memory_space<hbm>> -> memref<512x64xf32, #tpu.memory_space<hbm>>
      %dma_wait3A_49 = arith.constant 0 : i32
      %dma_wait3A_50 = tpu.memref_slice %arg7[%add3A_30, %dma_wait3A_49] : memref<49152x64xf32, #tpu.memory_space<hbm>> -> memref<512x64xf32, #tpu.memory_space<hbm>>
      tpu.wait_dma2 semaphore(%run_scoped3A : memref<!tpu.dma_semaphore, #tpu.memory_space<semaphore_mem>>) src(%arg12 : memref<512x64xf32, #tpu.memory_space<vmem>>) dst(%dma_wait3A_50 : memref<512x64xf32, #tpu.memory_space<hbm>>)
      tpu.yield
    }) : () -> ()
    %dma_start3A_31 = arith.constant 1024 : i32
    %dma_start3A_32 = tpu.memref_slice %arg9[%dma_start3A_31] : memref<1536xi32, #tpu.memory_space<vmem>> -> memref<512xi32, #tpu.memory_space<vmem>>
    %dma_start3A_33 = arith.constant 0 : i32
    %dma_start3A_34 = arith.constant 0 : i32
    %dma_start3A_35 = tpu.memref_slice %arg2[%dma_start3A_33, %dma_start3A_34] : memref<1000000x64xf32, #tpu.memory_space<hbm>> -> memref<1000000x64xf32, #tpu.memory_space<hbm>>
    tpu.enqueue_indirect_dma source(%dma_start3A_35 : memref<1000000x64xf32, #tpu.memory_space<hbm>>) target(%arg12 : memref<512x64xf32, #tpu.memory_space<vmem>>) offsets(%dma_start3A_32 : memref<512xi32, #tpu.memory_space<vmem>>) semaphore(%arg13 : memref<!tpu.dma_semaphore, #tpu.memory_space<semaphore_mem>>)
    %dma_wait3A_36 = arith.constant 1024 : i32
    %dma_wait3A_37 = tpu.memref_slice %arg9[%dma_wait3A_36] : memref<1536xi32, #tpu.memory_space<vmem>> -> memref<512xi32, #tpu.memory_space<vmem>>
    %dma_wait3A_38 = arith.constant 0 : i32
    %dma_wait3A_39 = arith.constant 0 : i32
    %dma_wait3A_40 = tpu.memref_slice %arg2[%dma_wait3A_38, %dma_wait3A_39] : memref<1000000x64xf32, #tpu.memory_space<hbm>> -> memref<1000000x64xf32, #tpu.memory_space<hbm>>
    tpu.wait_indirect_dma semaphore(%arg13 : memref<!tpu.dma_semaphore, #tpu.memory_space<semaphore_mem>>) src(%dma_wait3A_40 : memref<1000000x64xf32, #tpu.memory_space<hbm>>) dst(%arg12 : memref<512x64xf32, #tpu.memory_space<vmem>>)
    %add3A_41 = arith.constant 1024 : i32
    %add3A_42 = arith.addi %mul3A_2, %add3A_41 : i32
    "tpu.region"() ({
      %run_scoped3A = tpu.sem_alloc : memref<!tpu.dma_semaphore, #tpu.memory_space<semaphore_mem>>
      %dma_start3A_43 = arith.constant 0 : i32
      %dma_start3A_44 = tpu.memref_slice %arg7[%add3A_42, %dma_start3A_43] : memref<49152x64xf32, #tpu.memory_space<hbm>> -> memref<512x64xf32, #tpu.memory_space<hbm>>
      %dma_start3A_45 = arith.constant 0 : i32
      %dma_start3A_46 = tpu.memref_slice %arg7[%add3A_42, %dma_start3A_45] : memref<49152x64xf32, #tpu.memory_space<hbm>> -> memref<512x64xf32, #tpu.memory_space<hbm>>
      tpu.enqueue_dma source(%arg12 : memref<512x64xf32, #tpu.memory_space<vmem>>) target(%dma_start3A_46 : memref<512x64xf32, #tpu.memory_space<hbm>>) target_semaphore(%run_scoped3A : memref<!tpu.dma_semaphore, #tpu.memory_space<semaphore_mem>>)
      %dma_wait3A_47 = arith.constant 0 : i32
      %dma_wait3A_48 = tpu.memref_slice %arg7[%add3A_42, %dma_wait3A_47] : memref<49152x64xf32, #tpu.memory_space<hbm>> -> memref<512x64xf32, #tpu.memory_space<hbm>>
      %dma_wait3A_49 = arith.constant 0 : i32
      %dma_wait3A_50 = tpu.memref_slice %arg7[%add3A_42, %dma_wait3A_49] : memref<49152x64xf32, #tpu.memory_space<hbm>> -> memref<512x64xf32, #tpu.memory_space<hbm>>
      tpu.wait_dma2 semaphore(%run_scoped3A : memref<!tpu.dma_semaphore, #tpu.memory_space<semaphore_mem>>) src(%arg12 : memref<512x64xf32, #tpu.memory_space<vmem>>) dst(%dma_wait3A_50 : memref<512x64xf32, #tpu.memory_space<hbm>>)
      tpu.yield
    }) : () -> ()
    return
  }
}

module attributes {stable_mosaic.version = 14 : i64} {
  func.func @_sample_body(%arg0: i32, %arg1: memref<1x771072xf32, #tpu.memory_space<vmem>>, %arg2: memref<1x8x1xi32, #tpu.memory_space<vmem>>, %arg3: memref<1x8x1xf32, #tpu.memory_space<vmem>>) attributes {dimension_semantics = [#tpu.dimension_semantics<arbitrary>], iteration_bounds = array<i64: 6144>, scalar_prefetch = 0 : i64, scratch_operands = 0 : i64, tpu.core_type = #tpu.core_type<tc>, window_params = [{pipeline_mode = #tpu.pipeline_mode<synchronous>, transform_indices = @transform_0, window_bounds = array<i64: 1, 771072>}, {transform_indices = @transform_1, window_bounds = array<i64: 1, 8, 1>}, {transform_indices = @transform_2, window_bounds = array<i64: 1, 8, 1>}]} {
    %iota3A = tpu.iota {dimensions = array<i32: 0>} : vector<8x1xi32>
    %mul3A = arith.constant 8 : i32
    %mul3A_0 = arith.muli %arg0, %mul3A : i32
    %add3A = vector.broadcast %mul3A_0 : i32 to vector<8x1xi32>
    %add3A_1 = arith.addi %add3A, %iota3A : vector<8x1xi32>
    %mul3A_2 = arith.constant 1000000 : i32
    %mul3A_3 = vector.broadcast %mul3A_2 : i32 to vector<8x1xi32>
    %mul3A_4 = arith.muli %add3A_1, %mul3A_3 : vector<8x1xi32>
    %mul3A_5 = arith.constant 15625 : i32
    %mul3A_6 = vector.broadcast %mul3A_5 : i32 to vector<8x1xi32>
    %mul3A_7 = arith.muli %add3A_1, %mul3A_6 : vector<8x1xi32>
    %shift_right_logical3A = arith.constant 26 : i32
    %shift_right_logical3A_8 = vector.broadcast %shift_right_logical3A : i32 to vector<8x1xi32>
    %shift_right_logical3A_9 = arith.shrui %mul3A_7, %shift_right_logical3A_8 : vector<8x1xi32>
    %not3A = arith.constant dense<-1> : vector<8x1xi32>
    %not3A_10 = arith.xori %mul3A_4, %not3A : vector<8x1xi32>
    %bitcast_convert_type3A = tpu.bitcast %not3A_10 : vector<8x1xi32> -> vector<8x1xi32>
    %add3A_11 = arith.constant 1 : i32
    %add3A_12 = vector.broadcast %add3A_11 : i32 to vector<8x1xi32>
    %add3A_13 = arith.addi %shift_right_logical3A_9, %add3A_12 : vector<8x1xi32>
    %iota3A_14 = tpu.iota {dimensions = array<i32: 1>} : vector<8x1024xi32>
    %add3A_15 = arith.constant 42 : i32
    %add3A_16 = vector.broadcast %add3A_15 : i32 to vector<8x1xi32>
    %add3A_17 = arith.addi %mul3A_4, %add3A_16 : vector<8x1xi32>
    %add3A_18 = vector.broadcast %add3A_17 : vector<8x1xi32> to vector<8x1024xi32>
    %add3A_19 = arith.addi %add3A_18, %iota3A_14 : vector<8x1024xi32>
    %broadcast_in_dim3A = arith.constant 0xFF800000 : f32
    %broadcast_in_dim3A_20 = vector.broadcast %broadcast_in_dim3A : f32 to vector<8x1024xf32>
    %broadcast_in_dim3A_21 = arith.constant 0 : i32
    %broadcast_in_dim3A_22 = vector.broadcast %broadcast_in_dim3A_21 : i32 to vector<8x1024xi32>
    %scan3A = arith.constant 0 : i32
    %scan3A_23 = arith.constant 752 : i32
    %scan3A_24 = arith.addi %scan3A, %scan3A_23 : i32
    %scan3A_25 = arith.constant 2 : i32
    %scan3A_26:2 = scf.for %scan3A_289 = %scan3A to %scan3A_24 step %scan3A_25 iter_args(%scan3A_290 = %broadcast_in_dim3A_20, %scan3A_291 = %broadcast_in_dim3A_22) -> (vector<8x1024xf32>, vector<8x1024xi32>)  : i32 {
      %mul3A_292 = arith.constant 1024 : i32
      %mul3A_293 = arith.muli %scan3A_289, %mul3A_292 : i32
      %add3A_294 = vector.broadcast %mul3A_293 : i32 to vector<8x1024xi32>
      %add3A_295 = arith.addi %iota3A_14, %add3A_294 : vector<8x1024xi32>
      %add3A_296 = vector.broadcast %mul3A_293 : i32 to vector<8x1024xi32>
      %add3A_297 = arith.addi %add3A_19, %add3A_296 : vector<8x1024xi32>
      %bitcast_convert_type3A_298 = tpu.bitcast %add3A_295 : vector<8x1024xi32> -> vector<8x1024xi32>
      %gt3A_299 = vector.broadcast %bitcast_convert_type3A : vector<8x1xi32> to vector<8x1024xi32>
      %gt3A_300 = arith.cmpi ugt, %bitcast_convert_type3A_298, %gt3A_299 : vector<8x1024xi32>
      %broadcast_in_dim3A_301 = vector.shape_cast %add3A_13 : vector<8x1xi32> to vector<8x1xi32>
      %broadcast_in_dim3A_302 = vector.broadcast %broadcast_in_dim3A_301 : vector<8x1xi32> to vector<8x1024xi32>
      %broadcast_in_dim3A_303 = vector.shape_cast %shift_right_logical3A_9 : vector<8x1xi32> to vector<8x1xi32>
      %broadcast_in_dim3A_304 = vector.broadcast %broadcast_in_dim3A_303 : vector<8x1xi32> to vector<8x1024xi32>
      %select_n3A_305 = arith.select %gt3A_300, %broadcast_in_dim3A_302, %broadcast_in_dim3A_304 : vector<8x1024xi1>, vector<8x1024xi32>
      %add3A_306 = arith.addi %select_n3A_305, %add3A_297 : vector<8x1024xi32>
      %shift_left3A_307 = arith.constant 13 : i32
      %shift_left3A_308 = vector.broadcast %shift_left3A_307 : i32 to vector<8x1024xi32>
      %shift_left3A_309 = arith.shli %add3A_297, %shift_left3A_308 : vector<8x1024xi32>
      %shift_right_logical3A_310 = arith.constant 19 : i32
      %shift_right_logical3A_311 = vector.broadcast %shift_right_logical3A_310 : i32 to vector<8x1024xi32>
      %shift_right_logical3A_312 = arith.shrui %add3A_297, %shift_right_logical3A_311 : vector<8x1024xi32>
      %or3A_313 = arith.ori %shift_left3A_309, %shift_right_logical3A_312 : vector<8x1024xi32>
      %xor3A_314 = arith.xori %add3A_306, %or3A_313 : vector<8x1024xi32>
      %add3A_315 = arith.addi %add3A_306, %xor3A_314 : vector<8x1024xi32>
      %shift_left3A_316 = arith.constant 15 : i32
      %shift_left3A_317 = vector.broadcast %shift_left3A_316 : i32 to vector<8x1024xi32>
      %shift_left3A_318 = arith.shli %xor3A_314, %shift_left3A_317 : vector<8x1024xi32>
      %shift_right_logical3A_319 = arith.constant 17 : i32
      %shift_right_logical3A_320 = vector.broadcast %shift_right_logical3A_319 : i32 to vector<8x1024xi32>
      %shift_right_logical3A_321 = arith.shrui %xor3A_314, %shift_right_logical3A_320 : vector<8x1024xi32>
      %or3A_322 = arith.ori %shift_left3A_318, %shift_right_logical3A_321 : vector<8x1024xi32>
      %xor3A_323 = arith.xori %add3A_315, %or3A_322 : vector<8x1024xi32>
      %add3A_324 = arith.addi %add3A_315, %xor3A_323 : vector<8x1024xi32>
      %shift_left3A_325 = arith.constant 26 : i32
      %shift_left3A_326 = vector.broadcast %shift_left3A_325 : i32 to vector<8x1024xi32>
      %shift_left3A_327 = arith.shli %xor3A_323, %shift_left3A_326 : vector<8x1024xi32>
      %shift_right_logical3A_328 = arith.constant 6 : i32
      %shift_right_logical3A_329 = vector.broadcast %shift_right_logical3A_328 : i32 to vector<8x1024xi32>
      %shift_right_logical3A_330 = arith.shrui %xor3A_323, %shift_right_logical3A_329 : vector<8x1024xi32>
      %or3A_331 = arith.ori %shift_left3A_327, %shift_right_logical3A_330 : vector<8x1024xi32>
      %xor3A_332 = arith.xori %add3A_324, %or3A_331 : vector<8x1024xi32>
      %add3A_333 = arith.addi %add3A_324, %xor3A_332 : vector<8x1024xi32>
      %shift_left3A_334 = arith.constant 6 : i32
      %shift_left3A_335 = vector.broadcast %shift_left3A_334 : i32 to vector<8x1024xi32>
      %shift_left3A_336 = arith.shli %xor3A_332, %shift_left3A_335 : vector<8x1024xi32>
      %shift_right_logical3A_337 = arith.constant 26 : i32
      %shift_right_logical3A_338 = vector.broadcast %shift_right_logical3A_337 : i32 to vector<8x1024xi32>
      %shift_right_logical3A_339 = arith.shrui %xor3A_332, %shift_right_logical3A_338 : vector<8x1024xi32>
      %or3A_340 = arith.ori %shift_left3A_336, %shift_right_logical3A_339 : vector<8x1024xi32>
      %xor3A_341 = arith.xori %add3A_333, %or3A_340 : vector<8x1024xi32>
      %add3A_342 = arith.constant 42 : i32
      %add3A_343 = vector.broadcast %add3A_342 : i32 to vector<8x1024xi32>
      %add3A_344 = arith.addi %add3A_333, %add3A_343 : vector<8x1024xi32>
      %add3A_345 = arith.constant 466689008 : i32
      %add3A_346 = arith.constant 1 : i32
      %add3A_347 = arith.addi %add3A_345, %add3A_346 : i32
      %add3A_348 = vector.broadcast %add3A_347 : i32 to vector<8x1024xi32>
      %add3A_349 = arith.addi %xor3A_341, %add3A_348 : vector<8x1024xi32>
      %add3A_350 = arith.addi %add3A_344, %add3A_349 : vector<8x1024xi32>
      %shift_left3A_351 = arith.constant 17 : i32
      %shift_left3A_352 = vector.broadcast %shift_left3A_351 : i32 to vector<8x1024xi32>
      %shift_left3A_353 = arith.shli %add3A_349, %shift_left3A_352 : vector<8x1024xi32>
      %shift_right_logical3A_354 = arith.constant 15 : i32
      %shift_right_logical3A_355 = vector.broadcast %shift_right_logical3A_354 : i32 to vector<8x1024xi32>
      %shift_right_logical3A_356 = arith.shrui %add3A_349, %shift_right_logical3A_355 : vector<8x1024xi32>
      %or3A_357 = arith.ori %shift_left3A_353, %shift_right_logical3A_356 : vector<8x1024xi32>
      %xor3A_358 = arith.xori %add3A_350, %or3A_357 : vector<8x1024xi32>
      %add3A_359 = arith.addi %add3A_350, %xor3A_358 : vector<8x1024xi32>
      %shift_left3A_360 = arith.constant 29 : i32
      %shift_left3A_361 = vector.broadcast %shift_left3A_360 : i32 to vector<8x1024xi32>
      %shift_left3A_362 = arith.shli %xor3A_358, %shift_left3A_361 : vector<8x1024xi32>
      %shift_right_logical3A_363 = arith.constant 3 : i32
      %shift_right_logical3A_364 = vector.broadcast %shift_right_logical3A_363 : i32 to vector<8x1024xi32>
      %shift_right_logical3A_365 = arith.shrui %xor3A_358, %shift_right_logical3A_364 : vector<8x1024xi32>
      %or3A_366 = arith.ori %shift_left3A_362, %shift_right_logical3A_365 : vector<8x1024xi32>
      %xor3A_367 = arith.xori %add3A_359, %or3A_366 : vector<8x1024xi32>
      %add3A_368 = arith.addi %add3A_359, %xor3A_367 : vector<8x1024xi32>
      %shift_left3A_369 = arith.constant 16 : i32
      %shift_left3A_370 = vector.broadcast %shift_left3A_369 : i32 to vector<8x1024xi32>
      %shift_left3A_371 = arith.shli %xor3A_367, %shift_left3A_370 : vector<8x1024xi32>
      %shift_right_logical3A_372 = arith.constant 16 : i32
      %shift_right_logical3A_373 = vector.broadcast %shift_right_logical3A_372 : i32 to vector<8x1024xi32>
      %shift_right_logical3A_374 = arith.shrui %xor3A_367, %shift_right_logical3A_373 : vector<8x1024xi32>
      %or3A_375 = arith.ori %shift_left3A_371, %shift_right_logical3A_374 : vector<8x1024xi32>
      %xor3A_376 = arith.xori %add3A_368, %or3A_375 : vector<8x1024xi32>
      %add3A_377 = arith.addi %add3A_368, %xor3A_376 : vector<8x1024xi32>
      %shift_left3A_378 = arith.constant 24 : i32
      %shift_left3A_379 = vector.broadcast %shift_left3A_378 : i32 to vector<8x1024xi32>
      %shift_left3A_380 = arith.shli %xor3A_376, %shift_left3A_379 : vector<8x1024xi32>
      %shift_right_logical3A_381 = arith.constant 8 : i32
      %shift_right_logical3A_382 = vector.broadcast %shift_right_logical3A_381 : i32 to vector<8x1024xi32>
      %shift_right_logical3A_383 = arith.shrui %xor3A_376, %shift_right_logical3A_382 : vector<8x1024xi32>
      %or3A_384 = arith.ori %shift_left3A_380, %shift_right_logical3A_383 : vector<8x1024xi32>
      %xor3A_385 = arith.xori %add3A_377, %or3A_384 : vector<8x1024xi32>
      %add3A_386 = arith.constant 466689008 : i32
      %add3A_387 = vector.broadcast %add3A_386 : i32 to vector<8x1024xi32>
      %add3A_388 = arith.addi %add3A_377, %add3A_387 : vector<8x1024xi32>
      %add3A_389 = arith.constant 2 : i32
      %add3A_390 = vector.broadcast %add3A_389 : i32 to vector<8x1024xi32>
      %add3A_391 = arith.addi %xor3A_385, %add3A_390 : vector<8x1024xi32>
      %add3A_392 = arith.addi %add3A_388, %add3A_391 : vector<8x1024xi32>
      %shift_left3A_393 = arith.constant 13 : i32
      %shift_left3A_394 = vector.broadcast %shift_left3A_393 : i32 to vector<8x1024xi32>
      %shift_left3A_395 = arith.shli %add3A_391, %shift_left3A_394 : vector<8x1024xi32>
      %shift_right_logical3A_396 = arith.constant 19 : i32
      %shift_right_logical3A_397 = vector.broadcast %shift_right_logical3A_396 : i32 to vector<8x1024xi32>
      %shift_right_logical3A_398 = arith.shrui %add3A_391, %shift_right_logical3A_397 : vector<8x1024xi32>
      %or3A_399 = arith.ori %shift_left3A_395, %shift_right_logical3A_398 : vector<8x1024xi32>
      %xor3A_400 = arith.xori %add3A_392, %or3A_399 : vector<8x1024xi32>
      %add3A_401 = arith.addi %add3A_392, %xor3A_400 : vector<8x1024xi32>
      %shift_left3A_402 = arith.constant 15 : i32
      %shift_left3A_403 = vector.broadcast %shift_left3A_402 : i32 to vector<8x1024xi32>
      %shift_left3A_404 = arith.shli %xor3A_400, %shift_left3A_403 : vector<8x1024xi32>
      %shift_right_logical3A_405 = arith.constant 17 : i32
      %shift_right_logical3A_406 = vector.broadcast %shift_right_logical3A_405 : i32 to vector<8x1024xi32>
      %shift_right_logical3A_407 = arith.shrui %xor3A_400, %shift_right_logical3A_406 : vector<8x1024xi32>
      %or3A_408 = arith.ori %shift_left3A_404, %shift_right_logical3A_407 : vector<8x1024xi32>
      %xor3A_409 = arith.xori %add3A_401, %or3A_408 : vector<8x1024xi32>
      %add3A_410 = arith.addi %add3A_401, %xor3A_409 : vector<8x1024xi32>
      %shift_left3A_411 = arith.constant 26 : i32
      %shift_left3A_412 = vector.broadcast %shift_left3A_411 : i32 to vector<8x1024xi32>
      %shift_left3A_413 = arith.shli %xor3A_409, %shift_left3A_412 : vector<8x1024xi32>
      %shift_right_logical3A_414 = arith.constant 6 : i32
      %shift_right_logical3A_415 = vector.broadcast %shift_right_logical3A_414 : i32 to vector<8x1024xi32>
      %shift_right_logical3A_416 = arith.shrui %xor3A_409, %shift_right_logical3A_415 : vector<8x1024xi32>
      %or3A_417 = arith.ori %shift_left3A_413, %shift_right_logical3A_416 : vector<8x1024xi32>
      %xor3A_418 = arith.xori %add3A_410, %or3A_417 : vector<8x1024xi32>
      %add3A_419 = arith.addi %add3A_410, %xor3A_418 : vector<8x1024xi32>
      %shift_left3A_420 = arith.constant 6 : i32
      %shift_left3A_421 = vector.broadcast %shift_left3A_420 : i32 to vector<8x1024xi32>
      %shift_left3A_422 = arith.shli %xor3A_418, %shift_left3A_421 : vector<8x1024xi32>
      %shift_right_logical3A_423 = arith.constant 26 : i32
      %shift_right_logical3A_424 = vector.broadcast %shift_right_logical3A_423 : i32 to vector<8x1024xi32>
      %shift_right_logical3A_425 = arith.shrui %xor3A_418, %shift_right_logical3A_424 : vector<8x1024xi32>
      %or3A_426 = arith.ori %shift_left3A_422, %shift_right_logical3A_425 : vector<8x1024xi32>
      %xor3A_427 = arith.xori %add3A_419, %or3A_426 : vector<8x1024xi32>
      %add3A_428 = arith.constant 45 : i32
      %add3A_429 = vector.broadcast %add3A_428 : i32 to vector<8x1024xi32>
      %add3A_430 = arith.addi %xor3A_427, %add3A_429 : vector<8x1024xi32>
      %add3A_431 = arith.addi %add3A_419, %add3A_430 : vector<8x1024xi32>
      %shift_left3A_432 = arith.constant 17 : i32
      %shift_left3A_433 = vector.broadcast %shift_left3A_432 : i32 to vector<8x1024xi32>
      %shift_left3A_434 = arith.shli %add3A_430, %shift_left3A_433 : vector<8x1024xi32>
      %shift_right_logical3A_435 = arith.constant 15 : i32
      %shift_right_logical3A_436 = vector.broadcast %shift_right_logical3A_435 : i32 to vector<8x1024xi32>
      %shift_right_logical3A_437 = arith.shrui %add3A_430, %shift_right_logical3A_436 : vector<8x1024xi32>
      %or3A_438 = arith.ori %shift_left3A_434, %shift_right_logical3A_437 : vector<8x1024xi32>
      %xor3A_439 = arith.xori %add3A_431, %or3A_438 : vector<8x1024xi32>
      %add3A_440 = arith.addi %add3A_431, %xor3A_439 : vector<8x1024xi32>
      %shift_left3A_441 = arith.constant 29 : i32
      %shift_left3A_442 = vector.broadcast %shift_left3A_441 : i32 to vector<8x1024xi32>
      %shift_left3A_443 = arith.shli %xor3A_439, %shift_left3A_442 : vector<8x1024xi32>
      %shift_right_logical3A_444 = arith.constant 3 : i32
      %shift_right_logical3A_445 = vector.broadcast %shift_right_logical3A_444 : i32 to vector<8x1024xi32>
      %shift_right_logical3A_446 = arith.shrui %xor3A_439, %shift_right_logical3A_445 : vector<8x1024xi32>
      %or3A_447 = arith.ori %shift_left3A_443, %shift_right_logical3A_446 : vector<8x1024xi32>
      %xor3A_448 = arith.xori %add3A_440, %or3A_447 : vector<8x1024xi32>
      %add3A_449 = arith.addi %add3A_440, %xor3A_448 : vector<8x1024xi32>
      %shift_left3A_450 = arith.constant 16 : i32
      %shift_left3A_451 = vector.broadcast %shift_left3A_450 : i32 to vector<8x1024xi32>
      %shift_left3A_452 = arith.shli %xor3A_448, %shift_left3A_451 : vector<8x1024xi32>
      %shift_right_logical3A_453 = arith.constant 16 : i32
      %shift_right_logical3A_454 = vector.broadcast %shift_right_logical3A_453 : i32 to vector<8x1024xi32>
      %shift_right_logical3A_455 = arith.shrui %xor3A_448, %shift_right_logical3A_454 : vector<8x1024xi32>
      %or3A_456 = arith.ori %shift_left3A_452, %shift_right_logical3A_455 : vector<8x1024xi32>
      %xor3A_457 = arith.xori %add3A_449, %or3A_456 : vector<8x1024xi32>
      %add3A_458 = arith.addi %add3A_449, %xor3A_457 : vector<8x1024xi32>
      %shift_left3A_459 = arith.constant 24 : i32
      %shift_left3A_460 = vector.broadcast %shift_left3A_459 : i32 to vector<8x1024xi32>
      %shift_left3A_461 = arith.shli %xor3A_457, %shift_left3A_460 : vector<8x1024xi32>
      %shift_right_logical3A_462 = arith.constant 8 : i32
      %shift_right_logical3A_463 = vector.broadcast %shift_right_logical3A_462 : i32 to vector<8x1024xi32>
      %shift_right_logical3A_464 = arith.shrui %xor3A_457, %shift_right_logical3A_463 : vector<8x1024xi32>
      %or3A_465 = arith.ori %shift_left3A_461, %shift_right_logical3A_464 : vector<8x1024xi32>
      %xor3A_466 = arith.xori %add3A_458, %or3A_465 : vector<8x1024xi32>
      %add3A_467 = arith.constant 42 : i32
      %add3A_468 = vector.broadcast %add3A_467 : i32 to vector<8x1024xi32>
      %add3A_469 = arith.addi %add3A_458, %add3A_468 : vector<8x1024xi32>
      %add3A_470 = arith.constant 466689008 : i32
      %add3A_471 = arith.constant 4 : i32
      %add3A_472 = arith.addi %add3A_470, %add3A_471 : i32
      %add3A_473 = vector.broadcast %add3A_472 : i32 to vector<8x1024xi32>
      %add3A_474 = arith.addi %xor3A_466, %add3A_473 : vector<8x1024xi32>
      %add3A_475 = arith.addi %add3A_469, %add3A_474 : vector<8x1024xi32>
      %shift_left3A_476 = arith.constant 13 : i32
      %shift_left3A_477 = vector.broadcast %shift_left3A_476 : i32 to vector<8x1024xi32>
      %shift_left3A_478 = arith.shli %add3A_474, %shift_left3A_477 : vector<8x1024xi32>
      %shift_right_logical3A_479 = arith.constant 19 : i32
      %shift_right_logical3A_480 = vector.broadcast %shift_right_logical3A_479 : i32 to vector<8x1024xi32>
      %shift_right_logical3A_481 = arith.shrui %add3A_474, %shift_right_logical3A_480 : vector<8x1024xi32>
      %or3A_482 = arith.ori %shift_left3A_478, %shift_right_logical3A_481 : vector<8x1024xi32>
      %xor3A_483 = arith.xori %add3A_475, %or3A_482 : vector<8x1024xi32>
      %add3A_484 = arith.addi %add3A_475, %xor3A_483 : vector<8x1024xi32>
      %shift_left3A_485 = arith.constant 15 : i32
      %shift_left3A_486 = vector.broadcast %shift_left3A_485 : i32 to vector<8x1024xi32>
      %shift_left3A_487 = arith.shli %xor3A_483, %shift_left3A_486 : vector<8x1024xi32>
      %shift_right_logical3A_488 = arith.constant 17 : i32
      %shift_right_logical3A_489 = vector.broadcast %shift_right_logical3A_488 : i32 to vector<8x1024xi32>
      %shift_right_logical3A_490 = arith.shrui %xor3A_483, %shift_right_logical3A_489 : vector<8x1024xi32>
      %or3A_491 = arith.ori %shift_left3A_487, %shift_right_logical3A_490 : vector<8x1024xi32>
      %xor3A_492 = arith.xori %add3A_484, %or3A_491 : vector<8x1024xi32>
      %add3A_493 = arith.addi %add3A_484, %xor3A_492 : vector<8x1024xi32>
      %shift_left3A_494 = arith.constant 26 : i32
      %shift_left3A_495 = vector.broadcast %shift_left3A_494 : i32 to vector<8x1024xi32>
      %shift_left3A_496 = arith.shli %xor3A_492, %shift_left3A_495 : vector<8x1024xi32>
      %shift_right_logical3A_497 = arith.constant 6 : i32
      %shift_right_logical3A_498 = vector.broadcast %shift_right_logical3A_497 : i32 to vector<8x1024xi32>
      %shift_right_logical3A_499 = arith.shrui %xor3A_492, %shift_right_logical3A_498 : vector<8x1024xi32>
      %or3A_500 = arith.ori %shift_left3A_496, %shift_right_logical3A_499 : vector<8x1024xi32>
      %xor3A_501 = arith.xori %add3A_493, %or3A_500 : vector<8x1024xi32>
      %add3A_502 = arith.addi %add3A_493, %xor3A_501 : vector<8x1024xi32>
      %shift_left3A_503 = arith.constant 6 : i32
      %shift_left3A_504 = vector.broadcast %shift_left3A_503 : i32 to vector<8x1024xi32>
      %shift_left3A_505 = arith.shli %xor3A_501, %shift_left3A_504 : vector<8x1024xi32>
      %shift_right_logical3A_506 = arith.constant 26 : i32
      %shift_right_logical3A_507 = vector.broadcast %shift_right_logical3A_506 : i32 to vector<8x1024xi32>
      %shift_right_logical3A_508 = arith.shrui %xor3A_501, %shift_right_logical3A_507 : vector<8x1024xi32>
      %or3A_509 = arith.ori %shift_left3A_505, %shift_right_logical3A_508 : vector<8x1024xi32>
      %xor3A_510 = arith.xori %add3A_502, %or3A_509 : vector<8x1024xi32>
      %add3A_511 = arith.constant 466689008 : i32
      %add3A_512 = vector.broadcast %add3A_511 : i32 to vector<8x1024xi32>
      %add3A_513 = arith.addi %add3A_502, %add3A_512 : vector<8x1024xi32>
      %add3A_514 = arith.constant 5 : i32
      %add3A_515 = vector.broadcast %add3A_514 : i32 to vector<8x1024xi32>
      %add3A_516 = arith.addi %xor3A_510, %add3A_515 : vector<8x1024xi32>
      %xor3A_517 = arith.xori %add3A_513, %add3A_516 : vector<8x1024xi32>
      %shift_right_logical3A_518 = arith.constant 9 : i32
      %shift_right_logical3A_519 = vector.broadcast %shift_right_logical3A_518 : i32 to vector<8x1024xi32>
      %shift_right_logical3A_520 = arith.shrui %xor3A_517, %shift_right_logical3A_519 : vector<8x1024xi32>
      %or3A_521 = arith.constant 1065353216 : i32
      %or3A_522 = vector.broadcast %or3A_521 : i32 to vector<8x1024xi32>
      %or3A_523 = arith.ori %shift_right_logical3A_520, %or3A_522 : vector<8x1024xi32>
      %bitcast_convert_type3A_524 = tpu.bitcast %or3A_523 : vector<8x1024xi32> -> vector<8x1024xf32>
      %sub3A_525 = arith.constant 1.000000e+00 : f32
      %sub3A_526 = vector.broadcast %sub3A_525 : f32 to vector<8x1024xf32>
      %sub3A_527 = arith.subf %bitcast_convert_type3A_524, %sub3A_526 : vector<8x1024xf32>
      %log3A_528 = math.log %sub3A_527 : vector<8x1024xf32>
      %mul3A_529 = arith.constant 1024 : i32
      %mul3A_530 = arith.muli %scan3A_289, %mul3A_529 : i32
      %get3A_531 = arith.constant 0 : index
      %get3A_532 = arith.index_cast %mul3A_530 : i32 to index
      %get3A_533 = vector.load %arg1[%get3A_531, %get3A_532] : memref<1x771072xf32, #tpu.memory_space<vmem>>, vector<1x1024xf32>
      %get3A_534 = vector.shape_cast %get3A_533 : vector<1x1024xf32> to vector<1024xf32>
      %broadcast_in_dim3A_535 = vector.shape_cast %get3A_534 : vector<1024xf32> to vector<1x1024xf32>
      %mul3A_536 = vector.broadcast %broadcast_in_dim3A_535 : vector<1x1024xf32> to vector<8x1024xf32>
      %mul3A_537 = arith.mulf %log3A_528, %mul3A_536 : vector<8x1024xf32>
      %gt3A_538 = arith.cmpf ogt, %mul3A_537, %scan3A_290 : vector<8x1024xf32>
      %select_n3A_539 = arith.select %gt3A_538, %mul3A_537, %scan3A_290 : vector<8x1024xi1>, vector<8x1024xf32>
      %select_n3A_540 = arith.select %gt3A_538, %add3A_295, %scan3A_291 : vector<8x1024xi1>, vector<8x1024xi32>
      %scan3A_541 = arith.constant 1 : i32
      %scan3A_542 = arith.addi %scan3A_289, %scan3A_541 : i32
      %mul3A_543 = arith.constant 1024 : i32
      %mul3A_544 = arith.muli %scan3A_542, %mul3A_543 : i32
      %add3A_545 = vector.broadcast %mul3A_544 : i32 to vector<8x1024xi32>
      %add3A_546 = arith.addi %iota3A_14, %add3A_545 : vector<8x1024xi32>
      %add3A_547 = vector.broadcast %mul3A_544 : i32 to vector<8x1024xi32>
      %add3A_548 = arith.addi %add3A_19, %add3A_547 : vector<8x1024xi32>
      %bitcast_convert_type3A_549 = tpu.bitcast %add3A_546 : vector<8x1024xi32> -> vector<8x1024xi32>
      %gt3A_550 = vector.broadcast %bitcast_convert_type3A : vector<8x1xi32> to vector<8x1024xi32>
      %gt3A_551 = arith.cmpi ugt, %bitcast_convert_type3A_549, %gt3A_550 : vector<8x1024xi32>
      %broadcast_in_dim3A_552 = vector.shape_cast %add3A_13 : vector<8x1xi32> to vector<8x1xi32>
      %broadcast_in_dim3A_553 = vector.broadcast %broadcast_in_dim3A_552 : vector<8x1xi32> to vector<8x1024xi32>
      %broadcast_in_dim3A_554 = vector.shape_cast %shift_right_logical3A_9 : vector<8x1xi32> to vector<8x1xi32>
      %broadcast_in_dim3A_555 = vector.broadcast %broadcast_in_dim3A_554 : vector<8x1xi32> to vector<8x1024xi32>
      %select_n3A_556 = arith.select %gt3A_551, %broadcast_in_dim3A_553, %broadcast_in_dim3A_555 : vector<8x1024xi1>, vector<8x1024xi32>
      %add3A_557 = arith.addi %select_n3A_556, %add3A_548 : vector<8x1024xi32>
      %shift_left3A_558 = arith.constant 13 : i32
      %shift_left3A_559 = vector.broadcast %shift_left3A_558 : i32 to vector<8x1024xi32>
      %shift_left3A_560 = arith.shli %add3A_548, %shift_left3A_559 : vector<8x1024xi32>
      %shift_right_logical3A_561 = arith.constant 19 : i32
      %shift_right_logical3A_562 = vector.broadcast %shift_right_logical3A_561 : i32 to vector<8x1024xi32>
      %shift_right_logical3A_563 = arith.shrui %add3A_548, %shift_right_logical3A_562 : vector<8x1024xi32>
      %or3A_564 = arith.ori %shift_left3A_560, %shift_right_logical3A_563 : vector<8x1024xi32>
      %xor3A_565 = arith.xori %add3A_557, %or3A_564 : vector<8x1024xi32>
      %add3A_566 = arith.addi %add3A_557, %xor3A_565 : vector<8x1024xi32>
      %shift_left3A_567 = arith.constant 15 : i32
      %shift_left3A_568 = vector.broadcast %shift_left3A_567 : i32 to vector<8x1024xi32>
      %shift_left3A_569 = arith.shli %xor3A_565, %shift_left3A_568 : vector<8x1024xi32>
      %shift_right_logical3A_570 = arith.constant 17 : i32
      %shift_right_logical3A_571 = vector.broadcast %shift_right_logical3A_570 : i32 to vector<8x1024xi32>
      %shift_right_logical3A_572 = arith.shrui %xor3A_565, %shift_right_logical3A_571 : vector<8x1024xi32>
      %or3A_573 = arith.ori %shift_left3A_569, %shift_right_logical3A_572 : vector<8x1024xi32>
      %xor3A_574 = arith.xori %add3A_566, %or3A_573 : vector<8x1024xi32>
      %add3A_575 = arith.addi %add3A_566, %xor3A_574 : vector<8x1024xi32>
      %shift_left3A_576 = arith.constant 26 : i32
      %shift_left3A_577 = vector.broadcast %shift_left3A_576 : i32 to vector<8x1024xi32>
      %shift_left3A_578 = arith.shli %xor3A_574, %shift_left3A_577 : vector<8x1024xi32>
      %shift_right_logical3A_579 = arith.constant 6 : i32
      %shift_right_logical3A_580 = vector.broadcast %shift_right_logical3A_579 : i32 to vector<8x1024xi32>
      %shift_right_logical3A_581 = arith.shrui %xor3A_574, %shift_right_logical3A_580 : vector<8x1024xi32>
      %or3A_582 = arith.ori %shift_left3A_578, %shift_right_logical3A_581 : vector<8x1024xi32>
      %xor3A_583 = arith.xori %add3A_575, %or3A_582 : vector<8x1024xi32>
      %add3A_584 = arith.addi %add3A_575, %xor3A_583 : vector<8x1024xi32>
      %shift_left3A_585 = arith.constant 6 : i32
      %shift_left3A_586 = vector.broadcast %shift_left3A_585 : i32 to vector<8x1024xi32>
      %shift_left3A_587 = arith.shli %xor3A_583, %shift_left3A_586 : vector<8x1024xi32>
      %shift_right_logical3A_588 = arith.constant 26 : i32
      %shift_right_logical3A_589 = vector.broadcast %shift_right_logical3A_588 : i32 to vector<8x1024xi32>
      %shift_right_logical3A_590 = arith.shrui %xor3A_583, %shift_right_logical3A_589 : vector<8x1024xi32>
      %or3A_591 = arith.ori %shift_left3A_587, %shift_right_logical3A_590 : vector<8x1024xi32>
      %xor3A_592 = arith.xori %add3A_584, %or3A_591 : vector<8x1024xi32>
      %add3A_593 = arith.constant 42 : i32
      %add3A_594 = vector.broadcast %add3A_593 : i32 to vector<8x1024xi32>
      %add3A_595 = arith.addi %add3A_584, %add3A_594 : vector<8x1024xi32>
      %add3A_596 = arith.constant 466689008 : i32
      %add3A_597 = arith.constant 1 : i32
      %add3A_598 = arith.addi %add3A_596, %add3A_597 : i32
      %add3A_599 = vector.broadcast %add3A_598 : i32 to vector<8x1024xi32>
      %add3A_600 = arith.addi %xor3A_592, %add3A_599 : vector<8x1024xi32>
      %add3A_601 = arith.addi %add3A_595, %add3A_600 : vector<8x1024xi32>
      %shift_left3A_602 = arith.constant 17 : i32
      %shift_left3A_603 = vector.broadcast %shift_left3A_602 : i32 to vector<8x1024xi32>
      %shift_left3A_604 = arith.shli %add3A_600, %shift_left3A_603 : vector<8x1024xi32>
      %shift_right_logical3A_605 = arith.constant 15 : i32
      %shift_right_logical3A_606 = vector.broadcast %shift_right_logical3A_605 : i32 to vector<8x1024xi32>
      %shift_right_logical3A_607 = arith.shrui %add3A_600, %shift_right_logical3A_606 : vector<8x1024xi32>
      %or3A_608 = arith.ori %shift_left3A_604, %shift_right_logical3A_607 : vector<8x1024xi32>
      %xor3A_609 = arith.xori %add3A_601, %or3A_608 : vector<8x1024xi32>
      %add3A_610 = arith.addi %add3A_601, %xor3A_609 : vector<8x1024xi32>
      %shift_left3A_611 = arith.constant 29 : i32
      %shift_left3A_612 = vector.broadcast %shift_left3A_611 : i32 to vector<8x1024xi32>
      %shift_left3A_613 = arith.shli %xor3A_609, %shift_left3A_612 : vector<8x1024xi32>
      %shift_right_logical3A_614 = arith.constant 3 : i32
      %shift_right_logical3A_615 = vector.broadcast %shift_right_logical3A_614 : i32 to vector<8x1024xi32>
      %shift_right_logical3A_616 = arith.shrui %xor3A_609, %shift_right_logical3A_615 : vector<8x1024xi32>
      %or3A_617 = arith.ori %shift_left3A_613, %shift_right_logical3A_616 : vector<8x1024xi32>
      %xor3A_618 = arith.xori %add3A_610, %or3A_617 : vector<8x1024xi32>
      %add3A_619 = arith.addi %add3A_610, %xor3A_618 : vector<8x1024xi32>
      %shift_left3A_620 = arith.constant 16 : i32
      %shift_left3A_621 = vector.broadcast %shift_left3A_620 : i32 to vector<8x1024xi32>
      %shift_left3A_622 = arith.shli %xor3A_618, %shift_left3A_621 : vector<8x1024xi32>
      %shift_right_logical3A_623 = arith.constant 16 : i32
      %shift_right_logical3A_624 = vector.broadcast %shift_right_logical3A_623 : i32 to vector<8x1024xi32>
      %shift_right_logical3A_625 = arith.shrui %xor3A_618, %shift_right_logical3A_624 : vector<8x1024xi32>
      %or3A_626 = arith.ori %shift_left3A_622, %shift_right_logical3A_625 : vector<8x1024xi32>
      %xor3A_627 = arith.xori %add3A_619, %or3A_626 : vector<8x1024xi32>
      %add3A_628 = arith.addi %add3A_619, %xor3A_627 : vector<8x1024xi32>
      %shift_left3A_629 = arith.constant 24 : i32
      %shift_left3A_630 = vector.broadcast %shift_left3A_629 : i32 to vector<8x1024xi32>
      %shift_left3A_631 = arith.shli %xor3A_627, %shift_left3A_630 : vector<8x1024xi32>
      %shift_right_logical3A_632 = arith.constant 8 : i32
      %shift_right_logical3A_633 = vector.broadcast %shift_right_logical3A_632 : i32 to vector<8x1024xi32>
      %shift_right_logical3A_634 = arith.shrui %xor3A_627, %shift_right_logical3A_633 : vector<8x1024xi32>
      %or3A_635 = arith.ori %shift_left3A_631, %shift_right_logical3A_634 : vector<8x1024xi32>
      %xor3A_636 = arith.xori %add3A_628, %or3A_635 : vector<8x1024xi32>
      %add3A_637 = arith.constant 466689008 : i32
      %add3A_638 = vector.broadcast %add3A_637 : i32 to vector<8x1024xi32>
      %add3A_639 = arith.addi %add3A_628, %add3A_638 : vector<8x1024xi32>
      %add3A_640 = arith.constant 2 : i32
      %add3A_641 = vector.broadcast %add3A_640 : i32 to vector<8x1024xi32>
      %add3A_642 = arith.addi %xor3A_636, %add3A_641 : vector<8x1024xi32>
      %add3A_643 = arith.addi %add3A_639, %add3A_642 : vector<8x1024xi32>
      %shift_left3A_644 = arith.constant 13 : i32
      %shift_left3A_645 = vector.broadcast %shift_left3A_644 : i32 to vector<8x1024xi32>
      %shift_left3A_646 = arith.shli %add3A_642, %shift_left3A_645 : vector<8x1024xi32>
      %shift_right_logical3A_647 = arith.constant 19 : i32
      %shift_right_logical3A_648 = vector.broadcast %shift_right_logical3A_647 : i32 to vector<8x1024xi32>
      %shift_right_logical3A_649 = arith.shrui %add3A_642, %shift_right_logical3A_648 : vector<8x1024xi32>
      %or3A_650 = arith.ori %shift_left3A_646, %shift_right_logical3A_649 : vector<8x1024xi32>
      %xor3A_651 = arith.xori %add3A_643, %or3A_650 : vector<8x1024xi32>
      %add3A_652 = arith.addi %add3A_643, %xor3A_651 : vector<8x1024xi32>
      %shift_left3A_653 = arith.constant 15 : i32
      %shift_left3A_654 = vector.broadcast %shift_left3A_653 : i32 to vector<8x1024xi32>
      %shift_left3A_655 = arith.shli %xor3A_651, %shift_left3A_654 : vector<8x1024xi32>
      %shift_right_logical3A_656 = arith.constant 17 : i32
      %shift_right_logical3A_657 = vector.broadcast %shift_right_logical3A_656 : i32 to vector<8x1024xi32>
      %shift_right_logical3A_658 = arith.shrui %xor3A_651, %shift_right_logical3A_657 : vector<8x1024xi32>
      %or3A_659 = arith.ori %shift_left3A_655, %shift_right_logical3A_658 : vector<8x1024xi32>
      %xor3A_660 = arith.xori %add3A_652, %or3A_659 : vector<8x1024xi32>
      %add3A_661 = arith.addi %add3A_652, %xor3A_660 : vector<8x1024xi32>
      %shift_left3A_662 = arith.constant 26 : i32
      %shift_left3A_663 = vector.broadcast %shift_left3A_662 : i32 to vector<8x1024xi32>
      %shift_left3A_664 = arith.shli %xor3A_660, %shift_left3A_663 : vector<8x1024xi32>
      %shift_right_logical3A_665 = arith.constant 6 : i32
      %shift_right_logical3A_666 = vector.broadcast %shift_right_logical3A_665 : i32 to vector<8x1024xi32>
      %shift_right_logical3A_667 = arith.shrui %xor3A_660, %shift_right_logical3A_666 : vector<8x1024xi32>
      %or3A_668 = arith.ori %shift_left3A_664, %shift_right_logical3A_667 : vector<8x1024xi32>
      %xor3A_669 = arith.xori %add3A_661, %or3A_668 : vector<8x1024xi32>
      %add3A_670 = arith.addi %add3A_661, %xor3A_669 : vector<8x1024xi32>
      %shift_left3A_671 = arith.constant 6 : i32
      %shift_left3A_672 = vector.broadcast %shift_left3A_671 : i32 to vector<8x1024xi32>
      %shift_left3A_673 = arith.shli %xor3A_669, %shift_left3A_672 : vector<8x1024xi32>
      %shift_right_logical3A_674 = arith.constant 26 : i32
      %shift_right_logical3A_675 = vector.broadcast %shift_right_logical3A_674 : i32 to vector<8x1024xi32>
      %shift_right_logical3A_676 = arith.shrui %xor3A_669, %shift_right_logical3A_675 : vector<8x1024xi32>
      %or3A_677 = arith.ori %shift_left3A_673, %shift_right_logical3A_676 : vector<8x1024xi32>
      %xor3A_678 = arith.xori %add3A_670, %or3A_677 : vector<8x1024xi32>
      %add3A_679 = arith.constant 45 : i32
      %add3A_680 = vector.broadcast %add3A_679 : i32 to vector<8x1024xi32>
      %add3A_681 = arith.addi %xor3A_678, %add3A_680 : vector<8x1024xi32>
      %add3A_682 = arith.addi %add3A_670, %add3A_681 : vector<8x1024xi32>
      %shift_left3A_683 = arith.constant 17 : i32
      %shift_left3A_684 = vector.broadcast %shift_left3A_683 : i32 to vector<8x1024xi32>
      %shift_left3A_685 = arith.shli %add3A_681, %shift_left3A_684 : vector<8x1024xi32>
      %shift_right_logical3A_686 = arith.constant 15 : i32
      %shift_right_logical3A_687 = vector.broadcast %shift_right_logical3A_686 : i32 to vector<8x1024xi32>
      %shift_right_logical3A_688 = arith.shrui %add3A_681, %shift_right_logical3A_687 : vector<8x1024xi32>
      %or3A_689 = arith.ori %shift_left3A_685, %shift_right_logical3A_688 : vector<8x1024xi32>
      %xor3A_690 = arith.xori %add3A_682, %or3A_689 : vector<8x1024xi32>
      %add3A_691 = arith.addi %add3A_682, %xor3A_690 : vector<8x1024xi32>
      %shift_left3A_692 = arith.constant 29 : i32
      %shift_left3A_693 = vector.broadcast %shift_left3A_692 : i32 to vector<8x1024xi32>
      %shift_left3A_694 = arith.shli %xor3A_690, %shift_left3A_693 : vector<8x1024xi32>
      %shift_right_logical3A_695 = arith.constant 3 : i32
      %shift_right_logical3A_696 = vector.broadcast %shift_right_logical3A_695 : i32 to vector<8x1024xi32>
      %shift_right_logical3A_697 = arith.shrui %xor3A_690, %shift_right_logical3A_696 : vector<8x1024xi32>
      %or3A_698 = arith.ori %shift_left3A_694, %shift_right_logical3A_697 : vector<8x1024xi32>
      %xor3A_699 = arith.xori %add3A_691, %or3A_698 : vector<8x1024xi32>
      %add3A_700 = arith.addi %add3A_691, %xor3A_699 : vector<8x1024xi32>
      %shift_left3A_701 = arith.constant 16 : i32
      %shift_left3A_702 = vector.broadcast %shift_left3A_701 : i32 to vector<8x1024xi32>
      %shift_left3A_703 = arith.shli %xor3A_699, %shift_left3A_702 : vector<8x1024xi32>
      %shift_right_logical3A_704 = arith.constant 16 : i32
      %shift_right_logical3A_705 = vector.broadcast %shift_right_logical3A_704 : i32 to vector<8x1024xi32>
      %shift_right_logical3A_706 = arith.shrui %xor3A_699, %shift_right_logical3A_705 : vector<8x1024xi32>
      %or3A_707 = arith.ori %shift_left3A_703, %shift_right_logical3A_706 : vector<8x1024xi32>
      %xor3A_708 = arith.xori %add3A_700, %or3A_707 : vector<8x1024xi32>
      %add3A_709 = arith.addi %add3A_700, %xor3A_708 : vector<8x1024xi32>
      %shift_left3A_710 = arith.constant 24 : i32
      %shift_left3A_711 = vector.broadcast %shift_left3A_710 : i32 to vector<8x1024xi32>
      %shift_left3A_712 = arith.shli %xor3A_708, %shift_left3A_711 : vector<8x1024xi32>
      %shift_right_logical3A_713 = arith.constant 8 : i32
      %shift_right_logical3A_714 = vector.broadcast %shift_right_logical3A_713 : i32 to vector<8x1024xi32>
      %shift_right_logical3A_715 = arith.shrui %xor3A_708, %shift_right_logical3A_714 : vector<8x1024xi32>
      %or3A_716 = arith.ori %shift_left3A_712, %shift_right_logical3A_715 : vector<8x1024xi32>
      %xor3A_717 = arith.xori %add3A_709, %or3A_716 : vector<8x1024xi32>
      %add3A_718 = arith.constant 42 : i32
      %add3A_719 = vector.broadcast %add3A_718 : i32 to vector<8x1024xi32>
      %add3A_720 = arith.addi %add3A_709, %add3A_719 : vector<8x1024xi32>
      %add3A_721 = arith.constant 466689008 : i32
      %add3A_722 = arith.constant 4 : i32
      %add3A_723 = arith.addi %add3A_721, %add3A_722 : i32
      %add3A_724 = vector.broadcast %add3A_723 : i32 to vector<8x1024xi32>
      %add3A_725 = arith.addi %xor3A_717, %add3A_724 : vector<8x1024xi32>
      %add3A_726 = arith.addi %add3A_720, %add3A_725 : vector<8x1024xi32>
      %shift_left3A_727 = arith.constant 13 : i32
      %shift_left3A_728 = vector.broadcast %shift_left3A_727 : i32 to vector<8x1024xi32>
      %shift_left3A_729 = arith.shli %add3A_725, %shift_left3A_728 : vector<8x1024xi32>
      %shift_right_logical3A_730 = arith.constant 19 : i32
      %shift_right_logical3A_731 = vector.broadcast %shift_right_logical3A_730 : i32 to vector<8x1024xi32>
      %shift_right_logical3A_732 = arith.shrui %add3A_725, %shift_right_logical3A_731 : vector<8x1024xi32>
      %or3A_733 = arith.ori %shift_left3A_729, %shift_right_logical3A_732 : vector<8x1024xi32>
      %xor3A_734 = arith.xori %add3A_726, %or3A_733 : vector<8x1024xi32>
      %add3A_735 = arith.addi %add3A_726, %xor3A_734 : vector<8x1024xi32>
      %shift_left3A_736 = arith.constant 15 : i32
      %shift_left3A_737 = vector.broadcast %shift_left3A_736 : i32 to vector<8x1024xi32>
      %shift_left3A_738 = arith.shli %xor3A_734, %shift_left3A_737 : vector<8x1024xi32>
      %shift_right_logical3A_739 = arith.constant 17 : i32
      %shift_right_logical3A_740 = vector.broadcast %shift_right_logical3A_739 : i32 to vector<8x1024xi32>
      %shift_right_logical3A_741 = arith.shrui %xor3A_734, %shift_right_logical3A_740 : vector<8x1024xi32>
      %or3A_742 = arith.ori %shift_left3A_738, %shift_right_logical3A_741 : vector<8x1024xi32>
      %xor3A_743 = arith.xori %add3A_735, %or3A_742 : vector<8x1024xi32>
      %add3A_744 = arith.addi %add3A_735, %xor3A_743 : vector<8x1024xi32>
      %shift_left3A_745 = arith.constant 26 : i32
      %shift_left3A_746 = vector.broadcast %shift_left3A_745 : i32 to vector<8x1024xi32>
      %shift_left3A_747 = arith.shli %xor3A_743, %shift_left3A_746 : vector<8x1024xi32>
      %shift_right_logical3A_748 = arith.constant 6 : i32
      %shift_right_logical3A_749 = vector.broadcast %shift_right_logical3A_748 : i32 to vector<8x1024xi32>
      %shift_right_logical3A_750 = arith.shrui %xor3A_743, %shift_right_logical3A_749 : vector<8x1024xi32>
      %or3A_751 = arith.ori %shift_left3A_747, %shift_right_logical3A_750 : vector<8x1024xi32>
      %xor3A_752 = arith.xori %add3A_744, %or3A_751 : vector<8x1024xi32>
      %add3A_753 = arith.addi %add3A_744, %xor3A_752 : vector<8x1024xi32>
      %shift_left3A_754 = arith.constant 6 : i32
      %shift_left3A_755 = vector.broadcast %shift_left3A_754 : i32 to vector<8x1024xi32>
      %shift_left3A_756 = arith.shli %xor3A_752, %shift_left3A_755 : vector<8x1024xi32>
      %shift_right_logical3A_757 = arith.constant 26 : i32
      %shift_right_logical3A_758 = vector.broadcast %shift_right_logical3A_757 : i32 to vector<8x1024xi32>
      %shift_right_logical3A_759 = arith.shrui %xor3A_752, %shift_right_logical3A_758 : vector<8x1024xi32>
      %or3A_760 = arith.ori %shift_left3A_756, %shift_right_logical3A_759 : vector<8x1024xi32>
      %xor3A_761 = arith.xori %add3A_753, %or3A_760 : vector<8x1024xi32>
      %add3A_762 = arith.constant 466689008 : i32
      %add3A_763 = vector.broadcast %add3A_762 : i32 to vector<8x1024xi32>
      %add3A_764 = arith.addi %add3A_753, %add3A_763 : vector<8x1024xi32>
      %add3A_765 = arith.constant 5 : i32
      %add3A_766 = vector.broadcast %add3A_765 : i32 to vector<8x1024xi32>
      %add3A_767 = arith.addi %xor3A_761, %add3A_766 : vector<8x1024xi32>
      %xor3A_768 = arith.xori %add3A_764, %add3A_767 : vector<8x1024xi32>
      %shift_right_logical3A_769 = arith.constant 9 : i32
      %shift_right_logical3A_770 = vector.broadcast %shift_right_logical3A_769 : i32 to vector<8x1024xi32>
      %shift_right_logical3A_771 = arith.shrui %xor3A_768, %shift_right_logical3A_770 : vector<8x1024xi32>
      %or3A_772 = arith.constant 1065353216 : i32
      %or3A_773 = vector.broadcast %or3A_772 : i32 to vector<8x1024xi32>
      %or3A_774 = arith.ori %shift_right_logical3A_771, %or3A_773 : vector<8x1024xi32>
      %bitcast_convert_type3A_775 = tpu.bitcast %or3A_774 : vector<8x1024xi32> -> vector<8x1024xf32>
      %sub3A_776 = arith.constant 1.000000e+00 : f32
      %sub3A_777 = vector.broadcast %sub3A_776 : f32 to vector<8x1024xf32>
      %sub3A_778 = arith.subf %bitcast_convert_type3A_775, %sub3A_777 : vector<8x1024xf32>
      %log3A_779 = math.log %sub3A_778 : vector<8x1024xf32>
      %mul3A_780 = arith.constant 1024 : i32
      %mul3A_781 = arith.muli %scan3A_542, %mul3A_780 : i32
      %get3A_782 = arith.constant 0 : index
      %get3A_783 = arith.index_cast %mul3A_781 : i32 to index
      %get3A_784 = vector.load %arg1[%get3A_782, %get3A_783] : memref<1x771072xf32, #tpu.memory_space<vmem>>, vector<1x1024xf32>
      %get3A_785 = vector.shape_cast %get3A_784 : vector<1x1024xf32> to vector<1024xf32>
      %broadcast_in_dim3A_786 = vector.shape_cast %get3A_785 : vector<1024xf32> to vector<1x1024xf32>
      %mul3A_787 = vector.broadcast %broadcast_in_dim3A_786 : vector<1x1024xf32> to vector<8x1024xf32>
      %mul3A_788 = arith.mulf %log3A_779, %mul3A_787 : vector<8x1024xf32>
      %gt3A_789 = arith.cmpf ogt, %mul3A_788, %select_n3A_539 : vector<8x1024xf32>
      %select_n3A_790 = arith.select %gt3A_789, %mul3A_788, %select_n3A_539 : vector<8x1024xi1>, vector<8x1024xf32>
      %select_n3A_791 = arith.select %gt3A_789, %add3A_546, %select_n3A_540 : vector<8x1024xi1>, vector<8x1024xi32>
      scf.yield %select_n3A_790, %select_n3A_791 : vector<8x1024xf32>, vector<8x1024xi32>
    }
    %scan3A_27 = arith.constant 752 : i32
    %scan3A_28 = arith.addi %scan3A, %scan3A_27 : i32
    %mul3A_29 = arith.constant 1024 : i32
    %mul3A_30 = arith.muli %scan3A_28, %mul3A_29 : i32
    %add3A_31 = vector.broadcast %mul3A_30 : i32 to vector<8x1024xi32>
    %add3A_32 = arith.addi %iota3A_14, %add3A_31 : vector<8x1024xi32>
    %add3A_33 = vector.broadcast %mul3A_30 : i32 to vector<8x1024xi32>
    %add3A_34 = arith.addi %add3A_19, %add3A_33 : vector<8x1024xi32>
    %bitcast_convert_type3A_35 = tpu.bitcast %add3A_32 : vector<8x1024xi32> -> vector<8x1024xi32>
    %gt3A = vector.broadcast %bitcast_convert_type3A : vector<8x1xi32> to vector<8x1024xi32>
    %gt3A_36 = arith.cmpi ugt, %bitcast_convert_type3A_35, %gt3A : vector<8x1024xi32>
    %broadcast_in_dim3A_37 = vector.shape_cast %add3A_13 : vector<8x1xi32> to vector<8x1xi32>
    %broadcast_in_dim3A_38 = vector.broadcast %broadcast_in_dim3A_37 : vector<8x1xi32> to vector<8x1024xi32>
    %broadcast_in_dim3A_39 = vector.shape_cast %shift_right_logical3A_9 : vector<8x1xi32> to vector<8x1xi32>
    %broadcast_in_dim3A_40 = vector.broadcast %broadcast_in_dim3A_39 : vector<8x1xi32> to vector<8x1024xi32>
    %select_n3A = arith.select %gt3A_36, %broadcast_in_dim3A_38, %broadcast_in_dim3A_40 : vector<8x1024xi1>, vector<8x1024xi32>
    %add3A_41 = arith.addi %select_n3A, %add3A_34 : vector<8x1024xi32>
    %shift_left3A = arith.constant 13 : i32
    %shift_left3A_42 = vector.broadcast %shift_left3A : i32 to vector<8x1024xi32>
    %shift_left3A_43 = arith.shli %add3A_34, %shift_left3A_42 : vector<8x1024xi32>
    %shift_right_logical3A_44 = arith.constant 19 : i32
    %shift_right_logical3A_45 = vector.broadcast %shift_right_logical3A_44 : i32 to vector<8x1024xi32>
    %shift_right_logical3A_46 = arith.shrui %add3A_34, %shift_right_logical3A_45 : vector<8x1024xi32>
    %or3A = arith.ori %shift_left3A_43, %shift_right_logical3A_46 : vector<8x1024xi32>
    %xor3A = arith.xori %add3A_41, %or3A : vector<8x1024xi32>
    %add3A_47 = arith.addi %add3A_41, %xor3A : vector<8x1024xi32>
    %shift_left3A_48 = arith.constant 15 : i32
    %shift_left3A_49 = vector.broadcast %shift_left3A_48 : i32 to vector<8x1024xi32>
    %shift_left3A_50 = arith.shli %xor3A, %shift_left3A_49 : vector<8x1024xi32>
    %shift_right_logical3A_51 = arith.constant 17 : i32
    %shift_right_logical3A_52 = vector.broadcast %shift_right_logical3A_51 : i32 to vector<8x1024xi32>
    %shift_right_logical3A_53 = arith.shrui %xor3A, %shift_right_logical3A_52 : vector<8x1024xi32>
    %or3A_54 = arith.ori %shift_left3A_50, %shift_right_logical3A_53 : vector<8x1024xi32>
    %xor3A_55 = arith.xori %add3A_47, %or3A_54 : vector<8x1024xi32>
    %add3A_56 = arith.addi %add3A_47, %xor3A_55 : vector<8x1024xi32>
    %shift_left3A_57 = arith.constant 26 : i32
    %shift_left3A_58 = vector.broadcast %shift_left3A_57 : i32 to vector<8x1024xi32>
    %shift_left3A_59 = arith.shli %xor3A_55, %shift_left3A_58 : vector<8x1024xi32>
    %shift_right_logical3A_60 = arith.constant 6 : i32
    %shift_right_logical3A_61 = vector.broadcast %shift_right_logical3A_60 : i32 to vector<8x1024xi32>
    %shift_right_logical3A_62 = arith.shrui %xor3A_55, %shift_right_logical3A_61 : vector<8x1024xi32>
    %or3A_63 = arith.ori %shift_left3A_59, %shift_right_logical3A_62 : vector<8x1024xi32>
    %xor3A_64 = arith.xori %add3A_56, %or3A_63 : vector<8x1024xi32>
    %add3A_65 = arith.addi %add3A_56, %xor3A_64 : vector<8x1024xi32>
    %shift_left3A_66 = arith.constant 6 : i32
    %shift_left3A_67 = vector.broadcast %shift_left3A_66 : i32 to vector<8x1024xi32>
    %shift_left3A_68 = arith.shli %xor3A_64, %shift_left3A_67 : vector<8x1024xi32>
    %shift_right_logical3A_69 = arith.constant 26 : i32
    %shift_right_logical3A_70 = vector.broadcast %shift_right_logical3A_69 : i32 to vector<8x1024xi32>
    %shift_right_logical3A_71 = arith.shrui %xor3A_64, %shift_right_logical3A_70 : vector<8x1024xi32>
    %or3A_72 = arith.ori %shift_left3A_68, %shift_right_logical3A_71 : vector<8x1024xi32>
    %xor3A_73 = arith.xori %add3A_65, %or3A_72 : vector<8x1024xi32>
    %add3A_74 = arith.constant 42 : i32
    %add3A_75 = vector.broadcast %add3A_74 : i32 to vector<8x1024xi32>
    %add3A_76 = arith.addi %add3A_65, %add3A_75 : vector<8x1024xi32>
    %add3A_77 = arith.constant 466689008 : i32
    %add3A_78 = arith.constant 1 : i32
    %add3A_79 = arith.addi %add3A_77, %add3A_78 : i32
    %add3A_80 = vector.broadcast %add3A_79 : i32 to vector<8x1024xi32>
    %add3A_81 = arith.addi %xor3A_73, %add3A_80 : vector<8x1024xi32>
    %add3A_82 = arith.addi %add3A_76, %add3A_81 : vector<8x1024xi32>
    %shift_left3A_83 = arith.constant 17 : i32
    %shift_left3A_84 = vector.broadcast %shift_left3A_83 : i32 to vector<8x1024xi32>
    %shift_left3A_85 = arith.shli %add3A_81, %shift_left3A_84 : vector<8x1024xi32>
    %shift_right_logical3A_86 = arith.constant 15 : i32
    %shift_right_logical3A_87 = vector.broadcast %shift_right_logical3A_86 : i32 to vector<8x1024xi32>
    %shift_right_logical3A_88 = arith.shrui %add3A_81, %shift_right_logical3A_87 : vector<8x1024xi32>
    %or3A_89 = arith.ori %shift_left3A_85, %shift_right_logical3A_88 : vector<8x1024xi32>
    %xor3A_90 = arith.xori %add3A_82, %or3A_89 : vector<8x1024xi32>
    %add3A_91 = arith.addi %add3A_82, %xor3A_90 : vector<8x1024xi32>
    %shift_left3A_92 = arith.constant 29 : i32
    %shift_left3A_93 = vector.broadcast %shift_left3A_92 : i32 to vector<8x1024xi32>
    %shift_left3A_94 = arith.shli %xor3A_90, %shift_left3A_93 : vector<8x1024xi32>
    %shift_right_logical3A_95 = arith.constant 3 : i32
    %shift_right_logical3A_96 = vector.broadcast %shift_right_logical3A_95 : i32 to vector<8x1024xi32>
    %shift_right_logical3A_97 = arith.shrui %xor3A_90, %shift_right_logical3A_96 : vector<8x1024xi32>
    %or3A_98 = arith.ori %shift_left3A_94, %shift_right_logical3A_97 : vector<8x1024xi32>
    %xor3A_99 = arith.xori %add3A_91, %or3A_98 : vector<8x1024xi32>
    %add3A_100 = arith.addi %add3A_91, %xor3A_99 : vector<8x1024xi32>
    %shift_left3A_101 = arith.constant 16 : i32
    %shift_left3A_102 = vector.broadcast %shift_left3A_101 : i32 to vector<8x1024xi32>
    %shift_left3A_103 = arith.shli %xor3A_99, %shift_left3A_102 : vector<8x1024xi32>
    %shift_right_logical3A_104 = arith.constant 16 : i32
    %shift_right_logical3A_105 = vector.broadcast %shift_right_logical3A_104 : i32 to vector<8x1024xi32>
    %shift_right_logical3A_106 = arith.shrui %xor3A_99, %shift_right_logical3A_105 : vector<8x1024xi32>
    %or3A_107 = arith.ori %shift_left3A_103, %shift_right_logical3A_106 : vector<8x1024xi32>
    %xor3A_108 = arith.xori %add3A_100, %or3A_107 : vector<8x1024xi32>
    %add3A_109 = arith.addi %add3A_100, %xor3A_108 : vector<8x1024xi32>
    %shift_left3A_110 = arith.constant 24 : i32
    %shift_left3A_111 = vector.broadcast %shift_left3A_110 : i32 to vector<8x1024xi32>
    %shift_left3A_112 = arith.shli %xor3A_108, %shift_left3A_111 : vector<8x1024xi32>
    %shift_right_logical3A_113 = arith.constant 8 : i32
    %shift_right_logical3A_114 = vector.broadcast %shift_right_logical3A_113 : i32 to vector<8x1024xi32>
    %shift_right_logical3A_115 = arith.shrui %xor3A_108, %shift_right_logical3A_114 : vector<8x1024xi32>
    %or3A_116 = arith.ori %shift_left3A_112, %shift_right_logical3A_115 : vector<8x1024xi32>
    %xor3A_117 = arith.xori %add3A_109, %or3A_116 : vector<8x1024xi32>
    %add3A_118 = arith.constant 466689008 : i32
    %add3A_119 = vector.broadcast %add3A_118 : i32 to vector<8x1024xi32>
    %add3A_120 = arith.addi %add3A_109, %add3A_119 : vector<8x1024xi32>
    %add3A_121 = arith.constant 2 : i32
    %add3A_122 = vector.broadcast %add3A_121 : i32 to vector<8x1024xi32>
    %add3A_123 = arith.addi %xor3A_117, %add3A_122 : vector<8x1024xi32>
    %add3A_124 = arith.addi %add3A_120, %add3A_123 : vector<8x1024xi32>
    %shift_left3A_125 = arith.constant 13 : i32
    %shift_left3A_126 = vector.broadcast %shift_left3A_125 : i32 to vector<8x1024xi32>
    %shift_left3A_127 = arith.shli %add3A_123, %shift_left3A_126 : vector<8x1024xi32>
    %shift_right_logical3A_128 = arith.constant 19 : i32
    %shift_right_logical3A_129 = vector.broadcast %shift_right_logical3A_128 : i32 to vector<8x1024xi32>
    %shift_right_logical3A_130 = arith.shrui %add3A_123, %shift_right_logical3A_129 : vector<8x1024xi32>
    %or3A_131 = arith.ori %shift_left3A_127, %shift_right_logical3A_130 : vector<8x1024xi32>
    %xor3A_132 = arith.xori %add3A_124, %or3A_131 : vector<8x1024xi32>
    %add3A_133 = arith.addi %add3A_124, %xor3A_132 : vector<8x1024xi32>
    %shift_left3A_134 = arith.constant 15 : i32
    %shift_left3A_135 = vector.broadcast %shift_left3A_134 : i32 to vector<8x1024xi32>
    %shift_left3A_136 = arith.shli %xor3A_132, %shift_left3A_135 : vector<8x1024xi32>
    %shift_right_logical3A_137 = arith.constant 17 : i32
    %shift_right_logical3A_138 = vector.broadcast %shift_right_logical3A_137 : i32 to vector<8x1024xi32>
    %shift_right_logical3A_139 = arith.shrui %xor3A_132, %shift_right_logical3A_138 : vector<8x1024xi32>
    %or3A_140 = arith.ori %shift_left3A_136, %shift_right_logical3A_139 : vector<8x1024xi32>
    %xor3A_141 = arith.xori %add3A_133, %or3A_140 : vector<8x1024xi32>
    %add3A_142 = arith.addi %add3A_133, %xor3A_141 : vector<8x1024xi32>
    %shift_left3A_143 = arith.constant 26 : i32
    %shift_left3A_144 = vector.broadcast %shift_left3A_143 : i32 to vector<8x1024xi32>
    %shift_left3A_145 = arith.shli %xor3A_141, %shift_left3A_144 : vector<8x1024xi32>
    %shift_right_logical3A_146 = arith.constant 6 : i32
    %shift_right_logical3A_147 = vector.broadcast %shift_right_logical3A_146 : i32 to vector<8x1024xi32>
    %shift_right_logical3A_148 = arith.shrui %xor3A_141, %shift_right_logical3A_147 : vector<8x1024xi32>
    %or3A_149 = arith.ori %shift_left3A_145, %shift_right_logical3A_148 : vector<8x1024xi32>
    %xor3A_150 = arith.xori %add3A_142, %or3A_149 : vector<8x1024xi32>
    %add3A_151 = arith.addi %add3A_142, %xor3A_150 : vector<8x1024xi32>
    %shift_left3A_152 = arith.constant 6 : i32
    %shift_left3A_153 = vector.broadcast %shift_left3A_152 : i32 to vector<8x1024xi32>
    %shift_left3A_154 = arith.shli %xor3A_150, %shift_left3A_153 : vector<8x1024xi32>
    %shift_right_logical3A_155 = arith.constant 26 : i32
    %shift_right_logical3A_156 = vector.broadcast %shift_right_logical3A_155 : i32 to vector<8x1024xi32>
    %shift_right_logical3A_157 = arith.shrui %xor3A_150, %shift_right_logical3A_156 : vector<8x1024xi32>
    %or3A_158 = arith.ori %shift_left3A_154, %shift_right_logical3A_157 : vector<8x1024xi32>
    %xor3A_159 = arith.xori %add3A_151, %or3A_158 : vector<8x1024xi32>
    %add3A_160 = arith.constant 45 : i32
    %add3A_161 = vector.broadcast %add3A_160 : i32 to vector<8x1024xi32>
    %add3A_162 = arith.addi %xor3A_159, %add3A_161 : vector<8x1024xi32>
    %add3A_163 = arith.addi %add3A_151, %add3A_162 : vector<8x1024xi32>
    %shift_left3A_164 = arith.constant 17 : i32
    %shift_left3A_165 = vector.broadcast %shift_left3A_164 : i32 to vector<8x1024xi32>
    %shift_left3A_166 = arith.shli %add3A_162, %shift_left3A_165 : vector<8x1024xi32>
    %shift_right_logical3A_167 = arith.constant 15 : i32
    %shift_right_logical3A_168 = vector.broadcast %shift_right_logical3A_167 : i32 to vector<8x1024xi32>
    %shift_right_logical3A_169 = arith.shrui %add3A_162, %shift_right_logical3A_168 : vector<8x1024xi32>
    %or3A_170 = arith.ori %shift_left3A_166, %shift_right_logical3A_169 : vector<8x1024xi32>
    %xor3A_171 = arith.xori %add3A_163, %or3A_170 : vector<8x1024xi32>
    %add3A_172 = arith.addi %add3A_163, %xor3A_171 : vector<8x1024xi32>
    %shift_left3A_173 = arith.constant 29 : i32
    %shift_left3A_174 = vector.broadcast %shift_left3A_173 : i32 to vector<8x1024xi32>
    %shift_left3A_175 = arith.shli %xor3A_171, %shift_left3A_174 : vector<8x1024xi32>
    %shift_right_logical3A_176 = arith.constant 3 : i32
    %shift_right_logical3A_177 = vector.broadcast %shift_right_logical3A_176 : i32 to vector<8x1024xi32>
    %shift_right_logical3A_178 = arith.shrui %xor3A_171, %shift_right_logical3A_177 : vector<8x1024xi32>
    %or3A_179 = arith.ori %shift_left3A_175, %shift_right_logical3A_178 : vector<8x1024xi32>
    %xor3A_180 = arith.xori %add3A_172, %or3A_179 : vector<8x1024xi32>
    %add3A_181 = arith.addi %add3A_172, %xor3A_180 : vector<8x1024xi32>
    %shift_left3A_182 = arith.constant 16 : i32
    %shift_left3A_183 = vector.broadcast %shift_left3A_182 : i32 to vector<8x1024xi32>
    %shift_left3A_184 = arith.shli %xor3A_180, %shift_left3A_183 : vector<8x1024xi32>
    %shift_right_logical3A_185 = arith.constant 16 : i32
    %shift_right_logical3A_186 = vector.broadcast %shift_right_logical3A_185 : i32 to vector<8x1024xi32>
    %shift_right_logical3A_187 = arith.shrui %xor3A_180, %shift_right_logical3A_186 : vector<8x1024xi32>
    %or3A_188 = arith.ori %shift_left3A_184, %shift_right_logical3A_187 : vector<8x1024xi32>
    %xor3A_189 = arith.xori %add3A_181, %or3A_188 : vector<8x1024xi32>
    %add3A_190 = arith.addi %add3A_181, %xor3A_189 : vector<8x1024xi32>
    %shift_left3A_191 = arith.constant 24 : i32
    %shift_left3A_192 = vector.broadcast %shift_left3A_191 : i32 to vector<8x1024xi32>
    %shift_left3A_193 = arith.shli %xor3A_189, %shift_left3A_192 : vector<8x1024xi32>
    %shift_right_logical3A_194 = arith.constant 8 : i32
    %shift_right_logical3A_195 = vector.broadcast %shift_right_logical3A_194 : i32 to vector<8x1024xi32>
    %shift_right_logical3A_196 = arith.shrui %xor3A_189, %shift_right_logical3A_195 : vector<8x1024xi32>
    %or3A_197 = arith.ori %shift_left3A_193, %shift_right_logical3A_196 : vector<8x1024xi32>
    %xor3A_198 = arith.xori %add3A_190, %or3A_197 : vector<8x1024xi32>
    %add3A_199 = arith.constant 42 : i32
    %add3A_200 = vector.broadcast %add3A_199 : i32 to vector<8x1024xi32>
    %add3A_201 = arith.addi %add3A_190, %add3A_200 : vector<8x1024xi32>
    %add3A_202 = arith.constant 466689008 : i32
    %add3A_203 = arith.constant 4 : i32
    %add3A_204 = arith.addi %add3A_202, %add3A_203 : i32
    %add3A_205 = vector.broadcast %add3A_204 : i32 to vector<8x1024xi32>
    %add3A_206 = arith.addi %xor3A_198, %add3A_205 : vector<8x1024xi32>
    %add3A_207 = arith.addi %add3A_201, %add3A_206 : vector<8x1024xi32>
    %shift_left3A_208 = arith.constant 13 : i32
    %shift_left3A_209 = vector.broadcast %shift_left3A_208 : i32 to vector<8x1024xi32>
    %shift_left3A_210 = arith.shli %add3A_206, %shift_left3A_209 : vector<8x1024xi32>
    %shift_right_logical3A_211 = arith.constant 19 : i32
    %shift_right_logical3A_212 = vector.broadcast %shift_right_logical3A_211 : i32 to vector<8x1024xi32>
    %shift_right_logical3A_213 = arith.shrui %add3A_206, %shift_right_logical3A_212 : vector<8x1024xi32>
    %or3A_214 = arith.ori %shift_left3A_210, %shift_right_logical3A_213 : vector<8x1024xi32>
    %xor3A_215 = arith.xori %add3A_207, %or3A_214 : vector<8x1024xi32>
    %add3A_216 = arith.addi %add3A_207, %xor3A_215 : vector<8x1024xi32>
    %shift_left3A_217 = arith.constant 15 : i32
    %shift_left3A_218 = vector.broadcast %shift_left3A_217 : i32 to vector<8x1024xi32>
    %shift_left3A_219 = arith.shli %xor3A_215, %shift_left3A_218 : vector<8x1024xi32>
    %shift_right_logical3A_220 = arith.constant 17 : i32
    %shift_right_logical3A_221 = vector.broadcast %shift_right_logical3A_220 : i32 to vector<8x1024xi32>
    %shift_right_logical3A_222 = arith.shrui %xor3A_215, %shift_right_logical3A_221 : vector<8x1024xi32>
    %or3A_223 = arith.ori %shift_left3A_219, %shift_right_logical3A_222 : vector<8x1024xi32>
    %xor3A_224 = arith.xori %add3A_216, %or3A_223 : vector<8x1024xi32>
    %add3A_225 = arith.addi %add3A_216, %xor3A_224 : vector<8x1024xi32>
    %shift_left3A_226 = arith.constant 26 : i32
    %shift_left3A_227 = vector.broadcast %shift_left3A_226 : i32 to vector<8x1024xi32>
    %shift_left3A_228 = arith.shli %xor3A_224, %shift_left3A_227 : vector<8x1024xi32>
    %shift_right_logical3A_229 = arith.constant 6 : i32
    %shift_right_logical3A_230 = vector.broadcast %shift_right_logical3A_229 : i32 to vector<8x1024xi32>
    %shift_right_logical3A_231 = arith.shrui %xor3A_224, %shift_right_logical3A_230 : vector<8x1024xi32>
    %or3A_232 = arith.ori %shift_left3A_228, %shift_right_logical3A_231 : vector<8x1024xi32>
    %xor3A_233 = arith.xori %add3A_225, %or3A_232 : vector<8x1024xi32>
    %add3A_234 = arith.addi %add3A_225, %xor3A_233 : vector<8x1024xi32>
    %shift_left3A_235 = arith.constant 6 : i32
    %shift_left3A_236 = vector.broadcast %shift_left3A_235 : i32 to vector<8x1024xi32>
    %shift_left3A_237 = arith.shli %xor3A_233, %shift_left3A_236 : vector<8x1024xi32>
    %shift_right_logical3A_238 = arith.constant 26 : i32
    %shift_right_logical3A_239 = vector.broadcast %shift_right_logical3A_238 : i32 to vector<8x1024xi32>
    %shift_right_logical3A_240 = arith.shrui %xor3A_233, %shift_right_logical3A_239 : vector<8x1024xi32>
    %or3A_241 = arith.ori %shift_left3A_237, %shift_right_logical3A_240 : vector<8x1024xi32>
    %xor3A_242 = arith.xori %add3A_234, %or3A_241 : vector<8x1024xi32>
    %add3A_243 = arith.constant 466689008 : i32
    %add3A_244 = vector.broadcast %add3A_243 : i32 to vector<8x1024xi32>
    %add3A_245 = arith.addi %add3A_234, %add3A_244 : vector<8x1024xi32>
    %add3A_246 = arith.constant 5 : i32
    %add3A_247 = vector.broadcast %add3A_246 : i32 to vector<8x1024xi32>
    %add3A_248 = arith.addi %xor3A_242, %add3A_247 : vector<8x1024xi32>
    %xor3A_249 = arith.xori %add3A_245, %add3A_248 : vector<8x1024xi32>
    %shift_right_logical3A_250 = arith.constant 9 : i32
    %shift_right_logical3A_251 = vector.broadcast %shift_right_logical3A_250 : i32 to vector<8x1024xi32>
    %shift_right_logical3A_252 = arith.shrui %xor3A_249, %shift_right_logical3A_251 : vector<8x1024xi32>
    %or3A_253 = arith.constant 1065353216 : i32
    %or3A_254 = vector.broadcast %or3A_253 : i32 to vector<8x1024xi32>
    %or3A_255 = arith.ori %shift_right_logical3A_252, %or3A_254 : vector<8x1024xi32>
    %bitcast_convert_type3A_256 = tpu.bitcast %or3A_255 : vector<8x1024xi32> -> vector<8x1024xf32>
    %sub3A = arith.constant 1.000000e+00 : f32
    %sub3A_257 = vector.broadcast %sub3A : f32 to vector<8x1024xf32>
    %sub3A_258 = arith.subf %bitcast_convert_type3A_256, %sub3A_257 : vector<8x1024xf32>
    %log3A = math.log %sub3A_258 : vector<8x1024xf32>
    %mul3A_259 = arith.constant 1024 : i32
    %mul3A_260 = arith.muli %scan3A_28, %mul3A_259 : i32
    %get3A = arith.constant 0 : index
    %get3A_261 = arith.index_cast %mul3A_260 : i32 to index
    %get3A_262 = vector.load %arg1[%get3A, %get3A_261] : memref<1x771072xf32, #tpu.memory_space<vmem>>, vector<1x1024xf32>
    %get3A_263 = vector.shape_cast %get3A_262 : vector<1x1024xf32> to vector<1024xf32>
    %broadcast_in_dim3A_264 = vector.shape_cast %get3A_263 : vector<1024xf32> to vector<1x1024xf32>
    %mul3A_265 = vector.broadcast %broadcast_in_dim3A_264 : vector<1x1024xf32> to vector<8x1024xf32>
    %mul3A_266 = arith.mulf %log3A, %mul3A_265 : vector<8x1024xf32>
    %gt3A_267 = arith.cmpf ogt, %mul3A_266, %scan3A_26#0 : vector<8x1024xf32>
    %select_n3A_268 = arith.select %gt3A_267, %mul3A_266, %scan3A_26#0 : vector<8x1024xi1>, vector<8x1024xf32>
    %select_n3A_269 = arith.select %gt3A_267, %add3A_32, %scan3A_26#1 : vector<8x1024xi1>, vector<8x1024xi32>
    %scan3A_270 = arith.constant 753 : i32
    %reduce_max3A = arith.constant dense<0xFF800000> : vector<8xf32>
    %reduce_max3A_271 = vector.multi_reduction <maximumf>, %select_n3A_268, %reduce_max3A [1] : vector<8x1024xf32> to vector<8xf32>
    %broadcast_in_dim3A_272 = vector.shape_cast %reduce_max3A_271 : vector<8xf32> to vector<8x1xf32>
    %eq3A = vector.broadcast %broadcast_in_dim3A_272 : vector<8x1xf32> to vector<8x1024xf32>
    %eq3A_273 = arith.cmpf oeq, %select_n3A_268, %eq3A : vector<8x1024xf32>
    %jit3A = arith.constant 2147483647 : i32
    %broadcast_in_dim3A_274 = vector.broadcast %jit3A : i32 to vector<8x1024xi32>
    %select_n3A_275 = arith.select %eq3A_273, %select_n3A_269, %broadcast_in_dim3A_274 : vector<8x1024xi1>, vector<8x1024xi32>
    %reduce_min3A = arith.constant dense<2147483647> : vector<8xi32>
    %reduce_min3A_276 = vector.multi_reduction <minsi>, %select_n3A_275, %reduce_min3A [1] : vector<8x1024xi32> to vector<8xi32>
    %broadcast_in_dim3A_277 = vector.shape_cast %reduce_min3A_276 : vector<8xi32> to vector<8x1xi32>
    %swap3A = arith.constant 0 : index
    %swap3A_278 = arith.constant 0 : index
    %swap3A_279 = arith.constant 0 : index
    %swap3A_280 = vector.load %arg2[%swap3A, %swap3A_278, %swap3A_279] : memref<1x8x1xi32, #tpu.memory_space<vmem>>, vector<1x8x1xi32>
    %swap3A_281 = vector.shape_cast %swap3A_280 : vector<1x8x1xi32> to vector<8x1xi32>
    %swap3A_282 = vector.shape_cast %broadcast_in_dim3A_277 : vector<8x1xi32> to vector<1x8x1xi32>
    tpu.vector_store %arg2[%swap3A, %swap3A_278, %swap3A_279], %swap3A_282 {strides = array<i32>} : memref<1x8x1xi32, #tpu.memory_space<vmem>>, vector<1x8x1xi32>,
    %swap3A_283 = arith.constant 0 : index
    %swap3A_284 = arith.constant 0 : index
    %swap3A_285 = arith.constant 0 : index
    %swap3A_286 = vector.load %arg3[%swap3A_283, %swap3A_284, %swap3A_285] : memref<1x8x1xf32, #tpu.memory_space<vmem>>, vector<1x8x1xf32>
    %swap3A_287 = vector.shape_cast %swap3A_286 : vector<1x8x1xf32> to vector<8x1xf32>
    %swap3A_288 = vector.shape_cast %broadcast_in_dim3A_272 : vector<8x1xf32> to vector<1x8x1xf32>
    tpu.vector_store %arg3[%swap3A_283, %swap3A_284, %swap3A_285], %swap3A_288 {strides = array<i32>} : memref<1x8x1xf32, #tpu.memory_space<vmem>>, vector<1x8x1xf32>,
    return
  }
  func.func @transform_0(%arg0: i32) -> (i32, i32) {
    %c0_i32 = arith.constant 0 : i32
    %c0_i32_0 = arith.constant 0 : i32
    %c0_i32_1 = arith.constant 0 : i32
    return %c0_i32, %c0_i32_0 : i32, i32
  }
  func.func @transform_1(%arg0: i32) -> (i32, i32, i32) {
    %c0_i32 = arith.constant 0 : i32
    %c0_i32_0 = arith.constant 0 : i32
    %c0_i32_1 = arith.constant 0 : i32
    return %arg0, %c0_i32, %c0_i32_0 : i32, i32, i32
  }
  func.func @transform_2(%arg0: i32) -> (i32, i32, i32) {
    %c0_i32 = arith.constant 0 : i32
    %c0_i32_0 = arith.constant 0 : i32
    %c0_i32_1 = arith.constant 0 : i32
    return %arg0, %c0_i32, %c0_i32_0 : i32, i32, i32
  }
}

</mosaic_0001>

<sc_bundles>
// kernel: kernel.12.cloned.1.call-start
scs
__scs_entry_jumppad:
0x0: {  	(pc) =	sbr.rel $0x88, $3  }
0x1: {  	(tag) =	ssettag $0x0;
	lr =	simm.s32 $0x1  }
0x2: {  	[smem:$0x3F9C] =	sst lr;
	_ =	strace $0xD0000000  }
0x3: {  	_ = 	snop  }
0x4: {  	_ = 	snop  }
0x5: {  	_ = 	snop  }
0x6: {  	_ = 	snop  }
0x7: {  	_ = 	snop  }
__scs_overlays_trampoline_lowered:
0x8: {  	[smem:$0x3FAB] =	sst s0  }
0x9: {  	[smem:$0x3FAC] =	sst s1  }
0xa: {  	[smem:$0x3FAD] =	sst s2  }
0xb: {  	[smem:$0x3FAE] =	sst s3  }
0xc: {  	[smem:$0x3FAF] =	sst s4  }
0xd: {  	[smem:$0x3FB0] =	sst s5  }
0xe: {  	[smem:$0x3FB1] =	sst s6  }
0xf: {  	[smem:$0x3FB2] =	sst s7  }
0x10: {  	[smem:$0x3FB3] =	sst s8  }
0x11: {  	[smem:$0x3FB4] =	sst s9;
	s0 =	simm.s32 @!p0 $0x0  }
0x12: {  	s1 =	sld [smem:$0x3F9A];
	s0 =	simm.s32 @p0 $0x1  }
0x13: {  	[smem:$0x3FB5] =	sst s0;
	s0 =	simm.s32 @!p1 $0x0  }
0x14: {  	s2 =	sld [smem:$0x3F99];
	s0 =	simm.s32 @p1 $0x1  }
0x15: {  	[smem:$0x3FB6] =	sst s0;
	s0 =	simm.s32 @!p2 $0x0  }
0x16: {  	s3 =	sld [smem:$0x3FDB];
	s0 =	simm.s32 @p2 $0x1  }
0x17: {  	s4 =	simm.s32 $0x1BF5;
	[smem:$0x3FB8] =	sst s0  }
0x18: {  	s0 =	sld [smem:$0x3F9B];
	_ =	swait.ge [sflag:s4], $0x0  }
0x19: {  	s7 =	sld [smem:$0x3F9C]  }
0x1a: {  	s8 =	sadd.s32 $0xFFFFE003, lr  }
0x1b: {  	s9 =	sadd.s32 $0xFFFFFEF7, lr;
	s5 =	simm.s32 $0xFFFFFFFF;
	p2 =	slt.u32 s8, $0xFFFFF086  }
0x1c: {  	p1 =	slt.u32 s9, $0xF7A;
	s5 =	simm.s32 @!p2 $0x0  }
0x1d: {  	s5 =	simm.s32 @p1 $0x1;
	p0 =	seq.s32 s7, s2  }
0x1e: {  	s7 =	smul.u32 @!p0 $0xF7A, s2;
	p2 =	seq.s32 @!p0 s5, $0x0  }
0x1f: {  	s9 =	smul.u32 $0xF7A, s1;
	s8 =	simm.s32 @!p0 $0x1BF5;
	p2 =	por !p2, p0  }
0x20: {  	[sflag:s8] =	ssyncset.s32 @!p0 $0xFFFFF086;
	s6 =	sadd.s32 @!p0 s3, s7;
	s7 =	simm.s32 @!p0 $0x108  }
0x21: {  	s3 =	sadd.s32 s3, s9;
	s6 =	sadd.s32 @!p0 $0x88, s6;
	s7 =	simm.s32 @p2 $0x1082  }
0x22: {  	[simem:s7], [sflag:s8] =	dma.local @!p0 [hbm:s6], $0xF7A  }
0x23: {  	s9 =	sor.u32 $0xD0000000, s2;
	s6 =	simm.s32 $0x108;
	_ =	swait.ge @!p0 [sflag:s8], $0x0  }
0x24: {  	s3 =	sadd.s32 $0x88, s3;
	s6 =	simm.s32 @!p1 $0x1082;
	[sflag:s4] =	ssyncset.s32 $0xFFFFF086  }
0x25: {  	[simem:s6], [sflag:s4] =	dma.local [hbm:s3], $0xF7A  }
0x26: {  	[smem:$0x3F9C] =	sst s1;
	(tag) =	ssettag s2;
	_ =	strace s9  }
0x27: {  	s1 =	sld [smem:$0x3FAC]  }
0x28: {  	s2 =	sld [smem:$0x3FAD]  }
0x29: {  	s4 =	sld [smem:$0x3FAF]  }
0x2a: {  	p0 =	seq.s32 s5, $0x0;
	s5 =	sld [smem:$0x3FB0]  }
0x2b: {  	s6 =	sld [smem:$0x3FB1]  }
0x2c: {  	s7 =	sld [smem:$0x3FB2]  }
0x2d: {  	s3 =	simm.s32 $0x108;
	s8 =	sld [smem:$0x3FB3]  }
0x2e: {  	s3 =	simm.s32 @!p0 $0x1082;
	s9 =	sld [smem:$0x3FB4]  }
0x2f: {  	lr =	sadd.s32 s0, s3;
	s0 =	sld [smem:$0x3FAB]  }
0x30: {  	s3 =	sld [smem:$0x3FAE]  }
0x31: {  	[smem:$0x3FB7] =	sst s10  }
0x32: {  	s10 =	sld [smem:$0x3FB5];
	_ =	sdelay $0x3  }
0x33: {  	p0 =	seq.s32 s10, $0x1;
	s10 =	sld [smem:$0x3FB7];
	_ =	sdelay $0x3  }
0x34: {  	[smem:$0x3FB7] =	sst s10  }
0x35: {  	s10 =	sld [smem:$0x3FB6];
	_ =	sdelay $0x3  }
0x36: {  	p1 =	seq.s32 s10, $0x1;
	s10 =	sld [smem:$0x3FB7];
	_ =	sdelay $0x3  }
0x37: {  	[smem:$0x3FB7] =	sst s10  }
0x38: {  	s10 =	sld [smem:$0x3FB8]  }
0x39: {  	_ = 	snop;
	(pc) =	sbr.ind lr, $3  }
0x3a: {  	_ = 	snop  }
0x3b: {  	_ = 	snop  }
0x3c: {  	p2 =	seq.s32 s10, $0x1;
	s10 =	sld [smem:$0x3FB7]  }
0x3d: {  	_ =	shalt  }
0x3e: {  	_ =	shalt  }
0x3f: {  	_ =	shalt  }
0x40: {  	_ =	shalt  }
0x41: {  	_ =	shalt  }
0x42: {  	_ =	shalt  }
0x43: {  	_ =	shalt  }
0x44: {  	_ =	shalt  }
0x45: {  	_ =	shalt  }
0x46: {  	_ =	shalt  }
0x47: {  	_ =	shalt  }
0x48: {  	_ =	shalt  }
0x49: {  	_ =	shalt  }
0x4a: {  	_ =	shalt  }
0x4b: {  	_ =	shalt  }
0x4c: {  	_ =	shalt  }
0x4d: {  	_ =	shalt  }
0x4e: {  	_ =	shalt  }
0x4f: {  	_ =	shalt  }
0x50: {  	_ =	shalt  }
0x51: {  	_ =	shalt  }
0x52: {  	_ =	shalt  }
0x53: {  	_ =	shalt  }
0x54: {  	_ =	shalt  }
0x55: {  	_ =	shalt  }
0x56: {  	_ =	shalt  }
0x57: {  	_ =	shalt  }
0x58: {  	_ =	shalt  }
0x59: {  	_ =	shalt  }
0x5a: {  	_ =	shalt  }
0x5b: {  	_ =	shalt  }
0x5c: {  	_ =	shalt  }
0x5d: {  	_ =	shalt  }
0x5e: {  	_ =	shalt  }
0x5f: {  	_ =	shalt  }
0x60: {  	_ =	shalt  }
0x61: {  	_ =	shalt  }
0x62: {  	_ =	shalt  }
0x63: {  	_ =	shalt  }
0x64: {  	_ =	shalt  }
0x65: {  	_ =	shalt  }
0x66: {  	_ =	shalt  }
0x67: {  	_ =	shalt  }
0x68: {  	_ =	shalt  }
0x69: {  	_ =	shalt  }
0x6a: {  	_ =	shalt  }
0x6b: {  	_ =	shalt  }
0x6c: {  	_ =	shalt  }
0x6d: {  	_ =	shalt  }
0x6e: {  	_ =	shalt  }
0x6f: {  	_ =	shalt  }
0x70: {  	_ =	shalt  }
0x71: {  	_ =	shalt  }
0x72: {  	_ =	shalt  }
0x73: {  	_ =	shalt  }
0x74: {  	_ =	shalt  }
0x75: {  	_ =	shalt  }
0x76: {  	_ =	shalt  }
0x77: {  	_ =	shalt  }
0x78: {  	_ =	shalt  }
0x79: {  	_ =	shalt  }
0x7a: {  	_ =	shalt  }
0x7b: {  	_ =	shalt  }
0x7c: {  	_ =	shalt  }
0x7d: {  	_ =	shalt  }
0x7e: {  	_ =	shalt  }
0x7f: {  	_ =	shalt  }
0x80: {  	_ =	shalt  }
0x81: {  	_ =	shalt  }
0x82: {  	_ =	shalt  }
0x83: {  	_ =	shalt  }
0x84: {  	_ =	shalt  }
0x85: {  	_ =	shalt  }
0x86: {  	_ =	shalt  }
0x87: {  	_ =	shalt  }
.Lfunc_end0:
.L_simem_size_0:
called_computation.2_lowered:
.L_overlay_start_0:
0x88: {  	s2 =	sld [smem:$0x3FD9]  }
0x89: {  	s3 =	sld [smem:$0x3FFE];
	_ =	sdelay $0x1  }
0x8a: {  	s1 =	srdreg.scid  }
0x8b: {  	s0 =	sand.u32 $0x1, s1  }
0x8c: {  	s15 =	sshll.u32 s0, $0xA;
	s2 =	sadd.s32 s3, s2  }
0x8d: {  	s2 =	sadd.s32 s2, s15  }
0x8e: {  	[smem:$0x3FC3] =	sst s2  }
0x8f: {  	_ = 	snop  }
0x90: {  	s2 =	sld [smem:$0x3FD0];
	_ =	sdelay $0x2  }
0x91: {  	s16 =	simm.s32 $0xB;
	s4 =	simm.s32 $0x10  }
0x92: {  	[smem:s4], [sflag:s16] =	dma.local [hbm:s2], $0x1  }
0x93: {  	_ =	swait.eq [sflag:s16], $0x1  }
0x94: {  	[sflag:s16] =	ssyncset.done $0x0  }
0x95: {  	[sflag:s16] =	ssyncadd.s32 $0xFFFFFFFF  }
0x96: {  	s17 =	sld [smem:$0x12];
	(tm) =	ssettm $0x1  }
0x97: {  	s18 =	sld [smem:$0x3FFB];
	_ =	sdelay $0x3  }
0x98: {  	_ =	strace s18  }
0x99: {  	s2 =	sld [smem:$0x3FFC];
	_ =	sdelay $0x3  }
0x9a: {  	_ =	strace s2  }
0x9b: {  	s2 =	sld [smem:$0x3FFD];
	_ =	sdelay $0x3  }
0x9c: {  	_ =	strace s2  }
0x9d: {  	_ =	strace $0x8FFFFFFF  }
0x9e: {  	s19 =	sld [smem:$0x3FDB];
	_ =	sdelay $0x1  }
0x9f: {  	s20 =	simm.s32 $_scs_section_size  }
0xa0: {  	s5 =	simm.s32 $_size__tile_overlayer_lowered;
	s6 =	simm.s32 $_tile_overlayer_lowered  }
0xa1: {  	s7 =	simm.s32 $0x1BFF;
	s21 =	sshll.u32 s6, $0x1;
	s4 =	sadd.s32 s20, s19  }
0xa2: {  	s22 =	simm.s32 $0x0;
	s5 =	sshll.u32 s5, $0x1;
	s6 =	sadd.s32 s21, s4  }
0xa3: {  	[timem:s22], [sflag:s7] =	dma.local [hbm:s6], s5  }
0xa4: {  	_ =	swait.ge [sflag:s7], s5  }
0xa5: {  	s5 =	ssub.s32 $0x0, s5;
	[sflag:s7] =	ssyncset.done $0x0  }
0xa6: {  	[sflag:s7] =	ssyncadd.s32 s5;
	_ =	sdelay $0x1  }
0xa7: {  	s23 =	simm.s32 $0x1B8B  }
0xa8: {  	_ =	swait.ge [sflag:s23], $0x1  }
0xa9: {  	[sflag:s23] =	ssyncset.done $0x0  }
0xaa: {  	[sflag:s23] =	ssyncadd.s32 $0xFFFFFFFF  }
0xab: {  	s5 =	sld [smem:$0x0]  }
0xac: {  	s6 =	sand.u32 $0xFFFFFFFE, s1  }
0xad: {  	p0 =	sne.s32 s1, s6  }
0xae: {  	s6 =	sshll.u32 @p0 s6, $0xE  }
0xaf: {  	s6 =	sadd.s32 @p0 $0x11B8D, s6;
	s7 =	sshll.u32 @p0 s5, $0x11  }
0xb0: {  	s6 =	sor.u32 @p0 s7, s6  }
0xb1: {  	[sflag:s6] =	ssyncadd.remote.s32 @p0 $0x1;
	_ =	sdelay $0x1  }
0xb2: {  	s6 =	simm.s32 @p0 $0x1B8D  }
0xb3: {  	_ =	swait.eq @p0 [sflag:s6], $0x1  }
0xb4: {  	[sflag:s6] =	ssyncadd.s32 @p0 $0xFFFFFFFF  }
0xb5: {  	s7 =	sshll.u32 @!p0 s1, $0xE  }
0xb6: {  	s7 =	sor.u32 @!p0 $0x4000, s7;
	s6 =	simm.s32 @!p0 $0x1B8D  }
0xb7: {  	s5 =	sshll.u32 @!p0 s5, $0x11;
	s7 =	sadd.s32 @!p0 $0x11B8D, s7;
	_ =	swait.eq @!p0 [sflag:s6], $0x1  }
0xb8: {  	s5 =	sor.u32 @!p0 s5, s7;
	[sflag:s6] =	ssyncadd.s32 @!p0 $0xFFFFFFFF  }
0xb9: {  	s25 =	simm.s32 $0x1B8E;
	s24 =	sld [smem:$0x3FFE];
	[sflag:s5] =	ssyncadd.remote.s32 @!p0 $0x1  }
0xba: {  	s26 =	simm.s32 $execute0_lowered;
	[smem:$0x3FD2] =	sst s25  }
0xbb: {  	s6 =	sshll.u32 s26, $0x1;
	_ =	strace $0x8000004C;
	[dreg:$0x1] =	wrdreg $0xFFFFFFFF  }
0xbc: {  	s28 =	simm.s32 $_size_execute0_lowered;
	s4 =	sadd.s32 s4, s6;
	[dreg:$0x0] =	wrdreg $0x0  }
0xbd: {  	s6 =	sshll.u32 s28, $0x1;
	[dreg:$0x2] =	wrdreg s4  }
0xbe: {  	[dreg:$0x3] =	wrdreg s6  }
0xbf: {  	[dreg:$0x4] =	wrdreg $0xC0  }
0xc0: {  	_ =	task [dreg:s22], $0x5FFFF  }
0xc1: {  	[dreg:$0x1] =	wrdreg $0xFFFFFFFF  }
0xc2: {  	[dreg:$0x0] =	wrdreg $0x60  }
0xc3: {  	[dreg:$0x2] =	wrdreg s24  }
0xc4: {  	[dreg:$0x3] =	wrdreg s17  }
0xc5: {  	[dreg:$0x4] =	wrdreg $0xA  }
0xc6: {  	_ =	task.clear_ibuf [dreg:s22], $0x5FFFF;
	_ =	strace $0x9000004C  }
0xc7: {  	s29 =	simm.s32 $0xA;
	_ =	strace $0x8000004E  }
0xc8: {  	_ =	swait.ge [sflag:s29], $0x1  }
0xc9: {  	[sflag:s29] =	ssyncadd.s32 $0xFFFFFFFF  }
0xca: {  	_ =	strace $0x9000004E  }
0xcb: {  	_ =	sfence  }
0xcc: {  	s30 =	sld [smem:$0x0];
	_ =	sdelay $0x2  }
0xcd: {  	s31 =	sshll.u32 s1, $0xD;
	s1 =	sshrl.u32 s1, $0x2  }
0xce: {  	s4 =	sand.u32 $0x4000, s31;
	s1 =	sadd.s32 s1, s30  }
0xcf: {  	s0 =	sor.u32 s4, s0;
	s1 =	sshll.u32 s1, $0x11  }
0xd0: {  	s0 =	sor.u32 s1, s0  }
0xd1: {  	s0 =	sadd.s32 $0x8F2B, s0  }
0xd2: {  	[sflag:s0] =	ssyncadd.remote.s32 $0x1  }
0xd3: {  	_ =	sfence.sel $0xFFFF  }
0xd4: {  	[dreg:$0x0] =	wrdreg $0xFFFFFFFF;
	(pc) =	sbr.abs _section_cstart, $3  }
0xd5: {  	[dreg:$0x1] =	wrdreg $0xFFFFFFFF  }
0xd6: {  	_ =	task.clear_ibuf [dreg:s22], $0x2FFFF;
	_ =	strace $0x9FFFFFFF  }
0xd7: {  	(tm) =	ssettm $0x7FFFFFFF  }
tec
execute0_lowered:
.L_overlay_start_1:
0x0: {  	(tag) =	ssettag $0x1  }
0x1: {  	s4 =	rddreg [dreg:$0x0]  }
0x2: {  	s1 =	srdreg.scid;
	s0 =	stileid.u32  }
0x3: {  	s8 =	rddreg [dreg:$0x1];
	s2 =	simm.s32 $0x0;
	s13 =	simm.s32 $0x600  }
0x4: {  	s14 =	simm.s32 $0xC00;
	s15 =	simm.s32 $0x1200;
	s16 =	simm.s32 $0x200  }
0x5: {  	s17 =	simm.s32 $0x1800;
	s18 =	simm.s32 $0x1;
	s19 =	simm.s32 $0x800  }
0x6: {  	s20 =	simm.s32 $0xA00;
	s3 =	sand.u32 $0x1, s1;
	s5 =	sshll.u32 s0, $0x1  }
0x7: {  	s21 =	simm.s32 $0x0;
	[smem:$0x7FF] =	sst s2;
	s5 =	sor.u32 s3, s5  }
0x8: {  	s1 =	rddreg [dreg:$0x2];
	_ =	strace $0x8000004D;
	s6 =	smul.u32 $0xC0, s5  }
0x9: {  	s7 =	ssub.s32 $0x2, s3;
	s3 =	sadd.s32 $0x16EC400, s4;
	s10 =	smul.u32 $0x18000, s5  }
0xa: {  	s9 =	sshrl.u32 s7, $0x1;
	s30 =	smul.u32 $0x3000, s5;
	s11 =	sadd.s32 s6, s4  }
0xb: {  	s12 =	ssub.s32 s7, s9;
	s31 =	sshrl.u32 s10, $0x3;
	s4 =	sadd.s32 $0x28E00, s11  }
0xc: {  	s5 =	sadd.s32 $0x2A600, s11;
	s6 =	sadd.s32 $0x5E00, s11;
	s10 =	sadd.s32 s8, s31  }
0xd: {  	s7 =	sadd.s32 $0x7600, s11;
	s8 =	sadd.s32 s8, s30;
	s11 =	smax.u32 s12, $0x1  }
0xe: {  	s12 =	simm.s32 $0x2;
	s9 =	sadd.s32 $0x1000, s10;
	s10 =	sadd.s32 $0x2000, s10  }
.LBB2_1:
0xf: {  	[tilespmem:s2], [sflag:$0x2] =	stream.linear.gather [hbm4b:s4+s2], $0x600, $0x38;
	[tilespmem:$0x9800] =	vst v63  }
0x10: {  	_ =	swait.ge [sflag:s12], $0x600  }
0x11: {  	[sflag:s12] =	ssyncset.done $0x0  }
0x12: {  	[sflag:s12] =	ssyncadd.s32 $0xFFFFFA00  }
0x13: {  	[tilespmem:s13], [sflag:$0x2] =	stream.linear.gather [hbm4b:s5+s2], $0x600, $0x38;
	[tilespmem:$0x9800] =	vst v63  }
0x14: {  	_ =	swait.ge [sflag:s12], $0x600  }
0x15: {  	[sflag:s12] =	ssyncset.done $0x0  }
0x16: {  	[sflag:s12] =	ssyncadd.s32 $0xFFFFFA00  }
0x17: {  	[tilespmem:s14], [sflag:$0x2] =	stream.linear.gather [hbm4b:s6+s2], $0x600, $0x38;
	[tilespmem:$0x9800] =	vst v63  }
0x18: {  	_ =	swait.ge [sflag:s12], $0x600  }
0x19: {  	[sflag:s12] =	ssyncset.done $0x0  }
0x1a: {  	[sflag:s12] =	ssyncadd.s32 $0xFFFFFA00  }
0x1b: {  	[tilespmem:s15], [sflag:$0x2] =	stream.linear.gather [hbm4b:s7+s2], $0x600, $0x38;
	[tilespmem:$0x9800] =	vst v63  }
0x1c: {  	_ =	swait.ge [sflag:s12], $0x600  }
0x1d: {  	[sflag:s12] =	ssyncset.done $0x0  }
0x1e: {  	s22 =	simm.s32 $0x0;
	[sflag:s12] =	ssyncadd.s32 $0xFFFFFA00  }
0x1f: {  	v2 =	vld [tilespmem:s22+$0x1200]  }
0x20: {  	v1 =	vld [tilespmem:s22+$0x0]  }
0x21: {  	v3 =	vld [tilespmem:s22+$0xC00]  }
0x22: {  	v4 =	vld [tilespmem:s22+$0x600];
	_ =	sdelay $0x2  }
0x23: {  	s23 =	simm.s32 $0x10  }
0x24: {  	v0 =	vld [tilespmem:s23+$0x1200];
	vm0 =	vge.f32 v1, v3  }
0x25: {  	s24 =	simm.s32 $0x80;
	v1 =	vld [tilespmem:s23+$0x0];
	v2 =	vsel vm0, v4, v2  }
.LBB2_2:
0x26: {  	p0 =	sne.s32 s24, $0x17C0;
	v3 =	vld [tilespmem:s23+$0xC00];
	[tilespmem:s22+$0x600] =	vst v2;
	s22 =	smov.u32 s23  }
0x27: {  	v2 =	vld [tilespmem:s22+$0x600]  }
.Ltmp0:
0x28: {  	(pc) =	sbr.rel @p0 .LBB2_2-.Ltmp0, $4  }
0x29: {  	v4 =	vmov v0  }
0x2a: {  	s23 =	sshra.s32 s24, $0x2  }
0x2b: {  	v0 =	vld [tilespmem:s23+$0x1200];
	vm0 =	vge.f32 v1, v3  }
0x2c: {  	s24 =	sadd.s32 $0x40, s24;
	v1 =	vld [tilespmem:s23+$0x0];
	v2 =	vsel vm0, v2, v4  }
0x2d: {  	v3 =	vld [tilespmem:s23+$0xC00];
	[tilespmem:s22+$0x600] =	vst v2  }
0x2e: {  	v2 =	vld [tilespmem:s23+$0x600];
	_ =	sdelay $0x3  }
0x2f: {  	vm0 =	vge.f32 v1, v3  }
0x30: {  	v0 =	vsel vm0, v2, v0  }
0x31: {  	[tilespmem:s23+$0x600] =	vst v0  }
0x32: {  	[tilespmem:s17], [sflag:$0x1] =	stream.indirect.gather [hbm4b:s3+s16], $0x40, s13, s16, $0xb8;
	[tilespmem:$0x9800] =	vst v63  }
0x33: {  	_ =	swait.ge [sflag:s18], $0x8000  }
0x34: {  	[sflag:s18] =	ssyncset.done $0x0  }
0x35: {  	[sflag:s18] =	ssyncadd.s32 $0xFFFF8000  }
0x36: {  	[hbm4b:s8+s2] =	stream.linear.scatter [tilespmem:s17], [sflag:$0x2], $0x8000, $0x38;
	[tilespmem:$0x9800] =	vst v63  }
0x37: {  	_ =	swait.ge [sflag:s12], $0x8000  }
0x38: {  	[sflag:s12] =	ssyncset.done $0x0  }
0x39: {  	[sflag:s12] =	ssyncadd.s32 $0xFFFF8000  }
0x3a: {  	[tilespmem:s17], [sflag:$0x1] =	stream.indirect.gather [hbm4b:s3+s16], $0x40, s19, s16, $0xb8;
	[tilespmem:$0x9800] =	vst v63  }
0x3b: {  	_ =	swait.ge [sflag:s18], $0x8000  }
0x3c: {  	[sflag:s18] =	ssyncset.done $0x0  }
0x3d: {  	[sflag:s18] =	ssyncadd.s32 $0xFFFF8000  }
0x3e: {  	[hbm4b:s9+s2] =	stream.linear.scatter [tilespmem:s17], [sflag:$0x2], $0x8000, $0x38;
	[tilespmem:$0x9800] =	vst v63  }
0x3f: {  	_ =	swait.ge [sflag:s12], $0x8000  }
0x40: {  	[sflag:s12] =	ssyncset.done $0x0  }
0x41: {  	[sflag:s12] =	ssyncadd.s32 $0xFFFF8000  }
0x42: {  	[tilespmem:s17], [sflag:$0x1] =	stream.indirect.gather [hbm4b:s3+s16], $0x40, s20, s16, $0xb8;
	[tilespmem:$0x9800] =	vst v63  }
0x43: {  	s21 =	sadd.s32 $0x1, s21;
	_ =	swait.ge [sflag:s18], $0x8000  }
0x44: {  	p0 =	sne.s32 s21, s11;
	[sflag:s18] =	ssyncset.done $0x0  }
.Ltmp1:
0x45: {  	[sflag:s18] =	ssyncadd.s32 $0xFFFF8000;
	(pc) =	sbr.rel @p0 .LBB2_1-.Ltmp1, $4  }
0x46: {  	[hbm4b:s10+s2] =	stream.linear.scatter [tilespmem:s17], [sflag:$0x2], $0x8000, $0x38;
	[tilespmem:$0x9800] =	vst v63  }
0x47: {  	_ =	swait.ge [sflag:s12], $0x8000  }
0x48: {  	[sflag:s12] =	ssyncset.done $0x0  }
0x49: {  	[sflag:s12] =	ssyncadd.s32 $0xFFFF8000  }
0x4a: {  	_ =	sfence.sel $0x180000  }
0x4b: {  	[bflag:$0x0] =	sbarrier.arrive $0xFFFF  }
0x4c: {  	p0 =	sne.s32 s0, $0x0;
	_ =	strace $0x9000004D  }
0x4d: {  	s0 =	sadd.s32 @!p0 $0x100000, s1;
	[bflag:$0x2] =	sbarrier.arrive $0xFFFF  }
0x4e: {  	[sflag:s0] =	ssyncadd.tile.s32 @!p0 $0x1;
	_ =	shalt  }
.Lfunc_end2:
_tile_overlayer_lowered:
.L_overlay_start_2:
0x4f: {  	(tag) =	ssettag $0x2  }
0x50: {  	s0 =	rddreg [dreg:$0x0];
	s2 =	stileid.u32  }
0x51: {  	s1 =	rddreg [dreg:$0x1];
	p0 =	sne.s32 s2, $0x0  }
0x52: {  	s3 =	rddreg [dreg:$0x2];
	[bflag:$0x3] =	sbarrier.arrive $0xFFFF;
	s2 =	simm.s32 @!p0 $0x1C02  }
0x53: {  	[timem:s3], [sflag:s2] =	dma.local @!p0 [hbm:s0], s1  }
0x54: {  	s0 =	simm.s32 @!p0 $0x2  }
0x55: {  	_ =	swait.ge @!p0 [sflag:s0], s1  }
0x56: {  	s1 =	ssub.s32 @!p0 $0x0, s1;
	[sflag:s0] =	ssyncset.done @!p0 $0x0  }
0x57: {  	[sflag:s0] =	ssyncadd.s32 @!p0 s1  }
0x58: {  	[bflag:$0x3] =	sbarrier.arrive $0xFFFF  }
0x59: {  	_ =	shalt  }

// kernel: kernel.6.cloned.1.call-start
scs
__scs_entry_jumppad:
0x0: {  	(pc) =	sbr.rel $0x88, $3  }
0x1: {  	(tag) =	ssettag $0x0;
	lr =	simm.s32 $0x1  }
0x2: {  	[smem:$0x3F9C] =	sst lr;
	_ =	strace $0xD0000000  }
0x3: {  	_ = 	snop  }
0x4: {  	_ = 	snop  }
0x5: {  	_ = 	snop  }
0x6: {  	_ = 	snop  }
0x7: {  	_ = 	snop  }
__scs_overlays_trampoline_lowered:
0x8: {  	[smem:$0x3FAB] =	sst s0  }
0x9: {  	[smem:$0x3FAC] =	sst s1  }
0xa: {  	[smem:$0x3FAD] =	sst s2  }
0xb: {  	[smem:$0x3FAE] =	sst s3  }
0xc: {  	[smem:$0x3FAF] =	sst s4  }
0xd: {  	[smem:$0x3FB0] =	sst s5  }
0xe: {  	[smem:$0x3FB1] =	sst s6  }
0xf: {  	[smem:$0x3FB2] =	sst s7  }
0x10: {  	[smem:$0x3FB3] =	sst s8  }
0x11: {  	[smem:$0x3FB4] =	sst s9;
	s0 =	simm.s32 @!p0 $0x0  }
0x12: {  	s1 =	sld [smem:$0x3F9A];
	s0 =	simm.s32 @p0 $0x1  }
0x13: {  	[smem:$0x3FB5] =	sst s0;
	s0 =	simm.s32 @!p1 $0x0  }
0x14: {  	s2 =	sld [smem:$0x3F99];
	s0 =	simm.s32 @p1 $0x1  }
0x15: {  	[smem:$0x3FB6] =	sst s0;
	s0 =	simm.s32 @!p2 $0x0  }
0x16: {  	s3 =	sld [smem:$0x3FDB];
	s0 =	simm.s32 @p2 $0x1  }
0x17: {  	s4 =	simm.s32 $0x1BF5;
	[smem:$0x3FB8] =	sst s0  }
0x18: {  	s0 =	sld [smem:$0x3F9B];
	_ =	swait.ge [sflag:s4], $0x0  }
0x19: {  	s7 =	sld [smem:$0x3F9C]  }
0x1a: {  	s8 =	sadd.s32 $0xFFFFE003, lr  }
0x1b: {  	s9 =	sadd.s32 $0xFFFFFEF7, lr;
	s5 =	simm.s32 $0xFFFFFFFF;
	p2 =	slt.u32 s8, $0xFFFFF086  }
0x1c: {  	p1 =	slt.u32 s9, $0xF7A;
	s5 =	simm.s32 @!p2 $0x0  }
0x1d: {  	s5 =	simm.s32 @p1 $0x1;
	p0 =	seq.s32 s7, s2  }
0x1e: {  	s7 =	smul.u32 @!p0 $0xF7A, s2;
	p2 =	seq.s32 @!p0 s5, $0x0  }
0x1f: {  	s9 =	smul.u32 $0xF7A, s1;
	s8 =	simm.s32 @!p0 $0x1BF5;
	p2 =	por !p2, p0  }
0x20: {  	[sflag:s8] =	ssyncset.s32 @!p0 $0xFFFFF086;
	s6 =	sadd.s32 @!p0 s3, s7;
	s7 =	simm.s32 @!p0 $0x108  }
0x21: {  	s3 =	sadd.s32 s3, s9;
	s6 =	sadd.s32 @!p0 $0x88, s6;
	s7 =	simm.s32 @p2 $0x1082  }
0x22: {  	[simem:s7], [sflag:s8] =	dma.local @!p0 [hbm:s6], $0xF7A  }
0x23: {  	s9 =	sor.u32 $0xD0000000, s2;
	s6 =	simm.s32 $0x108;
	_ =	swait.ge @!p0 [sflag:s8], $0x0  }
0x24: {  	s3 =	sadd.s32 $0x88, s3;
	s6 =	simm.s32 @!p1 $0x1082;
	[sflag:s4] =	ssyncset.s32 $0xFFFFF086  }
0x25: {  	[simem:s6], [sflag:s4] =	dma.local [hbm:s3], $0xF7A  }
0x26: {  	[smem:$0x3F9C] =	sst s1;
	(tag) =	ssettag s2;
	_ =	strace s9  }
0x27: {  	s1 =	sld [smem:$0x3FAC]  }
0x28: {  	s2 =	sld [smem:$0x3FAD]  }
0x29: {  	s4 =	sld [smem:$0x3FAF]  }
0x2a: {  	p0 =	seq.s32 s5, $0x0;
	s5 =	sld [smem:$0x3FB0]  }
0x2b: {  	s6 =	sld [smem:$0x3FB1]  }
0x2c: {  	s7 =	sld [smem:$0x3FB2]  }
0x2d: {  	s3 =	simm.s32 $0x108;
	s8 =	sld [smem:$0x3FB3]  }
0x2e: {  	s3 =	simm.s32 @!p0 $0x1082;
	s9 =	sld [smem:$0x3FB4]  }
0x2f: {  	lr =	sadd.s32 s0, s3;
	s0 =	sld [smem:$0x3FAB]  }
0x30: {  	s3 =	sld [smem:$0x3FAE]  }
0x31: {  	[smem:$0x3FB7] =	sst s10  }
0x32: {  	s10 =	sld [smem:$0x3FB5];
	_ =	sdelay $0x3  }
0x33: {  	p0 =	seq.s32 s10, $0x1;
	s10 =	sld [smem:$0x3FB7];
	_ =	sdelay $0x3  }
0x34: {  	[smem:$0x3FB7] =	sst s10  }
0x35: {  	s10 =	sld [smem:$0x3FB6];
	_ =	sdelay $0x3  }
0x36: {  	p1 =	seq.s32 s10, $0x1;
	s10 =	sld [smem:$0x3FB7];
	_ =	sdelay $0x3  }
0x37: {  	[smem:$0x3FB7] =	sst s10  }
0x38: {  	s10 =	sld [smem:$0x3FB8]  }
0x39: {  	_ = 	snop;
	(pc) =	sbr.ind lr, $3  }
0x3a: {  	_ = 	snop  }
0x3b: {  	_ = 	snop  }
0x3c: {  	p2 =	seq.s32 s10, $0x1;
	s10 =	sld [smem:$0x3FB7]  }
0x3d: {  	_ =	shalt  }
0x3e: {  	_ =	shalt  }
0x3f: {  	_ =	shalt  }
0x40: {  	_ =	shalt  }
0x41: {  	_ =	shalt  }
0x42: {  	_ =	shalt  }
0x43: {  	_ =	shalt  }
0x44: {  	_ =	shalt  }
0x45: {  	_ =	shalt  }
0x46: {  	_ =	shalt  }
0x47: {  	_ =	shalt  }
0x48: {  	_ =	shalt  }
0x49: {  	_ =	shalt  }
0x4a: {  	_ =	shalt  }
0x4b: {  	_ =	shalt  }
0x4c: {  	_ =	shalt  }
0x4d: {  	_ =	shalt  }
0x4e: {  	_ =	shalt  }
0x4f: {  	_ =	shalt  }
0x50: {  	_ =	shalt  }
0x51: {  	_ =	shalt  }
0x52: {  	_ =	shalt  }
0x53: {  	_ =	shalt  }
0x54: {  	_ =	shalt  }
0x55: {  	_ =	shalt  }
0x56: {  	_ =	shalt  }
0x57: {  	_ =	shalt  }
0x58: {  	_ =	shalt  }
0x59: {  	_ =	shalt  }
0x5a: {  	_ =	shalt  }
0x5b: {  	_ =	shalt  }
0x5c: {  	_ =	shalt  }
0x5d: {  	_ =	shalt  }
0x5e: {  	_ =	shalt  }
0x5f: {  	_ =	shalt  }
0x60: {  	_ =	shalt  }
0x61: {  	_ =	shalt  }
0x62: {  	_ =	shalt  }
0x63: {  	_ =	shalt  }
0x64: {  	_ =	shalt  }
0x65: {  	_ =	shalt  }
0x66: {  	_ =	shalt  }
0x67: {  	_ =	shalt  }
0x68: {  	_ =	shalt  }
0x69: {  	_ =	shalt  }
0x6a: {  	_ =	shalt  }
0x6b: {  	_ =	shalt  }
0x6c: {  	_ =	shalt  }
0x6d: {  	_ =	shalt  }
0x6e: {  	_ =	shalt  }
0x6f: {  	_ =	shalt  }
0x70: {  	_ =	shalt  }
0x71: {  	_ =	shalt  }
0x72: {  	_ =	shalt  }
0x73: {  	_ =	shalt  }
0x74: {  	_ =	shalt  }
0x75: {  	_ =	shalt  }
0x76: {  	_ =	shalt  }
0x77: {  	_ =	shalt  }
0x78: {  	_ =	shalt  }
0x79: {  	_ =	shalt  }
0x7a: {  	_ =	shalt  }
0x7b: {  	_ =	shalt  }
0x7c: {  	_ =	shalt  }
0x7d: {  	_ =	shalt  }
0x7e: {  	_ =	shalt  }
0x7f: {  	_ =	shalt  }
0x80: {  	_ =	shalt  }
0x81: {  	_ =	shalt  }
0x82: {  	_ =	shalt  }
0x83: {  	_ =	shalt  }
0x84: {  	_ =	shalt  }
0x85: {  	_ =	shalt  }
0x86: {  	_ =	shalt  }
0x87: {  	_ =	shalt  }
.Lfunc_end0:
.L_simem_size_0:
called_computation_lowered:
.L_overlay_start_0:
0x88: {  	s2 =	sld [smem:$0x3FD9]  }
0x89: {  	s3 =	sld [smem:$0x3FFE];
	_ =	sdelay $0x1  }
0x8a: {  	s1 =	srdreg.scid  }
0x8b: {  	s0 =	sand.u32 $0x1, s1  }
0x8c: {  	s14 =	sshll.u32 s0, $0xA;
	s2 =	sadd.s32 s3, s2  }
0x8d: {  	s2 =	sadd.s32 s2, s14  }
0x8e: {  	[smem:$0x3FC3] =	sst s2  }
0x8f: {  	_ = 	snop  }
0x90: {  	s2 =	sld [smem:$0x3FD0];
	_ =	sdelay $0x2  }
0x91: {  	s15 =	simm.s32 $0xB;
	s4 =	simm.s32 $0x10  }
0x92: {  	[smem:s4], [sflag:s15] =	dma.local [hbm:s2], $0x1  }
0x93: {  	_ =	swait.eq [sflag:s15], $0x1  }
0x94: {  	[sflag:s15] =	ssyncset.done $0x0  }
0x95: {  	[sflag:s15] =	ssyncadd.s32 $0xFFFFFFFF  }
0x96: {  	s16 =	sld [smem:$0x12];
	(tm) =	ssettm $0x1  }
0x97: {  	s17 =	sld [smem:$0x3FFB];
	_ =	sdelay $0x3  }
0x98: {  	_ =	strace s17  }
0x99: {  	s3 =	sld [smem:$0x3FFC];
	_ =	sdelay $0x3  }
0x9a: {  	_ =	strace s3  }
0x9b: {  	s3 =	sld [smem:$0x3FFD];
	_ =	sdelay $0x3  }
0x9c: {  	_ =	strace s3  }
0x9d: {  	_ =	strace $0x8FFFFFFF  }
0x9e: {  	s18 =	sld [smem:$0x3FDB];
	_ =	sdelay $0x1  }
0x9f: {  	s19 =	simm.s32 $_scs_section_size  }
0xa0: {  	s5 =	simm.s32 $_size__tile_overlayer_lowered;
	s6 =	simm.s32 $_tile_overlayer_lowered  }
0xa1: {  	s22 =	simm.s32 $0x1BFF;
	s21 =	sshll.u32 s6, $0x1;
	s3 =	sadd.s32 s19, s18  }
0xa2: {  	s7 =	simm.s32 $0x0;
	s20 =	sshll.u32 s5, $0x1;
	s5 =	sadd.s32 s21, s3  }
0xa3: {  	[timem:s7], [sflag:s22] =	dma.local [hbm:s5], s20  }
0xa4: {  	_ =	swait.ge [sflag:s22], s20  }
0xa5: {  	s4 =	ssub.s32 $0x0, s20;
	[sflag:s22] =	ssyncset.done $0x0  }
0xa6: {  	[sflag:s22] =	ssyncadd.s32 s4;
	_ =	sdelay $0x1  }
0xa7: {  	s23 =	simm.s32 $0x1B8B  }
0xa8: {  	_ =	swait.ge [sflag:s23], $0x1  }
0xa9: {  	[sflag:s23] =	ssyncset.done $0x0  }
0xaa: {  	s25 =	simm.s32 $0x1B8E;
	s24 =	sld [smem:$0x3FFE];
	[sflag:s23] =	ssyncadd.s32 $0xFFFFFFFF  }
0xab: {  	s26 =	simm.s32 $execute0_lowered;
	[smem:$0x3FD2] =	sst s25  }
0xac: {  	s5 =	sshll.u32 s26, $0x1;
	_ =	strace $0x80000046;
	[dreg:$0x1] =	wrdreg $0xFFFFFFFF  }
0xad: {  	s28 =	simm.s32 $_size_execute0_lowered;
	s3 =	sadd.s32 s3, s5;
	[dreg:$0x0] =	wrdreg $0x0  }
0xae: {  	s5 =	sshll.u32 s28, $0x1;
	[dreg:$0x2] =	wrdreg s3  }
0xaf: {  	[dreg:$0x3] =	wrdreg s5  }
0xb0: {  	[dreg:$0x4] =	wrdreg $0xC0  }
0xb1: {  	_ =	task [dreg:s7], $0x5FFFF  }
0xb2: {  	[dreg:$0x1] =	wrdreg $0xFFFFFFFF  }
0xb3: {  	[dreg:$0x0] =	wrdreg $0x60  }
0xb4: {  	[dreg:$0x2] =	wrdreg s16  }
0xb5: {  	[dreg:$0x3] =	wrdreg s24  }
0xb6: {  	[dreg:$0x4] =	wrdreg $0xA  }
0xb7: {  	_ =	task.clear_ibuf [dreg:s7], $0x5FFFF;
	_ =	strace $0x90000046  }
0xb8: {  	s29 =	simm.s32 $0xA;
	_ =	strace $0x80000048  }
0xb9: {  	_ =	swait.ge [sflag:s29], $0x1  }
0xba: {  	[sflag:s29] =	ssyncadd.s32 $0xFFFFFFFF  }
0xbb: {  	_ =	strace $0x90000048  }
0xbc: {  	_ =	sfence  }
0xbd: {  	s30 =	sld [smem:$0x0];
	_ =	sdelay $0x2  }
0xbe: {  	s31 =	sshll.u32 s1, $0xD;
	s1 =	sshrl.u32 s1, $0x2  }
0xbf: {  	s3 =	sand.u32 $0x4000, s31;
	s1 =	sadd.s32 s1, s30  }
0xc0: {  	s0 =	sor.u32 s3, s0;
	s1 =	sshll.u32 s1, $0x11  }
0xc1: {  	s0 =	sor.u32 s1, s0  }
0xc2: {  	s0 =	sadd.s32 $0x8F2B, s0  }
0xc3: {  	[sflag:s0] =	ssyncadd.remote.s32 $0x1  }
0xc4: {  	_ =	sfence.sel $0xFFFF  }
0xc5: {  	[dreg:$0x0] =	wrdreg $0xFFFFFFFF;
	(pc) =	sbr.abs _section_cstart, $3  }
0xc6: {  	[dreg:$0x1] =	wrdreg $0xFFFFFFFF  }
0xc7: {  	_ =	task.clear_ibuf [dreg:s7], $0x2FFFF;
	_ =	strace $0x9FFFFFFF  }
0xc8: {  	(tm) =	ssettm $0x7FFFFFFF  }
0xc9: {  	_ =	shalt  }
tec
execute0_lowered:
.L_overlay_start_1:
0x0: {  	(tag) =	ssettag $0x1  }
0x1: {  	s1 =	srdreg.scid;
	s2 =	rddreg [dreg:$0x0]  }
0x2: {  	s0 =	stileid.u32;
	s5 =	rddreg [dreg:$0x1];
	s3 =	simm.s32 $0x0  }
0x3: {  	s10 =	simm.s32 $0x2C00;
	s11 =	simm.s32 $0x1;
	s12 =	simm.s32 $0x3200  }
0x4: {  	s13 =	simm.s32 $0x3800;
	s4 =	sand.u32 $0x1, s1;
	s30 =	sshll.u32 s0, $0x1  }
0x5: {  	s14 =	simm.s32 $0x2000;
	s15 =	simm.s32 $0x2600;
	s1 =	sor.u32 s4, s30  }
0x6: {  	[smem:$0x7FF] =	sst s3;
	s4 =	ssub.s32 $0x2, s4;
	s6 =	smul.u32 $0xC0, s1  }
0x7: {  	s16 =	simm.s32 $0x0;
	s1 =	rddreg [dreg:$0x2];
	s31 =	sshrl.u32 s4, $0x1  }
0x8: {  	_ =	strace $0x80000047;
	s9 =	ssub.s32 s4, s31;
	s8 =	sadd.s32 s6, s5  }
0x9: {  	v0 =	vimm.f32 $-Inf;
	s9 =	smax.u32 s9, $0x1;
	s4 =	sadd.s32 $0x1600, s8;
	s5 =	sadd.s32 $0x2E00, s8  }
0xa: {  	v1 =	vimm.s32 $0x0;
	v2 =	vlaneseq.u32;
	v3 =	vimm.s32 $0xFFFFFF81;
	s6 =	sadd.s32 $0x4600, s8;
	s7 =	sadd.s32 $0x5E00, s8;
	s8 =	sadd.s32 $0x7600, s8  }
.LBB2_1:
0xb: {  	[tilespmem:s10], [sflag:$0x1] =	stream.linear.gather [hbm4b:s4+s3], $0x600, $0x38;
	[tilespmem:$0x3E00] =	vst v63  }
0xc: {  	_ =	swait.ge [sflag:s11], $0x600  }
0xd: {  	[sflag:s11] =	ssyncset.done $0x0  }
0xe: {  	[sflag:s11] =	ssyncadd.s32 $0xFFFFFA00  }
0xf: {  	[tilespmem:s12], [sflag:$0x1] =	stream.linear.gather [hbm4b:s5+s3], $0x600, $0x38;
	[tilespmem:$0x3E00] =	vst v63  }
0x10: {  	_ =	swait.ge [sflag:s11], $0x600  }
0x11: {  	[sflag:s11] =	ssyncset.done $0x0  }
0x12: {  	[sflag:s11] =	ssyncadd.s32 $0xFFFFFA00  }
0x13: {  	[tilespmem:s13], [sflag:$0x1] =	stream.linear.gather [hbm4b:s6+s3], $0x600, $0x38;
	[tilespmem:$0x3E00] =	vst v63  }
0x14: {  	_ =	swait.ge [sflag:s11], $0x600  }
0x15: {  	[sflag:s11] =	ssyncset.done $0x0  }
0x16: {  	s17 =	simm.s32 $0x0;
	[sflag:s11] =	ssyncadd.s32 $0xFFFFFA00  }
.LBB2_2:
0x17: {  	p0 =	sne.s32 s17, $0x17C0  }
.Ltmp0:
0x18: {  	_ = 	snop;
	(pc) =	sbr.rel @p0 .LBB2_2-.Ltmp0, $4  }
0x19: {  	_ = 	snop  }
0x1a: {  	s18 =	sshra.s32 s17, $0x2  }
0x1b: {  	[tilespmem:s18+$0x2000] =	vst v0  }
0x1c: {  	s17 =	sadd.s32 $0x40, s17;
	[tilespmem:s18+$0x2600] =	vst v1  }
0x1d: {  	s17 =	simm.s32 $0x0;
	s18 =	simm.s32 $0xBC250;
	s19 =	simm.s32 $0x0  }
.LBB2_4:
0x1e: {  	s20 =	sshll.u32 s19, $0xA  }
0x1f: {  	s20 =	sadd.s32 s2, s20  }
0x20: {  	[tilespmem:s17], [sflag:$0x1] =	stream.linear.gather [hbm4b:s20+s17], $0x2000, $0x38;
	[tilespmem:$0x3E00] =	vst v63  }
0x21: {  	_ =	swait.ge [sflag:s11], $0x2000  }
0x22: {  	[sflag:s11] =	ssyncset.done $0x0  }
0x23: {  	s20 =	simm.s32 $0x0;
	[sflag:s11] =	ssyncadd.s32 $0xFFFFE000  }
.LBB2_5:
0x24: {  	v4 =	vmov s20;
	_ =	sdelay $0x4  }
0x25: {  	v9 =	vld.idx.msk [tilespmem:v4+s12+$0x0], $0xffff  }
0x26: {  	v10 =	vld.idx.msk [tilespmem:v4+s13+$0x0], $0xffff  }
0x27: {  	v8 =	vld.idx.msk [tilespmem:v4+s10+$0x0], $0xffff;
	_ =	sdelay $0x2  }
0x28: {  	v5 =	vor.u32 s18, v2;
	s21 =	sadd.s32 $0xFFFFFFF0, s18  }
0x29: {  	v6 =	vor.u32 s21, v2;
	v11 =	vadd.s32 $0x1, v10;
	vm0 =	vgt.u32 v5, v9  }
0x2a: {  	v7 =	vadd.s32 v8, v5;
	v14 =	vadd.s32 v8, v6;
	v12 =	vsel vm0, v11, v10  }
0x2b: {  	v13 =	vshrl.u32 v7, $0x13;
	v15 =	vshll.u32 v7, $0xD;
	vm0 =	vgt.u32 v6, v9  }
0x2c: {  	v16 =	vshll.u32 v14, $0xD;
	v7 =	vadd.s32 v7, v12;
	v12 =	vor.u32 v13, v15  }
0x2d: {  	v13 =	vsel vm0, v11, v10;
	v15 =	vshrl.u32 v14, $0x13;
	v12 =	vxor.u32 v12, v7  }
0x2e: {  	v13 =	vadd.s32 v14, v13;
	v14 =	vor.u32 v15, v16;
	v7 =	vadd.s32 v7, v12  }
0x2f: {  	v14 =	vxor.u32 v14, v13;
	v15 =	vshrl.u32 v12, $0x11;
	v12 =	vshll.u32 v12, $0xF  }
0x30: {  	v12 =	vor.u32 v15, v12;
	v15 =	vshrl.u32 v14, $0x11;
	v16 =	vshll.u32 v14, $0xF  }
0x31: {  	v13 =	vadd.s32 v13, v14;
	v12 =	vxor.u32 v12, v7;
	v14 =	vor.u32 v15, v16  }
0x32: {  	v15 =	vshrl.u32 v12, $0x6;
	v16 =	vshll.u32 v12, $0x1A;
	v14 =	vxor.u32 v14, v13  }
0x33: {  	v7 =	vadd.s32 v7, v12;
	v12 =	vor.u32 v15, v16;
	v15 =	vshrl.u32 v14, $0x6  }
0x34: {  	v16 =	vshll.u32 v14, $0x1A;
	v13 =	vadd.s32 v13, v14;
	v12 =	vxor.u32 v12, v7  }
0x35: {  	v14 =	vor.u32 v15, v16;
	v15 =	vshrl.u32 v12, $0x1A;
	v16 =	vshll.u32 v12, $0x6  }
0x36: {  	v14 =	vxor.u32 v14, v13;
	v7 =	vadd.s32 v7, v12;
	v12 =	vor.u32 v15, v16  }
0x37: {  	v15 =	vshrl.u32 v14, $0x1A;
	v16 =	vshll.u32 v14, $0x6;
	v12 =	vxor.u32 v12, v7  }
0x38: {  	v13 =	vadd.s32 v13, v14;
	v14 =	vor.u32 v15, v16;
	v12 =	vadd.s32 $0x1BD11BF1, v12  }
0x39: {  	v14 =	vxor.u32 v14, v13;
	v7 =	vadd.s32 v12, v7  }
0x3a: {  	v15 =	vshrl.u32 v12, $0xF;
	v14 =	vadd.s32 $0x1BD11BF1, v14;
	v12 =	vshll.u32 v12, $0x11  }
0x3b: {  	v7 =	vadd.s32 $0x2A, v7;
	v12 =	vor.u32 v15, v12;
	v13 =	vadd.s32 v14, v13  }
0x3c: {  	v15 =	vshrl.u32 v14, $0xF;
	v14 =	vshll.u32 v14, $0x11;
	v12 =	vxor.u32 v12, v7  }
0x3d: {  	v13 =	vadd.s32 $0x2A, v13;
	v14 =	vor.u32 v15, v14;
	v15 =	vshrl.u32 v12, $0x3  }
0x3e: {  	v16 =	vshll.u32 v12, $0x1D;
	v14 =	vxor.u32 v14, v13;
	v7 =	vadd.s32 v7, v12  }
0x3f: {  	v12 =	vor.u32 v15, v16;
	v15 =	vshrl.u32 v14, $0x3;
	v16 =	vshll.u32 v14, $0x1D  }
0x40: {  	v13 =	vadd.s32 v13, v14;
	v12 =	vxor.u32 v12, v7;
	v14 =	vor.u32 v15, v16  }
0x41: {  	v15 =	vshrl.u32 v12, $0x10;
	v14 =	vxor.u32 v14, v13;
	v16 =	vshll.u32 v12, $0x10  }
0x42: {  	v7 =	vadd.s32 v7, v12;
	v13 =	vadd.s32 v13, v14;
	v12 =	vor.u32 v15, v16  }
0x43: {  	v15 =	vshrl.u32 v14, $0x10;
	v14 =	vshll.u32 v14, $0x10;
	v12 =	vxor.u32 v12, v7  }
0x44: {  	v14 =	vor.u32 v15, v14;
	v15 =	vshrl.u32 v12, $0x8;
	v16 =	vshll.u32 v12, $0x18  }
0x45: {  	v7 =	vadd.s32 v7, v12;
	v12 =	vxor.u32 v14, v13;
	v14 =	vor.u32 v15, v16  }
0x46: {  	v15 =	vshrl.u32 v12, $0x8;
	v16 =	vshll.u32 v12, $0x18;
	v14 =	vxor.u32 v14, v7  }
0x47: {  	v12 =	vadd.s32 v13, v12;
	v13 =	vor.u32 v15, v16;
	v14 =	vadd.s32 $0x2, v14  }
0x48: {  	v13 =	vxor.u32 v13, v12;
	v7 =	vadd.s32 v14, v7  }
0x49: {  	v13 =	vadd.s32 $0x2, v13;
	v15 =	vshrl.u32 v14, $0x13;
	v14 =	vshll.u32 v14, $0xD  }
0x4a: {  	v12 =	vadd.s32 v13, v12;
	v7 =	vadd.s32 $0x1BD11BF0, v7;
	v14 =	vor.u32 v15, v14  }
0x4b: {  	v15 =	vshrl.u32 v13, $0x13;
	v13 =	vshll.u32 v13, $0xD;
	v14 =	vxor.u32 v14, v7  }
0x4c: {  	v12 =	vadd.s32 $0x1BD11BF0, v12;
	v13 =	vor.u32 v15, v13;
	v7 =	vadd.s32 v7, v14  }
0x4d: {  	v13 =	vxor.u32 v13, v12;
	v15 =	vshrl.u32 v14, $0x11;
	v14 =	vshll.u32 v14, $0xF  }
0x4e: {  	v16 =	vshrl.u32 v13, $0x11;
	v17 =	vshll.u32 v13, $0xF;
	v14 =	vor.u32 v15, v14  }
0x4f: {  	v12 =	vadd.s32 v12, v13;
	v13 =	vor.u32 v16, v17;
	v14 =	vxor.u32 v14, v7  }
0x50: {  	v13 =	vxor.u32 v13, v12;
	v15 =	vshrl.u32 v14, $0x6;
	v16 =	vshll.u32 v14, $0x1A  }
0x51: {  	v7 =	vadd.s32 v7, v14;
	v12 =	vadd.s32 v12, v13;
	v14 =	vor.u32 v15, v16  }
0x52: {  	v15 =	vshrl.u32 v13, $0x6;
	v13 =	vshll.u32 v13, $0x1A;
	v14 =	vxor.u32 v14, v7  }
0x53: {  	v13 =	vor.u32 v15, v13;
	v15 =	vshrl.u32 v14, $0x1A;
	v16 =	vshll.u32 v14, $0x6  }
0x54: {  	v13 =	vxor.u32 v13, v12;
	v14 =	vadd.s32 v7, v14;
	v7 =	vor.u32 v15, v16  }
0x55: {  	v15 =	vshrl.u32 v13, $0x1A;
	v16 =	vshll.u32 v13, $0x6;
	v7 =	vxor.u32 v7, v14  }
0x56: {  	s23 =	sadd.s32 $0x20, s18;
	v12 =	vadd.s32 v12, v13;
	v13 =	vor.u32 v15, v16;
	v15 =	vadd.s32 $0x2D, v7  }
0x57: {  	v7 =	vor.u32 s23, v2;
	v13 =	vxor.u32 v13, v12;
	v14 =	vadd.s32 v14, v15  }
0x58: {  	v13 =	vadd.s32 $0x2D, v13;
	v16 =	vshrl.u32 v15, $0xF;
	v15 =	vshll.u32 v15, $0x11  }
0x59: {  	v17 =	vshrl.u32 v13, $0xF;
	v18 =	vshll.u32 v13, $0x11;
	v15 =	vor.u32 v16, v15  }
0x5a: {  	v12 =	vadd.s32 v12, v13;
	v13 =	vor.u32 v17, v18;
	v15 =	vxor.u32 v15, v14  }
0x5b: {  	v13 =	vxor.u32 v13, v12;
	v16 =	vshrl.u32 v15, $0x3;
	v17 =	vshll.u32 v15, $0x1D  }
0x5c: {  	v14 =	vadd.s32 v14, v15;
	v12 =	vadd.s32 v12, v13;
	v15 =	vor.u32 v16, v17  }
0x5d: {  	v16 =	vshrl.u32 v13, $0x3;
	v13 =	vshll.u32 v13, $0x1D;
	v15 =	vxor.u32 v15, v14  }
0x5e: {  	v13 =	vor.u32 v16, v13;
	v16 =	vshrl.u32 v15, $0x10;
	v17 =	vshll.u32 v15, $0x10  }
0x5f: {  	v13 =	vxor.u32 v13, v12;
	v14 =	vadd.s32 v14, v15;
	v15 =	vor.u32 v16, v17  }
0x60: {  	v16 =	vshrl.u32 v13, $0x10;
	v17 =	vshll.u32 v13, $0x10;
	v15 =	vxor.u32 v15, v14  }
0x61: {  	v12 =	vadd.s32 v12, v13;
	v13 =	vor.u32 v16, v17;
	v14 =	vadd.s32 v14, v15  }
0x62: {  	v13 =	vxor.u32 v13, v12;
	v16 =	vshrl.u32 v15, $0x8;
	v15 =	vshll.u32 v15, $0x18  }
0x63: {  	v17 =	vshrl.u32 v13, $0x8;
	v18 =	vshll.u32 v13, $0x18;
	v15 =	vor.u32 v16, v15  }
0x64: {  	v12 =	vadd.s32 v12, v13;
	v13 =	vor.u32 v17, v18;
	v15 =	vxor.u32 v15, v14  }
0x65: {  	vm0 =	vgt.u32 v7, v9;
	v13 =	vxor.u32 v13, v12;
	v15 =	vadd.s32 $0x1BD11BF4, v15  }
0x66: {  	v14 =	vadd.s32 v15, v14;
	v16 =	vshrl.u32 v15, $0x13;
	v15 =	vshll.u32 v15, $0xD  }
0x67: {  	v13 =	vadd.s32 $0x1BD11BF4, v13;
	v14 =	vadd.s32 $0x2A, v14;
	v15 =	vor.u32 v16, v15  }
0x68: {  	v12 =	vadd.s32 v13, v12;
	v16 =	vshrl.u32 v13, $0x13;
	v13 =	vshll.u32 v13, $0xD  }
0x69: {  	v12 =	vadd.s32 $0x2A, v12;
	v13 =	vor.u32 v16, v13;
	v15 =	vxor.u32 v15, v14  }
0x6a: {  	v13 =	vxor.u32 v13, v12;
	v14 =	vadd.s32 v14, v15;
	v16 =	vshrl.u32 v15, $0x11  }
0x6b: {  	v15 =	vshll.u32 v15, $0xF;
	v18 =	vshrl.u32 v13, $0x11;
	v19 =	vshll.u32 v13, $0xF  }
0x6c: {  	v12 =	vadd.s32 v12, v13;
	v15 =	vor.u32 v16, v15;
	v13 =	vor.u32 v18, v19  }
0x6d: {  	v17 =	vadd.s32 v8, v7;
	v15 =	vxor.u32 v15, v14;
	v13 =	vxor.u32 v13, v12  }
0x6e: {  	v19 =	vshrl.u32 v15, $0x6;
	v16 =	vshrl.u32 v13, $0x6;
	v18 =	vshll.u32 v13, $0x1A  }
0x6f: {  	v12 =	vadd.s32 v12, v13;
	v13 =	vor.u32 v16, v18;
	v16 =	vshll.u32 v15, $0x1A  }
0x70: {  	v14 =	vadd.s32 v14, v15;
	v13 =	vxor.u32 v13, v12;
	v15 =	vor.u32 v19, v16  }
0x71: {  	v16 =	vshrl.u32 v13, $0x1A;
	v18 =	vshll.u32 v13, $0x6;
	v15 =	vxor.u32 v15, v14  }
0x72: {  	v12 =	vadd.s32 v12, v13;
	v13 =	vor.u32 v16, v18;
	v16 =	vadd.s32 v14, v15  }
0x73: {  	v14 =	vshrl.u32 v15, $0x1A;
	v15 =	vshll.u32 v15, $0x6;
	v13 =	vxor.u32 v13, v12  }
0x74: {  	v12 =	vadd.s32 $0x1BD11BF0, v12;
	v15 =	vor.u32 v14, v15;
	v13 =	vadd.s32 $0x5, v13  }
0x75: {  	v20 =	vshll.u32 v17, $0xD;
	v12 =	vxor.u32 v12, v13;
	v13 =	vxor.u32 v15, v16  }
0x76: {  	v15 =	vadd.s32 $0x1BD11BF0, v16;
	v12 =	vshrl.u32 v12, $0x9;
	v13 =	vadd.s32 $0x5, v13  }
0x77: {  	s31 =	sadd.s32 $0xFFFFFFF0, s23;
	v19 =	vshrl.u32 v17, $0x13;
	v12 =	vor.u32 $0x3F800000, v12;
	v13 =	vxor.u32 v15, v13  }
0x78: {  	v14 =	vor.u32 s31, v2;
	v15 =	vadd.f32 $-1.000000000e+00, v12;
	v12 =	vshrl.u32 v13, $0x9  }
0x79: {  	v18 =	vsel vm0, v11, v10;
	vm0 =	vgt.u32 v14, v9;
	v12 =	vor.u32 $0x3F800000, v12  }
0x7a: {  	v13 =	vadd.s32 v8, v14;
	v21 =	vand.u32 $0x7FFFFF, v15;
	v16 =	vadd.f32 $-1.000000000e+00, v12  }
0x7b: {  	v23 =	vshrl.u32 v13, $0x13;
	v12 =	vadd.s32 v17, v18;
	v18 =	vor.u32 $0x3F800000, v21  }
0x7c: {  	v17 =	vor.u32 v19, v20;
	v20 =	vmul.f32 $5.000000000e-01, v18;
	v22 =	vand.u32 $0x7FFFFF, v16  }
0x7d: {  	v19 =	vsel vm0, v11, v10;
	vm0 =	vgt.u32 v21, $0x3504F2;
	v21 =	vor.u32 $0x3F800000, v22  }
0x7e: {  	v24 =	vshll.u32 v13, $0xD;
	v18 =	vsel vm0, v20, v18;
	v20 =	vmul.f32 $5.000000000e-01, v21  }
0x7f: {  	v17 =	vxor.u32 v17, v12;
	vm1 =	vgt.u32 v22, $0x3504F2;
	v25 =	vadd.f32 $1.000000000e+00, v18  }
0x80: {  	v13 =	vadd.s32 v13, v19;
	v19 =	vor.u32 v23, v24;
	v20 =	vsel vm1, v20, v21  }
0x81: {  	v12 =	vadd.s32 v12, v17;
	v21 =	vadd.f32 $1.000000000e+00, v20;
	(erf) = vrcp.f32 v25  }
0x82: {  	v19 =	vxor.u32 v19, v13;
	v22 =	vshrl.u32 v17, $0x11;
	v17 =	vshll.u32 v17, $0xF  }
0x83: {  	v13 =	vadd.s32 v13, v19;
	v17 =	vor.u32 v22, v17;
	(erf) = vrcp.f32 v21  }
0x84: {  	v17 =	vxor.u32 v17, v12;
	v21 =	vshrl.u32 v19, $0x11;
	v19 =	vshll.u32 v19, $0xF  }
0x85: {  	v22 =	vshll.u32 v17, $0x1A;
	v19 =	vor.u32 v21, v19;
	v21 =	vshrl.u32 v17, $0x6  }
0x86: {  	v12 =	vadd.s32 v12, v17;
	v19 =	vxor.u32 v19, v13;
	v17 =	vor.u32 v21, v22  }
0x87: {  	v21 =	vshrl.u32 v19, $0x6;
	v22 =	vshll.u32 v19, $0x1A;
	v17 =	vxor.u32 v17, v12  }
0x88: {  	v18 =	vadd.f32 $-1.000000000e+00, v18;
	v13 =	vadd.s32 v13, v19;
	v19 =	vor.u32 v21, v22  }
0x89: {  	v21 =	vshrl.u32 v17, $0x1A;
	v22 =	vshll.u32 v17, $0x6;
	v19 =	vxor.u32 v19, v13  }
0x8a: {  	v12 =	vadd.s32 v12, v17;
	v21 =	vor.u32 v21, v22;
	v23 =	vshrl.u32 v19, $0x1A;
	v17 =	vpop (erf)  }
0x8b: {  	v22 =	vshll.u32 v19, $0x6;
	v17 =	vmul.f32 v17, v18;
	v18 =	vadd.f32 $-1.000000000e+00, v20  }
0x8c: {  	v24 =	vadd.s32 v13, v19;
	v19 =	vxor.u32 v21, v12;
	v13 =	vor.u32 v23, v22;
	v20 =	vpop (erf)  }
0x8d: {  	v21 =	vadd.s32 $0x1BD11BF1, v19;
	v19 =	vmul.f32 v17, v17;
	v18 =	vmul.f32 v20, v18  }
0x8e: {  	v13 =	vxor.u32 v13, v24;
	v12 =	vadd.s32 v21, v12  }
0x8f: {  	v22 =	vshrl.u32 v21, $0xF;
	v25 =	vmul.f32 $2.222222240e-01, v19;
	v20 =	vmul.f32 v18, v18  }
0x90: {  	v27 =	vadd.s32 $0x1BD11BF1, v13;
	v23 =	vadd.s32 $0x2A, v12;
	v12 =	vshll.u32 v21, $0x11  }
0x91: {  	v21 =	vor.u32 v22, v12;
	v22 =	vadd.f32 $2.857142980e-01, v25;
	v28 =	vmul.f32 $2.222222240e-01, v20  }
0x92: {  	v13 =	vld.idx.msk [tilespmem:v4+s14+$0x0], $0xffff;
	v26 =	vshrl.u32 v27, $0xF;
	v25 =	vadd.s32 v27, v24;
	v27 =	vshll.u32 v27, $0x11  }
0x93: {  	s22 =	simm.s32 $0x0;
	s24 =	simm.s32 $0x100;
	s21 =	simm.s32 $0x80;
	v12 =	vld.idx.msk [tilespmem:v4+s15+$0x0], $0xffff;
	v24 =	vxor.u32 v21, v23;
	v21 =	vmul.f32 v22, v19;
	v22 =	vadd.f32 $2.857142980e-01, v28  }
.LBB2_6:
0x94: {  	p0 =	sne.s32 s24, $0x7F80;
	v25 =	vadd.s32 $0x2A, v25;
	v26 =	vor.u32 v26, v27;
	v27 =	vshrl.u32 v24, $0x3  }
0x95: {  	v28 =	vshll.u32 v24, $0x1D;
	v21 =	vadd.f32 $4.000000060e-01, v21;
	v22 =	vmul.f32 v22, v20  }
0x96: {  	v23 =	vadd.s32 v23, v24;
	v26 =	vxor.u32 v26, v25;
	v24 =	vor.u32 v27, v28  }
0x97: {  	v25 =	vadd.s32 v25, v26;
	v21 =	vmul.f32 v21, v19;
	v22 =	vadd.f32 $4.000000060e-01, v22  }
0x98: {  	v27 =	vshrl.u32 v26, $0x3;
	v26 =	vshll.u32 v26, $0x1D;
	v24 =	vxor.u32 v24, v23  }
0x99: {  	v26 =	vor.u32 v27, v26;
	v21 =	vadd.f32 $6.666666860e-01, v21;
	v22 =	vmul.f32 v22, v20  }
0x9a: {  	v15 =	vshrl.u32 v15, $0x17;
	v16 =	vshrl.u32 v16, $0x17;
	v27 =	vsel vm1, $0xFFFFFF82, v3  }
0x9b: {  	v28 =	vsel vm0, $0xFFFFFF82, v3;
	v19 =	vmul.f32 v21, v19;
	v21 =	vadd.f32 $6.666666860e-01, v22  }
0x9c: {  	v15 =	vadd.s32 v15, v28;
	v16 =	vadd.s32 v16, v27;
	v22 =	vshrl.u32 v24, $0x10  }
0x9d: {  	s25 =	sshra.s32 s22, $0x2;
	s22 =	smov.u32 s21;
	s21 =	smov.u32 s24;
	v15 =	vcvt.s32.f32 v15;
	v19 =	vadd.f32 $2.000000000e+00, v19;
	v20 =	vmul.f32 v21, v20  }
0x9e: {  	v16 =	vcvt.s32.f32 v16;
	v21 =	vxor.u32 v26, v25;
	v26 =	vshll.u32 v24, $0x10;
	v27 =	vld [tilespmem:s25+$0x0]  }
0x9f: {  	v15 =	vmul.f32 $6.931471820e-01, v15;
	v17 =	vmul.f32 v19, v17;
	v19 =	vadd.f32 $2.000000000e+00, v20  }
0xa0: {  	v23 =	vadd.s32 v23, v24;
	v22 =	vor.u32 v22, v26;
	v20 =	vadd.s32 v25, v21;
	v24 =	vld [tilespmem:s25+$0x10]  }
0xa1: {  	v16 =	vmul.f32 $6.931471820e-01, v16;
	v15 =	vadd.f32 v17, v15;
	v17 =	vmul.f32 v19, v18  }
0xa2: {  	v18 =	vshrl.u32 v21, $0x10;
	v19 =	vshll.u32 v21, $0x10;
	v21 =	vxor.u32 v22, v23  }
0xa3: {  	v18 =	vor.u32 v18, v19;
	v15 =	vmul.f32 v27, v15;
	v16 =	vadd.f32 v17, v16  }
0xa4: {  	v19 =	vshrl.u32 v21, $0x8;
	v17 =	vadd.s32 v23, v21;
	v21 =	vshll.u32 v21, $0x18  }
0xa5: {  	v18 =	vxor.u32 v18, v20;
	vm0 =	vgt.f32 v15, v13;
	v16 =	vmul.f32 v24, v16  }
0xa6: {  	v19 =	vor.u32 v19, v21;
	v13 =	vsel vm0, v15, v13;
	v12 =	vsel vm0, v6, v12;
	v6 =	vmovc v14  }
0xa7: {  	v14 =	vshrl.u32 v18, $0x8;
	v15 =	vshll.u32 v18, $0x18;
	vm0 =	vgt.f32 v16, v13  }
0xa8: {  	v19 =	vxor.u32 v19, v17;
	v13 =	vsel vm0, v16, v13;
	v12 =	vsel vm0, v5, v12;
	v5 =	vmovc v7  }
0xa9: {  	v14 =	vor.u32 v14, v15;
	v15 =	vadd.s32 $0x2, v19;
	v7 =	vadd.s32 v20, v18  }
0xaa: {  	v16 =	vadd.s32 v15, v17;
	v14 =	vxor.u32 v14, v7  }
0xab: {  	v17 =	vshrl.u32 v15, $0x13;
	v15 =	vshll.u32 v15, $0xD;
	v14 =	vadd.s32 $0x2, v14  }
0xac: {  	v16 =	vadd.s32 $0x1BD11BF0, v16;
	v15 =	vor.u32 v17, v15;
	v7 =	vadd.s32 v14, v7  }
0xad: {  	v15 =	vxor.u32 v15, v16;
	v17 =	vshrl.u32 v14, $0x13;
	v14 =	vshll.u32 v14, $0xD  }
0xae: {  	v16 =	vadd.s32 v16, v15;
	v7 =	vadd.s32 $0x1BD11BF0, v7;
	v14 =	vor.u32 v17, v14  }
0xaf: {  	v17 =	vshrl.u32 v15, $0x11;
	v15 =	vshll.u32 v15, $0xF;
	v14 =	vxor.u32 v14, v7  }
0xb0: {  	v15 =	vor.u32 v17, v15;
	v18 =	vshrl.u32 v14, $0x11;
	v19 =	vshll.u32 v14, $0xF  }
0xb1: {  	v7 =	vadd.s32 v7, v14;
	v15 =	vxor.u32 v15, v16;
	v14 =	vor.u32 v18, v19  }
0xb2: {  	v17 =	vshrl.u32 v15, $0x6;
	v18 =	vshll.u32 v15, $0x1A;
	v14 =	vxor.u32 v14, v7  }
0xb3: {  	v15 =	vadd.s32 v16, v15;
	v16 =	vor.u32 v17, v18;
	v7 =	vadd.s32 v7, v14  }
0xb4: {  	v17 =	vshrl.u32 v14, $0x6;
	v14 =	vshll.u32 v14, $0x1A;
	v16 =	vxor.u32 v16, v15  }
0xb5: {  	v14 =	vor.u32 v17, v14;
	v17 =	vshrl.u32 v16, $0x1A;
	v18 =	vshll.u32 v16, $0x6  }
0xb6: {  	v15 =	vadd.s32 v15, v16;
	v14 =	vxor.u32 v14, v7;
	v16 =	vor.u32 v17, v18  }
0xb7: {  	v17 =	vshrl.u32 v14, $0x1A;
	v18 =	vshll.u32 v14, $0x6;
	v16 =	vxor.u32 v16, v15  }
0xb8: {  	s23 =	sadd.s32 $0x20, s23;
	v14 =	vadd.s32 v7, v14;
	v17 =	vor.u32 v17, v18;
	v16 =	vadd.s32 $0x2D, v16  }
0xb9: {  	v7 =	vor.u32 s23, v2;
	v17 =	vxor.u32 v17, v14;
	v15 =	vadd.s32 v15, v16  }
0xba: {  	v18 =	vshrl.u32 v16, $0xF;
	v16 =	vshll.u32 v16, $0x11;
	v17 =	vadd.s32 $0x2D, v17  }
0xbb: {  	v16 =	vor.u32 v18, v16;
	v19 =	vshrl.u32 v17, $0xF;
	v20 =	vshll.u32 v17, $0x11  }
0xbc: {  	v14 =	vadd.s32 v14, v17;
	v16 =	vxor.u32 v16, v15;
	v17 =	vor.u32 v19, v20  }
0xbd: {  	v18 =	vshrl.u32 v16, $0x3;
	v19 =	vshll.u32 v16, $0x1D;
	v17 =	vxor.u32 v17, v14  }
0xbe: {  	v15 =	vadd.s32 v15, v16;
	v16 =	vor.u32 v18, v19;
	v14 =	vadd.s32 v14, v17  }
0xbf: {  	v18 =	vshrl.u32 v17, $0x3;
	v17 =	vshll.u32 v17, $0x1D;
	v16 =	vxor.u32 v16, v15  }
0xc0: {  	v17 =	vor.u32 v18, v17;
	v18 =	vshrl.u32 v16, $0x10;
	v19 =	vshll.u32 v16, $0x10  }
0xc1: {  	v15 =	vadd.s32 v15, v16;
	v17 =	vxor.u32 v17, v14;
	v16 =	vor.u32 v18, v19  }
0xc2: {  	v18 =	vshrl.u32 v17, $0x10;
	v19 =	vshll.u32 v17, $0x10;
	v16 =	vxor.u32 v16, v15  }
0xc3: {  	v14 =	vadd.s32 v14, v17;
	v17 =	vor.u32 v18, v19;
	v15 =	vadd.s32 v15, v16  }
0xc4: {  	v18 =	vshrl.u32 v16, $0x8;
	v16 =	vshll.u32 v16, $0x18;
	v17 =	vxor.u32 v17, v14  }
0xc5: {  	v16 =	vor.u32 v18, v16;
	v19 =	vshrl.u32 v17, $0x8;
	v20 =	vshll.u32 v17, $0x18  }
0xc6: {  	v14 =	vadd.s32 v14, v17;
	v16 =	vxor.u32 v16, v15;
	v17 =	vor.u32 v19, v20  }
0xc7: {  	v18 =	vadd.s32 v8, v7;
	v16 =	vadd.s32 $0x1BD11BF4, v16;
	v17 =	vxor.u32 v17, v14  }
0xc8: {  	v15 =	vadd.s32 v16, v15;
	v19 =	vshrl.u32 v16, $0x13;
	v16 =	vshll.u32 v16, $0xD  }
0xc9: {  	v17 =	vadd.s32 $0x1BD11BF4, v17;
	v15 =	vadd.s32 $0x2A, v15;
	v16 =	vor.u32 v19, v16  }
0xca: {  	v14 =	vadd.s32 v17, v14;
	v19 =	vshrl.u32 v17, $0x13;
	v17 =	vshll.u32 v17, $0xD  }
0xcb: {  	v16 =	vxor.u32 v16, v15;
	v14 =	vadd.s32 $0x2A, v14;
	v17 =	vor.u32 v19, v17  }
0xcc: {  	v15 =	vadd.s32 v15, v16;
	v19 =	vshrl.u32 v16, $0x11;
	v17 =	vxor.u32 v17, v14  }
0xcd: {  	v16 =	vshll.u32 v16, $0xF;
	v20 =	vshrl.u32 v17, $0x11;
	v21 =	vshll.u32 v17, $0xF  }
0xce: {  	v16 =	vor.u32 v19, v16;
	v14 =	vadd.s32 v14, v17;
	v17 =	vor.u32 v20, v21  }
0xcf: {  	vm0 =	vgt.u32 v7, v9;
	v16 =	vxor.u32 v16, v15;
	v17 =	vxor.u32 v17, v14  }
0xd0: {  	v21 =	vshrl.u32 v16, $0x6;
	v19 =	vshrl.u32 v17, $0x6;
	v20 =	vshll.u32 v17, $0x1A  }
0xd1: {  	v14 =	vadd.s32 v14, v17;
	v17 =	vor.u32 v19, v20;
	v19 =	vshll.u32 v16, $0x1A  }
0xd2: {  	v15 =	vadd.s32 v15, v16;
	v17 =	vxor.u32 v17, v14;
	v16 =	vor.u32 v21, v19  }
0xd3: {  	v19 =	vshrl.u32 v17, $0x1A;
	v20 =	vshll.u32 v17, $0x6;
	v16 =	vxor.u32 v16, v15  }
0xd4: {  	v14 =	vadd.s32 v14, v17;
	v17 =	vor.u32 v19, v20;
	v15 =	vadd.s32 v15, v16  }
0xd5: {  	v19 =	vshrl.u32 v16, $0x1A;
	v16 =	vshll.u32 v16, $0x6;
	v17 =	vxor.u32 v17, v14  }
0xd6: {  	s25 =	sadd.s32 $0xFFFFFFF0, s23;
	v20 =	vadd.s32 $0x1BD11BF0, v14;
	v16 =	vor.u32 v19, v16;
	v17 =	vadd.s32 $0x5, v17  }
0xd7: {  	v14 =	vor.u32 s25, v2;
	v16 =	vxor.u32 v16, v15;
	v17 =	vxor.u32 v20, v17  }
0xd8: {  	v15 =	vadd.s32 $0x1BD11BF0, v15;
	v16 =	vadd.s32 $0x5, v16;
	v17 =	vshrl.u32 v17, $0x9  }
0xd9: {  	v19 =	vsel vm0, v11, v10;
	v16 =	vxor.u32 v15, v16;
	v17 =	vor.u32 $0x3F800000, v17  }
0xda: {  	v20 =	vshrl.u32 v18, $0x13;
	v16 =	vshrl.u32 v16, $0x9;
	v15 =	vadd.f32 $-1.000000000e+00, v17  }
0xdb: {  	v21 =	vshll.u32 v18, $0xD;
	v17 =	vadd.s32 v8, v14;
	v16 =	vor.u32 $0x3F800000, v16  }
0xdc: {  	vm0 =	vgt.u32 v14, v9;
	v16 =	vadd.f32 $-1.000000000e+00, v16;
	v22 =	vand.u32 $0x7FFFFF, v15  }
0xdd: {  	v18 =	vadd.s32 v18, v19;
	v19 =	vor.u32 v20, v21;
	v20 =	vor.u32 $0x3F800000, v22  }
0xde: {  	v21 =	vsel vm0, v11, v10;
	v24 =	vand.u32 $0x7FFFFF, v16;
	v23 =	vmul.f32 $5.000000000e-01, v20  }
0xdf: {  	v25 =	vshrl.u32 v17, $0x13;
	vm0 =	vgt.u32 v22, $0x3504F2;
	v22 =	vor.u32 $0x3F800000, v24  }
0xe0: {  	v26 =	vshll.u32 v17, $0xD;
	v20 =	vsel vm0, v23, v20;
	v23 =	vmul.f32 $5.000000000e-01, v22  }
0xe1: {  	v19 =	vxor.u32 v19, v18;
	vm1 =	vgt.u32 v24, $0x3504F2;
	v27 =	vadd.f32 $1.000000000e+00, v20  }
0xe2: {  	v17 =	vadd.s32 v17, v21;
	v21 =	vor.u32 v25, v26;
	v22 =	vsel vm1, v23, v22  }
0xe3: {  	v18 =	vadd.s32 v18, v19;
	v23 =	vadd.f32 $1.000000000e+00, v22;
	(erf) = vrcp.f32 v27  }
0xe4: {  	v21 =	vxor.u32 v21, v17;
	v24 =	vshrl.u32 v19, $0x11;
	v19 =	vshll.u32 v19, $0xF  }
0xe5: {  	v17 =	vadd.s32 v17, v21;
	v19 =	vor.u32 v24, v19;
	(erf) = vrcp.f32 v23  }
0xe6: {  	v19 =	vxor.u32 v19, v18;
	v23 =	vshrl.u32 v21, $0x11;
	v21 =	vshll.u32 v21, $0xF  }
0xe7: {  	v24 =	vshll.u32 v19, $0x1A;
	v21 =	vor.u32 v23, v21;
	v23 =	vshrl.u32 v19, $0x6  }
0xe8: {  	v18 =	vadd.s32 v18, v19;
	v21 =	vxor.u32 v21, v17;
	v19 =	vor.u32 v23, v24  }
0xe9: {  	v23 =	vshrl.u32 v21, $0x6;
	v24 =	vshll.u32 v21, $0x1A;
	v19 =	vxor.u32 v19, v18  }
0xea: {  	v21 =	vadd.s32 v17, v21;
	v28 =	vor.u32 v23, v24;
	v23 =	vshrl.u32 v19, $0x1A  }
0xeb: {  	v20 =	vadd.f32 $-1.000000000e+00, v20;
	v27 =	vshll.u32 v19, $0x6;
	v24 =	vxor.u32 v28, v21  }
0xec: {  	v26 =	vadd.s32 v18, v19;
	v18 =	vor.u32 v23, v27;
	v25 =	vshrl.u32 v24, $0x1A;
	v17 =	vpop (erf)  }
0xed: {  	v19 =	vshll.u32 v24, $0x6;
	v17 =	vmul.f32 v17, v20;
	v20 =	vadd.f32 $-1.000000000e+00, v22  }
0xee: {  	v21 =	vadd.s32 v21, v24;
	v18 =	vxor.u32 v18, v26;
	v22 =	vor.u32 v25, v19;
	v23 =	vpop (erf)  }
0xef: {  	v24 =	vadd.s32 $0x1BD11BF1, v18;
	v19 =	vmul.f32 v17, v17;
	v18 =	vmul.f32 v23, v20  }
0xf0: {  	v22 =	vxor.u32 v22, v21;
	v23 =	vadd.s32 v24, v26  }
.Ltmp1:
0xf1: {  	v25 =	vshrl.u32 v24, $0xF;
	v26 =	vmul.f32 $2.222222240e-01, v19;
	v20 =	vmul.f32 v18, v18;
	(pc) =	sbr.rel @p0 .LBB2_6-.Ltmp1, $4  }
0xf2: {  	v22 =	vadd.s32 $0x1BD11BF1, v22;
	v24 =	vshll.u32 v24, $0x11;
	v23 =	vadd.s32 $0x2A, v23  }
0xf3: {  	v24 =	vor.u32 v25, v24;
	v28 =	vadd.f32 $2.857142980e-01, v26;
	v29 =	vmul.f32 $2.222222240e-01, v20  }
0xf4: {  	v25 =	vadd.s32 v22, v21;
	v27 =	vshll.u32 v22, $0x11;
	v26 =	vshrl.u32 v22, $0xF  }
0xf5: {  	s24 =	sadd.s32 $0x80, s24;
	v24 =	vxor.u32 v24, v23;
	v21 =	vmul.f32 v28, v19;
	v22 =	vadd.f32 $2.857142980e-01, v29  }
0xf6: {  	v8 =	vadd.s32 $0x2A, v25;
	v9 =	vor.u32 v26, v27;
	v10 =	vshrl.u32 v24, $0x3  }
0xf7: {  	v11 =	vshll.u32 v24, $0x1D;
	v23 =	vadd.s32 v23, v24;
	v9 =	vxor.u32 v9, v8  }
0xf8: {  	v10 =	vor.u32 v10, v11;
	v39 =	vshrl.u32 v9, $0x3;
	v40 =	vshll.u32 v9, $0x1D  }
0xf9: {  	v8 =	vadd.s32 v8, v9;
	v41 =	vxor.u32 v10, v23;
	v42 =	vor.u32 v39, v40  }
0xfa: {  	v43 =	vshrl.u32 v41, $0x10;
	v44 =	vshll.u32 v41, $0x10;
	v10 =	vxor.u32 v42, v8  }
0xfb: {  	v9 =	vadd.s32 v23, v41;
	v11 =	vor.u32 v43, v44;
	v8 =	vadd.s32 v8, v10  }
0xfc: {  	v45 =	vshrl.u32 v10, $0x10;
	v10 =	vshll.u32 v10, $0x10;
	v11 =	vxor.u32 v11, v9  }
0xfd: {  	v10 =	vor.u32 v45, v10;
	v46 =	vshrl.u32 v11, $0x8;
	v47 =	vshll.u32 v11, $0x18  }
0xfe: {  	v9 =	vadd.s32 v9, v11;
	v10 =	vxor.u32 v10, v8;
	v48 =	vor.u32 v46, v47  }
0xff: {  	v49 =	vshrl.u32 v10, $0x8;
	v50 =	vshll.u32 v10, $0x18;
	v11 =	vxor.u32 v48, v9  }
0x100: {  	v8 =	vadd.s32 v8, v10;
	v51 =	vor.u32 v49, v50;
	v11 =	vadd.s32 $0x2, v11  }
0x101: {  	v10 =	vxor.u32 v51, v8;
	v9 =	vadd.s32 v11, v9  }
0x102: {  	v52 =	vshrl.u32 v11, $0x13;
	v11 =	vshll.u32 v11, $0xD;
	v10 =	vadd.s32 $0x2, v10  }
0x103: {  	v9 =	vadd.s32 $0x1BD11BF0, v9;
	v11 =	vor.u32 v52, v11;
	v8 =	vadd.s32 v10, v8  }
0x104: {  	v53 =	vshrl.u32 v10, $0x13;
	v10 =	vshll.u32 v10, $0xD;
	v11 =	vxor.u32 v11, v9  }
0x105: {  	v8 =	vadd.s32 $0x1BD11BF0, v8;
	v10 =	vor.u32 v53, v10;
	v9 =	vadd.s32 v9, v11  }
0x106: {  	v54 =	vshrl.u32 v11, $0x11;
	v11 =	vshll.u32 v11, $0xF;
	v10 =	vxor.u32 v10, v8  }
0x107: {  	v11 =	vor.u32 v54, v11;
	v55 =	vshrl.u32 v10, $0x11;
	v56 =	vshll.u32 v10, $0xF  }
0x108: {  	v8 =	vadd.s32 v8, v10;
	v11 =	vxor.u32 v11, v9;
	v57 =	vor.u32 v55, v56  }
0x109: {  	v58 =	vshrl.u32 v11, $0x6;
	v59 =	vshll.u32 v11, $0x1A;
	v10 =	vxor.u32 v57, v8  }
0x10a: {  	v9 =	vadd.s32 v9, v11;
	v60 =	vor.u32 v58, v59;
	v8 =	vadd.s32 v8, v10  }
0x10b: {  	v61 =	vshrl.u32 v10, $0x6;
	v10 =	vshll.u32 v10, $0x1A;
	v11 =	vxor.u32 v60, v9  }
0x10c: {  	v10 =	vor.u32 v61, v10;
	v62 =	vshrl.u32 v11, $0x1A;
	v63 =	vshll.u32 v11, $0x6  }
0x10d: {  	v9 =	vadd.s32 v9, v11;
	v10 =	vxor.u32 v10, v8;
	v28 =	vor.u32 v62, v63  }
0x10e: {  	v29 =	vshrl.u32 v10, $0x1A;
	v30 =	vshll.u32 v10, $0x6;
	v11 =	vxor.u32 v28, v9  }
0x10f: {  	v8 =	vadd.s32 v8, v10;
	v31 =	vor.u32 v29, v30;
	v11 =	vadd.s32 $0x2D, v11  }
0x110: {  	v10 =	vxor.u32 v31, v8;
	v9 =	vadd.s32 v9, v11  }
0x111: {  	v32 =	vshrl.u32 v11, $0xF;
	v11 =	vshll.u32 v11, $0x11;
	v10 =	vadd.s32 $0x2D, v10  }
0x112: {  	v11 =	vor.u32 v32, v11;
	v33 =	vshrl.u32 v10, $0xF;
	v34 =	vshll.u32 v10, $0x11  }
0x113: {  	v8 =	vadd.s32 v8, v10;
	v11 =	vxor.u32 v11, v9;
	v35 =	vor.u32 v33, v34  }
0x114: {  	v36 =	vshrl.u32 v11, $0x3;
	v37 =	vshll.u32 v11, $0x1D;
	v10 =	vxor.u32 v35, v8  }
0x115: {  	v9 =	vadd.s32 v9, v11;
	v38 =	vor.u32 v36, v37;
	v8 =	vadd.s32 v8, v10  }
0x116: {  	v39 =	vshrl.u32 v10, $0x3;
	v10 =	vshll.u32 v10, $0x1D;
	v11 =	vxor.u32 v38, v9  }
0x117: {  	v10 =	vor.u32 v39, v10;
	v40 =	vshrl.u32 v11, $0x10;
	v41 =	vshll.u32 v11, $0x10  }
0x118: {  	v9 =	vadd.s32 v9, v11;
	v10 =	vxor.u32 v10, v8;
	v42 =	vor.u32 v40, v41  }
0x119: {  	v43 =	vshrl.u32 v10, $0x10;
	v44 =	vshll.u32 v10, $0x10;
	v11 =	vxor.u32 v42, v9  }
0x11a: {  	v8 =	vadd.s32 v8, v10;
	v45 =	vor.u32 v43, v44;
	v9 =	vadd.s32 v9, v11  }
0x11b: {  	v46 =	vshrl.u32 v11, $0x8;
	v11 =	vshll.u32 v11, $0x18;
	v10 =	vxor.u32 v45, v8  }
0x11c: {  	v11 =	vor.u32 v46, v11;
	v47 =	vshrl.u32 v10, $0x8;
	v48 =	vshll.u32 v10, $0x18  }
0x11d: {  	v8 =	vadd.s32 v8, v10;
	v11 =	vxor.u32 v11, v9;
	v49 =	vor.u32 v47, v48  }
0x11e: {  	v11 =	vadd.s32 $0x1BD11BF4, v11;
	v10 =	vxor.u32 v49, v8  }
0x11f: {  	v9 =	vadd.s32 v11, v9;
	v50 =	vshrl.u32 v11, $0x13;
	v11 =	vshll.u32 v11, $0xD  }
0x120: {  	v10 =	vadd.s32 $0x1BD11BF4, v10;
	v9 =	vadd.s32 $0x2A, v9;
	v11 =	vor.u32 v50, v11  }
0x121: {  	v8 =	vadd.s32 v10, v8;
	v51 =	vshrl.u32 v10, $0x13;
	v10 =	vshll.u32 v10, $0xD  }
0x122: {  	v11 =	vxor.u32 v11, v9;
	v8 =	vadd.s32 $0x2A, v8;
	v10 =	vor.u32 v51, v10  }
0x123: {  	v9 =	vadd.s32 v9, v11;
	v52 =	vshrl.u32 v11, $0x11;
	v10 =	vxor.u32 v10, v8  }
0x124: {  	v11 =	vshll.u32 v11, $0xF;
	v53 =	vshrl.u32 v10, $0x11;
	v54 =	vshll.u32 v10, $0xF  }
0x125: {  	v11 =	vor.u32 v52, v11;
	v8 =	vadd.s32 v8, v10;
	v55 =	vor.u32 v53, v54  }
0x126: {  	v11 =	vxor.u32 v11, v9;
	v10 =	vxor.u32 v55, v8  }
0x127: {  	v58 =	vshrl.u32 v11, $0x6;
	v56 =	vshrl.u32 v10, $0x6;
	v57 =	vshll.u32 v10, $0x1A  }
0x128: {  	v60 =	vshll.u32 v11, $0x1A;
	v8 =	vadd.s32 v8, v10;
	v59 =	vor.u32 v56, v57  }
0x129: {  	v9 =	vadd.s32 v9, v11;
	v61 =	vor.u32 v58, v60;
	v10 =	vxor.u32 v59, v8  }
0x12a: {  	v11 =	vxor.u32 v61, v9;
	v62 =	vshrl.u32 v10, $0x1A;
	v63 =	vshll.u32 v10, $0x6  }
0x12b: {  	v9 =	vadd.s32 v9, v11;
	v8 =	vadd.s32 v8, v10;
	v27 =	vor.u32 v62, v63  }
0x12c: {  	v28 =	vshrl.u32 v11, $0x1A;
	v11 =	vshll.u32 v11, $0x6;
	v10 =	vxor.u32 v27, v8  }
0x12d: {  	v11 =	vor.u32 v28, v11;
	v8 =	vadd.s32 $0x1BD11BF0, v8;
	v10 =	vadd.s32 $0x5, v10  }
0x12e: {  	v29 =	vxor.u32 v11, v9;
	v8 =	vxor.u32 v8, v10  }
0x12f: {  	v9 =	vadd.s32 $0x1BD11BF0, v9;
	v10 =	vadd.s32 $0x5, v29;
	v8 =	vshrl.u32 v8, $0x9  }
0x130: {  	v9 =	vxor.u32 v9, v10;
	v8 =	vor.u32 $0x3F800000, v8  }
0x131: {  	v9 =	vshrl.u32 v9, $0x9;
	v8 =	vadd.f32 $-1.000000000e+00, v8  }
0x132: {  	v9 =	vor.u32 $0x3F800000, v9  }
0x133: {  	v9 =	vadd.f32 $-1.000000000e+00, v9;
	v30 =	vand.u32 $0x7FFFFF, v8  }
0x134: {  	v31 =	vor.u32 $0x3F800000, v30  }
0x135: {  	v33 =	vand.u32 $0x7FFFFF, v9;
	v32 =	vmul.f32 $5.000000000e-01, v31  }
0x136: {  	vm2 =	vgt.u32 v30, $0x3504F2;
	v34 =	vor.u32 $0x3F800000, v33  }
0x137: {  	v35 =	vmul.f32 $5.000000000e-01, v34;
	v11 =	vsel vm2, v32, v31  }
0x138: {  	vm3 =	vgt.u32 v33, $0x3504F2;
	v36 =	vadd.f32 $1.000000000e+00, v11  }
0x139: {  	v10 =	vsel vm3, v35, v34  }
0x13a: {  	v23 =	vadd.f32 $1.000000000e+00, v10;
	(erf) = vrcp.f32 v36;
	_ =	sdelay $0x1  }
0x13b: {  	(erf) = vrcp.f32 v23;
	_ =	sdelay $0x5  }
0x13c: {  	v11 =	vadd.f32 $-1.000000000e+00, v11  }
0x13d: {  	v37 =	vpop (erf)  }
0x13e: {  	v10 =	vadd.f32 $-1.000000000e+00, v10;
	v11 =	vmul.f32 v37, v11  }
0x13f: {  	v22 =	vmul.f32 v22, v20;
	v21 =	vadd.f32 $4.000000060e-01, v21;
	v38 =	vpop (erf)  }
0x140: {  	v10 =	vmul.f32 v38, v10;
	v39 =	vmul.f32 v11, v11  }
0x141: {  	v22 =	vadd.f32 $4.000000060e-01, v22;
	v21 =	vmul.f32 v21, v19  }
0x142: {  	v41 =	vmul.f32 v10, v10;
	v40 =	vmul.f32 $2.222222240e-01, v39  }
0x143: {  	v15 =	vshrl.u32 v15, $0x17;
	v22 =	vmul.f32 v22, v20;
	v21 =	vadd.f32 $6.666666860e-01, v21  }
0x144: {  	v16 =	vshrl.u32 v16, $0x17;
	v43 =	vmul.f32 $2.222222240e-01, v41;
	v23 =	vadd.f32 $2.857142980e-01, v40  }
0x145: {  	v22 =	vadd.f32 $6.666666860e-01, v22;
	v42 =	vsel vm0, $0xFFFFFF82, v3;
	v44 =	vmul.f32 v21, v19  }
0x146: {  	v15 =	vadd.s32 v15, v42;
	v47 =	vadd.f32 $2.857142980e-01, v43;
	v46 =	vmul.f32 v23, v39  }
0x147: {  	v45 =	vmul.f32 v22, v20;
	v15 =	vcvt.s32.f32 v15;
	v19 =	vadd.f32 $2.000000000e+00, v44  }
0x148: {  	v48 =	vsel vm1, $0xFFFFFF82, v3;
	v22 =	vmul.f32 v47, v41;
	v21 =	vadd.f32 $4.000000060e-01, v46  }
0x149: {  	v15 =	vmul.f32 $6.931471820e-01, v15;
	v16 =	vadd.s32 v16, v48;
	v17 =	vmul.f32 v19, v17  }
0x14a: {  	v49 =	vadd.f32 $2.000000000e+00, v45;
	v51 =	vadd.f32 $4.000000060e-01, v22;
	v50 =	vmul.f32 v21, v39  }
0x14b: {  	s22 =	sshra.s32 s22, $0x2;
	v16 =	vcvt.s32.f32 v16;
	v15 =	vadd.f32 v17, v15  }
0x14c: {  	v18 =	vmul.f32 v49, v18;
	v52 =	vld [tilespmem:s22+$0x0];
	v54 =	vmul.f32 v51, v41;
	v53 =	vadd.f32 $6.666666860e-01, v50  }
0x14d: {  	v8 =	vshrl.u32 v8, $0x17;
	v9 =	vshrl.u32 v9, $0x17;
	v57 =	vsel vm2, $0xFFFFFF82, v3  }
0x14e: {  	v56 =	vld [tilespmem:s22+$0x10];
	v55 =	vsel vm3, $0xFFFFFF82, v3;
	v20 =	vadd.f32 $6.666666860e-01, v54;
	v19 =	vmul.f32 v53, v39  }
0x14f: {  	v16 =	vmul.f32 $6.931471820e-01, v16;
	v8 =	vadd.s32 v8, v57;
	v9 =	vadd.s32 v9, v55  }
0x150: {  	s21 =	sshra.s32 s21, $0x2;
	v8 =	vcvt.s32.f32 v8;
	v20 =	vmul.f32 v20, v41;
	v19 =	vadd.f32 $2.000000000e+00, v19  }
0x151: {  	v16 =	vadd.f32 v18, v16;
	v58 =	vld [tilespmem:s21+$0x0];
	v15 =	vmul.f32 v52, v15;
	v9 =	vcvt.s32.f32 v9  }
0x152: {  	v8 =	vmul.f32 $6.931471820e-01, v8;
	v59 =	vadd.f32 $2.000000000e+00, v20;
	v11 =	vmul.f32 v19, v11  }
0x153: {  	v60 =	vld [tilespmem:s21+$0x10];
	vm11 =	vgt.f32 v15, v13;
	v16 =	vmul.f32 v56, v16  }
0x154: {  	v9 =	vmul.f32 $6.931471820e-01, v9;
	v10 =	vmul.f32 v59, v10;
	v8 =	vadd.f32 v11, v8  }
0x155: {  	v61 =	vsel vm11, v15, v13  }
0x156: {  	vm12 =	vgt.f32 v16, v61;
	v9 =	vadd.f32 v10, v9;
	v8 =	vmul.f32 v58, v8  }
0x157: {  	v62 =	vsel vm12, v16, v61  }
0x158: {  	v9 =	vmul.f32 v60, v9;
	vm13 =	vgt.f32 v8, v62  }
0x159: {  	v8 =	vsel vm13, v8, v62  }
0x15a: {  	vm14 =	vgt.f32 v9, v8  }
0x15b: {  	v8 =	vsel vm14, v9, v8  }
0x15c: {  	(xrf0) =	vmax.scan.msk.f32 $0xffff, v8;
	_ =	sdelay $0x4  }
0x15d: {  	v6 =	vsel vm11, v6, v12  }
0x15e: {  	v5 =	vsel vm12, v5, v6;
	v63, _, _ =	vpop (xrf0)  }
0x15f: {  	v5 =	vsel vm13, v14, v5;
	v6 =	vbroadcast v63, $0xF  }
0x160: {  	v5 =	vsel vm14, v7, v5  }
0x161: {  	v5 =	vxor.u32 $0x80000000, v5;
	vm15 =	veq.f32 v8, v6  }
0x162: {  	v5 =	vnsel vm15, $0xFFFFFFFF, v5  }
0x163: {  	(xrf0) =	vmin.scan.msk.u32 $0xffff, v5;
	_ =	sdelay $0x5  }
0x164: {  	v5, _, _ =	vpop (xrf0)  }
0x165: {  	(v2sf) =	vpush v5, $0xF;
	_ =	sdelay $0xb  }
0x166: {  	s20 =	sadd.s32 $0x1, s20  }
0x167: {  	p0 =	sne.s32 s20, $0x600  }
.Ltmp2:
0x168: {  	_ = 	snop;
	(pc) =	sbr.rel @p0 .LBB2_5-.Ltmp2, $4  }
0x169: {  	s31 =	spop (v2sf)  }
0x16a: {  	s21 =	sxor.u32 $0x80000000, s31  }
0x16b: {  	[tilespmem:v4+s14+$0x0] =	vst.idx.msk $0x1, v6;
	v5 =	vmov s21  }
0x16c: {  	[tilespmem:v4+s15+$0x0] =	vst.idx.msk $0x1, v5  }
0x16d: {  	s19 =	sadd.s32 $0x1, s19  }
0x16e: {  	p0 =	sne.s32 s19, $0x1C  }
.Ltmp3:
0x16f: {  	_ = 	snop;
	(pc) =	sbr.rel @p0 .LBB2_4-.Ltmp3, $2  }
0x170: {  	_ =	sdelay $0x2  }
0x171: {  	s18 =	sadd.s32 $0x2000, s18  }
0x172: {  	[hbm4b:s7+s3] =	stream.linear.scatter [tilespmem:s14], [sflag:$0x1], $0x600, $0x38;
	[tilespmem:$0x3E00] =	vst v63  }
0x173: {  	s16 =	sadd.s32 $0x1, s16;
	_ =	swait.ge [sflag:s11], $0x600  }
0x174: {  	p0 =	sne.s32 s16, s9;
	[sflag:s11] =	ssyncset.done $0x0  }
.Ltmp4:
0x175: {  	[sflag:s11] =	ssyncadd.s32 $0xFFFFFA00;
	(pc) =	sbr.rel @p0 .LBB2_1-.Ltmp4, $4  }
0x176: {  	[hbm4b:s8+s3] =	stream.linear.scatter [tilespmem:s15], [sflag:$0x1], $0x600, $0x38;
	[tilespmem:$0x3E00] =	vst v63  }
0x177: {  	_ =	swait.ge [sflag:s11], $0x600  }
0x178: {  	[sflag:s11] =	ssyncset.done $0x0  }
0x179: {  	[sflag:s11] =	ssyncadd.s32 $0xFFFFFA00  }
0x17a: {  	_ =	sfence.sel $0x180000  }
0x17b: {  	[bflag:$0x0] =	sbarrier.arrive $0xFFFF  }
0x17c: {  	p0 =	sne.s32 s0, $0x0;
	_ =	strace $0x90000047  }
0x17d: {  	s0 =	sadd.s32 @!p0 $0x100000, s1;
	[bflag:$0x2] =	sbarrier.arrive $0xFFFF  }
0x17e: {  	[sflag:s0] =	ssyncadd.tile.s32 @!p0 $0x1;
	_ =	shalt  }
.Lfunc_end2:
_tile_overlayer_lowered:
.L_overlay_start_2:
0x17f: {  	(tag) =	ssettag $0x2  }
0x180: {  	s0 =	rddreg [dreg:$0x0];
	s2 =	stileid.u32  }
0x181: {  	s1 =	rddreg [dreg:$0x1];
	p0 =	sne.s32 s2, $0x0  }
0x182: {  	s3 =	rddreg [dreg:$0x2];
	[bflag:$0x3] =	sbarrier.arrive $0xFFFF;
	s2 =	simm.s32 @!p0 $0x1C01  }
0x183: {  	[timem:s3], [sflag:s2] =	dma.local @!p0 [hbm:s0], s1  }
0x184: {  	s0 =	simm.s32 @!p0 $0x1  }
0x185: {  	_ =	swait.ge @!p0 [sflag:s0], s1  }
0x186: {  	s1 =	ssub.s32 @!p0 $0x0, s1;
	[sflag:s0] =	ssyncset.done @!p0 $0x0  }
0x187: {  	[sflag:s0] =	ssyncadd.s32 @!p0 s1  }
0x188: {  	[bflag:$0x3] =	sbarrier.arrive $0xFFFF  }
0x189: {  	_ =	shalt  }

// kernel: kernel.9.cloned.1.call-start
scs
__scs_entry_jumppad:
0x0: {  	(pc) =	sbr.rel $0x88, $3  }
0x1: {  	(tag) =	ssettag $0x0;
	lr =	simm.s32 $0x1  }
0x2: {  	[smem:$0x3F9C] =	sst lr;
	_ =	strace $0xD0000000  }
0x3: {  	_ = 	snop  }
0x4: {  	_ = 	snop  }
0x5: {  	_ = 	snop  }
0x6: {  	_ = 	snop  }
0x7: {  	_ = 	snop  }
__scs_overlays_trampoline_lowered:
0x8: {  	[smem:$0x3FAB] =	sst s0  }
0x9: {  	[smem:$0x3FAC] =	sst s1  }
0xa: {  	[smem:$0x3FAD] =	sst s2  }
0xb: {  	[smem:$0x3FAE] =	sst s3  }
0xc: {  	[smem:$0x3FAF] =	sst s4  }
0xd: {  	[smem:$0x3FB0] =	sst s5  }
0xe: {  	[smem:$0x3FB1] =	sst s6  }
0xf: {  	[smem:$0x3FB2] =	sst s7  }
0x10: {  	[smem:$0x3FB3] =	sst s8  }
0x11: {  	[smem:$0x3FB4] =	sst s9;
	s0 =	simm.s32 @!p0 $0x0  }
0x12: {  	s1 =	sld [smem:$0x3F9A];
	s0 =	simm.s32 @p0 $0x1  }
0x13: {  	[smem:$0x3FB5] =	sst s0;
	s0 =	simm.s32 @!p1 $0x0  }
0x14: {  	s2 =	sld [smem:$0x3F99];
	s0 =	simm.s32 @p1 $0x1  }
0x15: {  	[smem:$0x3FB6] =	sst s0;
	s0 =	simm.s32 @!p2 $0x0  }
0x16: {  	s3 =	sld [smem:$0x3FDB];
	s0 =	simm.s32 @p2 $0x1  }
0x17: {  	s4 =	simm.s32 $0x1BF5;
	[smem:$0x3FB8] =	sst s0  }
0x18: {  	s0 =	sld [smem:$0x3F9B];
	_ =	swait.ge [sflag:s4], $0x0  }
0x19: {  	s7 =	sld [smem:$0x3F9C]  }
0x1a: {  	s8 =	sadd.s32 $0xFFFFE003, lr  }
0x1b: {  	s9 =	sadd.s32 $0xFFFFFEF7, lr;
	s5 =	simm.s32 $0xFFFFFFFF;
	p2 =	slt.u32 s8, $0xFFFFF086  }
0x1c: {  	p1 =	slt.u32 s9, $0xF7A;
	s5 =	simm.s32 @!p2 $0x0  }
0x1d: {  	s5 =	simm.s32 @p1 $0x1;
	p0 =	seq.s32 s7, s2  }
0x1e: {  	s7 =	smul.u32 @!p0 $0xF7A, s2;
	p2 =	seq.s32 @!p0 s5, $0x0  }
0x1f: {  	s9 =	smul.u32 $0xF7A, s1;
	s8 =	simm.s32 @!p0 $0x1BF5;
	p2 =	por !p2, p0  }
0x20: {  	[sflag:s8] =	ssyncset.s32 @!p0 $0xFFFFF086;
	s6 =	sadd.s32 @!p0 s3, s7;
	s7 =	simm.s32 @!p0 $0x108  }
0x21: {  	s3 =	sadd.s32 s3, s9;
	s6 =	sadd.s32 @!p0 $0x88, s6;
	s7 =	simm.s32 @p2 $0x1082  }
0x22: {  	[simem:s7], [sflag:s8] =	dma.local @!p0 [hbm:s6], $0xF7A  }
0x23: {  	s9 =	sor.u32 $0xD0000000, s2;
	s6 =	simm.s32 $0x108;
	_ =	swait.ge @!p0 [sflag:s8], $0x0  }
0x24: {  	s3 =	sadd.s32 $0x88, s3;
	s6 =	simm.s32 @!p1 $0x1082;
	[sflag:s4] =	ssyncset.s32 $0xFFFFF086  }
0x25: {  	[simem:s6], [sflag:s4] =	dma.local [hbm:s3], $0xF7A  }
0x26: {  	[smem:$0x3F9C] =	sst s1;
	(tag) =	ssettag s2;
	_ =	strace s9  }
0x27: {  	s1 =	sld [smem:$0x3FAC]  }
0x28: {  	s2 =	sld [smem:$0x3FAD]  }
0x29: {  	s4 =	sld [smem:$0x3FAF]  }
0x2a: {  	p0 =	seq.s32 s5, $0x0;
	s5 =	sld [smem:$0x3FB0]  }
0x2b: {  	s6 =	sld [smem:$0x3FB1]  }
0x2c: {  	s7 =	sld [smem:$0x3FB2]  }
0x2d: {  	s3 =	simm.s32 $0x108;
	s8 =	sld [smem:$0x3FB3]  }
0x2e: {  	s3 =	simm.s32 @!p0 $0x1082;
	s9 =	sld [smem:$0x3FB4]  }
0x2f: {  	lr =	sadd.s32 s0, s3;
	s0 =	sld [smem:$0x3FAB]  }
0x30: {  	s3 =	sld [smem:$0x3FAE]  }
0x31: {  	[smem:$0x3FB7] =	sst s10  }
0x32: {  	s10 =	sld [smem:$0x3FB5];
	_ =	sdelay $0x3  }
0x33: {  	p0 =	seq.s32 s10, $0x1;
	s10 =	sld [smem:$0x3FB7];
	_ =	sdelay $0x3  }
0x34: {  	[smem:$0x3FB7] =	sst s10  }
0x35: {  	s10 =	sld [smem:$0x3FB6];
	_ =	sdelay $0x3  }
0x36: {  	p1 =	seq.s32 s10, $0x1;
	s10 =	sld [smem:$0x3FB7];
	_ =	sdelay $0x3  }
0x37: {  	[smem:$0x3FB7] =	sst s10  }
0x38: {  	s10 =	sld [smem:$0x3FB8]  }
0x39: {  	_ = 	snop;
	(pc) =	sbr.ind lr, $3  }
0x3a: {  	_ = 	snop  }
0x3b: {  	_ = 	snop  }
0x3c: {  	p2 =	seq.s32 s10, $0x1;
	s10 =	sld [smem:$0x3FB7]  }
0x3d: {  	_ =	shalt  }
0x3e: {  	_ =	shalt  }
0x3f: {  	_ =	shalt  }
0x40: {  	_ =	shalt  }
0x41: {  	_ =	shalt  }
0x42: {  	_ =	shalt  }
0x43: {  	_ =	shalt  }
0x44: {  	_ =	shalt  }
0x45: {  	_ =	shalt  }
0x46: {  	_ =	shalt  }
0x47: {  	_ =	shalt  }
0x48: {  	_ =	shalt  }
0x49: {  	_ =	shalt  }
0x4a: {  	_ =	shalt  }
0x4b: {  	_ =	shalt  }
0x4c: {  	_ =	shalt  }
0x4d: {  	_ =	shalt  }
0x4e: {  	_ =	shalt  }
0x4f: {  	_ =	shalt  }
0x50: {  	_ =	shalt  }
0x51: {  	_ =	shalt  }
0x52: {  	_ =	shalt  }
0x53: {  	_ =	shalt  }
0x54: {  	_ =	shalt  }
0x55: {  	_ =	shalt  }
0x56: {  	_ =	shalt  }
0x57: {  	_ =	shalt  }
0x58: {  	_ =	shalt  }
0x59: {  	_ =	shalt  }
0x5a: {  	_ =	shalt  }
0x5b: {  	_ =	shalt  }
0x5c: {  	_ =	shalt  }
0x5d: {  	_ =	shalt  }
0x5e: {  	_ =	shalt  }
0x5f: {  	_ =	shalt  }
0x60: {  	_ =	shalt  }
0x61: {  	_ =	shalt  }
0x62: {  	_ =	shalt  }
0x63: {  	_ =	shalt  }
0x64: {  	_ =	shalt  }
0x65: {  	_ =	shalt  }
0x66: {  	_ =	shalt  }
0x67: {  	_ =	shalt  }
0x68: {  	_ =	shalt  }
0x69: {  	_ =	shalt  }
0x6a: {  	_ =	shalt  }
0x6b: {  	_ =	shalt  }
0x6c: {  	_ =	shalt  }
0x6d: {  	_ =	shalt  }
0x6e: {  	_ =	shalt  }
0x6f: {  	_ =	shalt  }
0x70: {  	_ =	shalt  }
0x71: {  	_ =	shalt  }
0x72: {  	_ =	shalt  }
0x73: {  	_ =	shalt  }
0x74: {  	_ =	shalt  }
0x75: {  	_ =	shalt  }
0x76: {  	_ =	shalt  }
0x77: {  	_ =	shalt  }
0x78: {  	_ =	shalt  }
0x79: {  	_ =	shalt  }
0x7a: {  	_ =	shalt  }
0x7b: {  	_ =	shalt  }
0x7c: {  	_ =	shalt  }
0x7d: {  	_ =	shalt  }
0x7e: {  	_ =	shalt  }
0x7f: {  	_ =	shalt  }
0x80: {  	_ =	shalt  }
0x81: {  	_ =	shalt  }
0x82: {  	_ =	shalt  }
0x83: {  	_ =	shalt  }
0x84: {  	_ =	shalt  }
0x85: {  	_ =	shalt  }
0x86: {  	_ =	shalt  }
0x87: {  	_ =	shalt  }
.Lfunc_end0:
.L_simem_size_0:
called_computation.1_lowered:
.L_overlay_start_0:
0x88: {  	s2 =	sld [smem:$0x3FD9]  }
0x89: {  	s3 =	sld [smem:$0x3FFE];
	_ =	sdelay $0x1  }
0x8a: {  	s1 =	srdreg.scid  }
0x8b: {  	s0 =	sand.u32 $0x1, s1  }
0x8c: {  	s15 =	sshll.u32 s0, $0xA;
	s2 =	sadd.s32 s3, s2  }
0x8d: {  	s2 =	sadd.s32 s2, s15  }
0x8e: {  	[smem:$0x3FC3] =	sst s2  }
0x8f: {  	_ = 	snop  }
0x90: {  	s4 =	sld [smem:$0x3FD0];
	_ =	sdelay $0x1  }
0x91: {  	s2 =	sld [smem:$0x3FC9]  }
0x92: {  	s5 =	simm.s32 $0xB;
	s6 =	simm.s32 $0x10;
	s16 =	sld [smem:$0x3FC8]  }
0x93: {  	[smem:s6], [sflag:s5] =	dma.local [hbm:s4], $0x1  }
0x94: {  	_ =	swait.eq [sflag:s5], $0x1  }
0x95: {  	[sflag:s5] =	ssyncset.done $0x0  }
0x96: {  	[sflag:s5] =	ssyncadd.s32 $0xFFFFFFFF  }
0x97: {  	s17 =	sld [smem:$0x11];
	(tm) =	ssettm $0x1  }
0x98: {  	s18 =	sld [smem:$0x3FFB];
	_ =	sdelay $0x3  }
0x99: {  	_ =	strace s18  }
0x9a: {  	s4 =	sld [smem:$0x3FFC];
	_ =	sdelay $0x3  }
0x9b: {  	_ =	strace s4  }
0x9c: {  	s4 =	sld [smem:$0x3FFD];
	_ =	sdelay $0x3  }
0x9d: {  	_ =	strace s4  }
0x9e: {  	_ =	strace $0x8FFFFFFF  }
0x9f: {  	s19 =	sld [smem:$0x3FDB];
	_ =	sdelay $0x1  }
0xa0: {  	s20 =	simm.s32 $_scs_section_size  }
0xa1: {  	s7 =	simm.s32 $_size__tile_overlayer_lowered;
	s8 =	simm.s32 $_tile_overlayer_lowered  }
0xa2: {  	s9 =	simm.s32 $0x1BFF;
	s21 =	sshll.u32 s8, $0x1;
	s6 =	sadd.s32 s20, s19  }
0xa3: {  	s22 =	simm.s32 $0x0;
	s7 =	sshll.u32 s7, $0x1;
	s8 =	sadd.s32 s21, s6  }
0xa4: {  	[timem:s22], [sflag:s9] =	dma.local [hbm:s8], s7  }
0xa5: {  	_ =	swait.ge [sflag:s9], s7  }
0xa6: {  	s7 =	ssub.s32 $0x0, s7;
	[sflag:s9] =	ssyncset.done $0x0  }
0xa7: {  	[sflag:s9] =	ssyncadd.s32 s7;
	_ =	sdelay $0x1  }
0xa8: {  	s23 =	simm.s32 $0x1B8B  }
0xa9: {  	_ =	swait.ge [sflag:s23], $0x1  }
0xaa: {  	[sflag:s23] =	ssyncset.done $0x0  }
0xab: {  	[sflag:s23] =	ssyncadd.s32 $0xFFFFFFFF  }
0xac: {  	s7 =	sld [smem:$0x0]  }
0xad: {  	s8 =	sand.u32 $0xFFFFFFFE, s1  }
0xae: {  	p0 =	sne.s32 s1, s8  }
0xaf: {  	s8 =	sshll.u32 @p0 s8, $0xE  }
0xb0: {  	s8 =	sadd.s32 @p0 $0x11B8D, s8;
	s9 =	sshll.u32 @p0 s7, $0x11  }
0xb1: {  	s8 =	sor.u32 @p0 s9, s8  }
0xb2: {  	[sflag:s8] =	ssyncadd.remote.s32 @p0 $0x1;
	_ =	sdelay $0x1  }
0xb3: {  	s8 =	simm.s32 @p0 $0x1B8D  }
0xb4: {  	_ =	swait.eq @p0 [sflag:s8], $0x1  }
0xb5: {  	[sflag:s8] =	ssyncadd.s32 @p0 $0xFFFFFFFF  }
0xb6: {  	s9 =	sshll.u32 @!p0 s1, $0xE  }
0xb7: {  	s9 =	sor.u32 @!p0 $0x4000, s9;
	s8 =	simm.s32 @!p0 $0x1B8D  }
0xb8: {  	s7 =	sshll.u32 @!p0 s7, $0x11;
	s9 =	sadd.s32 @!p0 $0x11B8D, s9;
	_ =	swait.eq @!p0 [sflag:s8], $0x1  }
0xb9: {  	s7 =	sor.u32 @!p0 s7, s9;
	[sflag:s8] =	ssyncadd.s32 @!p0 $0xFFFFFFFF  }
0xba: {  	s25 =	simm.s32 $0x1B8E;
	s24 =	sld [smem:$0x3FFE];
	[sflag:s7] =	ssyncadd.remote.s32 @!p0 $0x1  }
0xbb: {  	s26 =	simm.s32 $execute0_lowered;
	[smem:$0x3FD2] =	sst s25  }
0xbc: {  	s8 =	sshll.u32 s26, $0x1;
	_ =	strace $0x80000049;
	[dreg:$0x1] =	wrdreg $0xFFFFFFFF  }
0xbd: {  	s28 =	simm.s32 $_size_execute0_lowered;
	s6 =	sadd.s32 s6, s8;
	[dreg:$0x0] =	wrdreg $0x0  }
0xbe: {  	s8 =	sshll.u32 s28, $0x1;
	[dreg:$0x2] =	wrdreg s6  }
0xbf: {  	[dreg:$0x3] =	wrdreg s8  }
0xc0: {  	[dreg:$0x4] =	wrdreg $0xC0  }
0xc1: {  	_ =	task [dreg:s22], $0x5FFFF  }
0xc2: {  	[dreg:$0x1] =	wrdreg $0xFFFFFFFF  }
0xc3: {  	[dreg:$0x0] =	wrdreg $0x60  }
0xc4: {  	[dreg:$0x2] =	wrdreg s24  }
0xc5: {  	[dreg:$0x3] =	wrdreg s2  }
0xc6: {  	[dreg:$0x4] =	wrdreg s16  }
0xc7: {  	[dreg:$0x5] =	wrdreg s17  }
0xc8: {  	[dreg:$0x6] =	wrdreg $0x9  }
0xc9: {  	_ =	task.clear_ibuf [dreg:s22], $0x7FFFF;
	_ =	strace $0x90000049  }
0xca: {  	s29 =	simm.s32 $0x9;
	_ =	strace $0x8000004B  }
0xcb: {  	_ =	swait.ge [sflag:s29], $0x1  }
0xcc: {  	[sflag:s29] =	ssyncadd.s32 $0xFFFFFFFF  }
0xcd: {  	_ =	strace $0x9000004B  }
0xce: {  	_ =	sfence  }
0xcf: {  	s30 =	sld [smem:$0x0];
	_ =	sdelay $0x2  }
0xd0: {  	s31 =	sshll.u32 s1, $0xD;
	s1 =	sshrl.u32 s1, $0x2  }
0xd1: {  	s3 =	sand.u32 $0x4000, s31;
	s1 =	sadd.s32 s1, s30  }
0xd2: {  	s0 =	sor.u32 s3, s0;
	s1 =	sshll.u32 s1, $0x11  }
0xd3: {  	s0 =	sor.u32 s1, s0  }
0xd4: {  	s0 =	sadd.s32 $0x8F2B, s0  }
0xd5: {  	[sflag:s0] =	ssyncadd.remote.s32 $0x1  }
0xd6: {  	_ =	sfence.sel $0xFFFF  }
0xd7: {  	[dreg:$0x0] =	wrdreg $0xFFFFFFFF;
	(pc) =	sbr.abs _section_cstart, $3  }
0xd8: {  	[dreg:$0x1] =	wrdreg $0xFFFFFFFF  }
0xd9: {  	_ =	task.clear_ibuf [dreg:s22], $0x2FFFF;
	_ =	strace $0x9FFFFFFF  }
0xda: {  	(tm) =	ssettm $0x7FFFFFFF  }
0xdb: {  	_ =	shalt  }
tec
execute0_lowered:
.L_overlay_start_1:
0x0: {  	(tag) =	ssettag $0x1  }
0x1: {  	s11 =	rddreg [dreg:$0x0]  }
0x2: {  	s3 =	rddreg [dreg:$0x1];
	s1 =	srdreg.scid  }
0x3: {  	s9 =	rddreg [dreg:$0x2];
	s0 =	stileid.u32;
	s12 =	sand.u32 $0x1, s1  }
0x4: {  	s8 =	rddreg [dreg:$0x3];
	s4 =	sshll.u32 s0, $0xA;
	s5 =	sshll.u32 s12, $0x9  }
0x5: {  	s2 =	simm.s32 $0x0;
	s1 =	rddreg [dreg:$0x4];
	s10 =	sor.u32 s5, s4  }
0x6: {  	[smem:$0x7FF] =	sst s2;
	s13 =	sshrl.u32 s10, $0x3  }
0x7: {  	_ =	strace $0x8000004A;
	s4 =	sadd.s32 s3, s13;
	s3 =	simm.s32 $0x2  }
0x8: {  	[tilespmem:s2], [sflag:$0x2] =	stream.linear.gather [hbm4b:s4+s2], $0x200, $0x38;
	[tilespmem:$0x8200] =	vst v63  }
0x9: {  	_ =	swait.ge [sflag:s3], $0x200  }
0xa: {  	s6 =	simm.s32 $0x200;
	[sflag:s3] =	ssyncset.done $0x0  }
0xb: {  	s7 =	simm.s32 $0x1;
	s5 =	sadd.s32 $0xF4B200, s11;
	[sflag:s3] =	ssyncadd.s32 $0xFFFFFE00  }
0xc: {  	[tilespmem:s6], [sflag:$0x1] =	stream.indirect.gather [hbm4b:s5+s6], $0x40, s2, s6, $0xb8;
	[tilespmem:$0x8200] =	vst v63  }
0xd: {  	_ =	swait.ge [sflag:s7], $0x8000  }
0xe: {  	s14 =	sshll.u32 s10, $0x3;
	[sflag:s7] =	ssyncset.done $0x0  }
0xf: {  	s8 =	sadd.s32 s8, s14;
	[sflag:s7] =	ssyncadd.s32 $0xFFFF8000  }
0x10: {  	[hbm4b:s8+s2] =	stream.linear.scatter [tilespmem:s6], [sflag:$0x2], $0x8000, $0x38;
	[tilespmem:$0x8200] =	vst v63  }
0x11: {  	_ =	swait.ge [sflag:s3], $0x8000  }
0x12: {  	[sflag:s3] =	ssyncset.done $0x0  }
0x13: {  	s12 =	ssub.s32 $0x2, s12;
	s9 =	sadd.s32 s9, s13;
	[sflag:s3] =	ssyncadd.s32 $0xFFFF8000  }
0x14: {  	[tilespmem:s2], [sflag:$0x2] =	stream.linear.gather [hbm4b:s9+s2], $0x200, $0x38;
	[tilespmem:$0x8200] =	vst v63  }
0x15: {  	s31 =	sshrl.u32 s12, $0x1;
	_ =	swait.ge [sflag:s3], $0x200  }
0x16: {  	s12 =	ssub.s32 s12, s31;
	[sflag:s3] =	ssyncset.done $0x0  }
0x17: {  	s10 =	sadd.s32 $0x16EC400, s11;
	s12 =	smax.u32 s12, $0x1;
	[sflag:s3] =	ssyncadd.s32 $0xFFFFFE00  }
0x18: {  	[tilespmem:s6], [sflag:$0x1] =	stream.indirect.gather [hbm4b:s10+s6], $0x40, s2, s6, $0xb8;
	[tilespmem:$0x8200] =	vst v63  }
0x19: {  	p0 =	sne.s32 s12, $0x1;
	_ =	swait.ge [sflag:s7], $0x8000  }
.Ltmp0:
0x1a: {  	s11 =	sadd.s32 s14, s11;
	[sflag:s7] =	ssyncset.done $0x0;
	(pc) =	sbr.rel @!p0 .LBB2_2-.Ltmp0, $4  }
0x1b: {  	s11 =	sadd.s32 $0x8E00, s11;
	[sflag:s7] =	ssyncadd.s32 $0xFFFF8000  }
0x1c: {  	[hbm4b:s11+s2] =	stream.linear.scatter [tilespmem:s6], [sflag:$0x2], $0x8000, $0x38;
	[tilespmem:$0x8200] =	vst v63  }
0x1d: {  	_ =	swait.ge [sflag:s3], $0x8000  }
0x1e: {  	s12 =	sadd.s32 $0xFFFFFFFF, s12;
	[sflag:s3] =	ssyncset.done $0x0  }
.LBB2_1:
0x1f: {  	p0 =	sne.s32 s12, $0x1;
	s12 =	sadd.s32 $0xFFFFFFFF, s12;
	[sflag:s3] =	ssyncadd.s32 $0xFFFF8000  }
0x20: {  	[tilespmem:s2], [sflag:$0x2] =	stream.linear.gather [hbm4b:s4+s2], $0x200, $0x38;
	[tilespmem:$0x8200] =	vst v63  }
0x21: {  	_ =	swait.ge [sflag:s3], $0x200  }
0x22: {  	[sflag:s3] =	ssyncset.done $0x0  }
0x23: {  	[sflag:s3] =	ssyncadd.s32 $0xFFFFFE00  }
0x24: {  	[tilespmem:s6], [sflag:$0x1] =	stream.indirect.gather [hbm4b:s5+s6], $0x40, s2, s6, $0xb8;
	[tilespmem:$0x8200] =	vst v63  }
0x25: {  	_ =	swait.ge [sflag:s7], $0x8000  }
0x26: {  	[sflag:s7] =	ssyncset.done $0x0  }
0x27: {  	[sflag:s7] =	ssyncadd.s32 $0xFFFF8000  }
0x28: {  	[hbm4b:s8+s2] =	stream.linear.scatter [tilespmem:s6], [sflag:$0x2], $0x8000, $0x38;
	[tilespmem:$0x8200] =	vst v63  }
0x29: {  	_ =	swait.ge [sflag:s3], $0x8000  }
0x2a: {  	[sflag:s3] =	ssyncset.done $0x0  }
0x2b: {  	[sflag:s3] =	ssyncadd.s32 $0xFFFF8000  }
0x2c: {  	[tilespmem:s2], [sflag:$0x2] =	stream.linear.gather [hbm4b:s9+s2], $0x200, $0x38;
	[tilespmem:$0x8200] =	vst v63  }
0x2d: {  	_ =	swait.ge [sflag:s3], $0x200  }
0x2e: {  	[sflag:s3] =	ssyncset.done $0x0  }
0x2f: {  	[sflag:s3] =	ssyncadd.s32 $0xFFFFFE00  }
0x30: {  	[tilespmem:s6], [sflag:$0x1] =	stream.indirect.gather [hbm4b:s10+s6], $0x40, s2, s6, $0xb8;
	[tilespmem:$0x8200] =	vst v63  }
0x31: {  	_ =	swait.ge [sflag:s7], $0x8000  }
.Ltmp1:
0x32: {  	[sflag:s7] =	ssyncset.done $0x0;
	(pc) =	sbr.rel @p0 .LBB2_1-.Ltmp1, $4  }
0x33: {  	[sflag:s7] =	ssyncadd.s32 $0xFFFF8000  }
0x34: {  	[hbm4b:s11+s2] =	stream.linear.scatter [tilespmem:s6], [sflag:$0x2], $0x8000, $0x38;
	[tilespmem:$0x8200] =	vst v63  }
0x35: {  	_ =	swait.ge [sflag:s3], $0x8000  }
0x36: {  	[sflag:s3] =	ssyncset.done $0x0  }
.LBB2_2:
0x37: {  	[sflag:s3] =	ssyncadd.s32 $0xFFFF8000  }
0x38: {  	_ =	sfence.sel $0x180000  }
0x39: {  	[bflag:$0x0] =	sbarrier.arrive $0xFFFF  }
0x3a: {  	p0 =	sne.s32 s0, $0x0;
	_ =	strace $0x9000004A  }
0x3b: {  	s0 =	sadd.s32 @!p0 $0x100000, s1;
	[bflag:$0x2] =	sbarrier.arrive $0xFFFF  }
0x3c: {  	[sflag:s0] =	ssyncadd.tile.s32 @!p0 $0x1;
	_ =	shalt  }
.Lfunc_end2:
_tile_overlayer_lowered:
.L_overlay_start_2:
0x3d: {  	(tag) =	ssettag $0x2  }
0x3e: {  	s0 =	rddreg [dreg:$0x0];
	s2 =	stileid.u32  }
0x3f: {  	s1 =	rddreg [dreg:$0x1];
	p0 =	sne.s32 s2, $0x0  }
0x40: {  	s3 =	rddreg [dreg:$0x2];
	[bflag:$0x3] =	sbarrier.arrive $0xFFFF;
	s2 =	simm.s32 @!p0 $0x1C02  }
0x41: {  	[timem:s3], [sflag:s2] =	dma.local @!p0 [hbm:s0], s1  }
0x42: {  	s0 =	simm.s32 @!p0 $0x2  }
0x43: {  	_ =	swait.ge @!p0 [sflag:s0], s1  }
0x44: {  	s1 =	ssub.s32 @!p0 $0x0, s1;
	[sflag:s0] =	ssyncset.done @!p0 $0x0  }
0x45: {  	[sflag:s0] =	ssyncadd.s32 @!p0 s1  }
0x46: {  	[bflag:$0x3] =	sbarrier.arrive $0xFFFF  }
0x47: {  	_ =	shalt  }

</sc_bundles>
